<compile_context>
chip_gen: v7x
topology: tpu7x:2x2x1
jax: 0.10.2.dev20260603
libtpu: 0.0.44.dev20260713+nightly
codegen_flags: <defaults>
</compile_context>

<pallas_src>
import jax
import jax.numpy as jnp
from jax import lax
from jax.experimental import pallas as pl
from jax.experimental.pallas import tpu as pltpu
from jax.experimental.pallas import tpu_sc as plsc

N = 10000
NPAD = 10240
NNZ = 320000
D_IN = 128
D_HID = 128
D_OUT = 64
NC = 2
NS = 16
NW = NC * NS
PER_W = NNZ // NW
CHUNK = 125
NCHUNK = PER_W // CHUNK
NPH = 2
HCH = NCHUNK // NPH
RPS = NPAD // NS
CW = 8

_MESH = plsc.VectorSubcoreMesh(core_axis_name="c", subcore_axis_name="s")


def _sc_pass(table, src2, dst2, zeros_nd):
    D = table.shape[1]

    def body(table_ref, src_ref, dst_ref, zero_ref,
             out_ref, sidx, didx, rows0, rows1, acc, sem0, sem1, zsem):
        c = lax.axis_index("c")
        s = lax.axis_index("s")
        w = c * NS + s
        r0 = s * RPS
        zcp = pltpu.async_copy(zero_ref.at[pl.ds(r0, RPS)],
                               acc.at[pl.ds(r0, RPS)], zsem)
        zcp.wait()
        plsc.subcore_barrier()

        for p in range(NPH):
            base = w * NCHUNK + p * HCH
            pltpu.sync_copy(src_ref.at[pl.ds(base, HCH)], sidx)
            pltpu.sync_copy(dst_ref.at[pl.ds(base, HCH)], didx)
            pltpu.async_copy(table_ref.at[sidx.at[0]], rows0, sem0)

            @pl.loop(0, HCH // 2)
            def _(i):
                j0 = 2 * i
                pltpu.async_copy(table_ref.at[sidx.at[j0 + 1]], rows1, sem1)
                pltpu.make_async_copy(table_ref.at[sidx.at[j0]], rows0,
                                      sem0).wait()
                pltpu.sync_copy(rows0, acc.at[didx.at[j0]], add=True)

                @pl.when(j0 + 2 < HCH)
                def _():
                    pltpu.async_copy(table_ref.at[sidx.at[j0 + 2]], rows0, sem0)

                pltpu.make_async_copy(table_ref.at[sidx.at[j0 + 1]], rows1,
                                      sem1).wait()
                pltpu.sync_copy(rows1, acc.at[didx.at[j0 + 1]], add=True)

        plsc.subcore_barrier()
        sl = pl.ds(r0, RPS)
        pltpu.sync_copy(acc.at[sl], out_ref.at[c, sl])

    return pl.kernel(
        body,
        out_type=jax.ShapeDtypeStruct((NC, NPAD, D), jnp.float32),
        mesh=_MESH,
        compiler_params=(pltpu.CompilerParams(use_tc_tiling_on_sc=False)
                         if D % 128 else None),
        scratch_types=[
            pltpu.VMEM((HCH, CHUNK), jnp.int32),
            pltpu.VMEM((HCH, CHUNK), jnp.int32),
            pltpu.VMEM((CHUNK, D), jnp.float32),
            pltpu.VMEM((CHUNK, D), jnp.float32),
            pltpu.VMEM_SHARED((NPAD, D), jnp.float32),
            pltpu.SemaphoreType.DMA,
            pltpu.SemaphoreType.DMA,
            pltpu.SemaphoreType.DMA,
        ],
    )(table, src2, dst2, zeros_nd)


def _sc_counts(src2, dst2, ones_c, zeros_c):

    def body(src_ref, dst_ref, ones_ref, zc_ref,
             dcnt_ref, bcnt_ref, sidx, didx, ones_v, dacc, bacc):
        c = lax.axis_index("c")
        s = lax.axis_index("s")
        w = c * NS + s
        r0 = s * RPS
        pltpu.sync_copy(zc_ref.at[pl.ds(r0, RPS)], dacc.at[pl.ds(r0, RPS)])
        pltpu.sync_copy(zc_ref.at[pl.ds(r0, RPS)], bacc.at[pl.ds(r0, RPS)])
        pltpu.sync_copy(ones_ref, ones_v)
        pltpu.sync_copy(src_ref.at[pl.ds(w * NCHUNK, NCHUNK)], sidx)
        pltpu.sync_copy(dst_ref.at[pl.ds(w * NCHUNK, NCHUNK)], didx)
        plsc.subcore_barrier()

        @pl.loop(0, NCHUNK)
        def _(j):
            pltpu.sync_copy(ones_v, dacc.at[sidx.at[j]], add=True)
            pltpu.sync_copy(ones_v, bacc.at[didx.at[j]], add=True)

        plsc.subcore_barrier()
        sl = pl.ds(r0, RPS)
        pltpu.sync_copy(dacc.at[sl], dcnt_ref.at[c, sl])
        pltpu.sync_copy(bacc.at[sl], bcnt_ref.at[c, sl])

    return pl.kernel(
        body,
        out_type=(jax.ShapeDtypeStruct((NC, NPAD, CW), jnp.float32),
                  jax.ShapeDtypeStruct((NC, NPAD, CW), jnp.float32)),
        mesh=_MESH,
        compiler_params=pltpu.CompilerParams(use_tc_tiling_on_sc=False),
        scratch_types=[
            pltpu.VMEM((NCHUNK, CHUNK), jnp.int32),
            pltpu.VMEM((NCHUNK, CHUNK), jnp.int32),
            pltpu.VMEM((CHUNK, CW), jnp.float32),
            pltpu.VMEM_SHARED((NPAD, CW), jnp.float32),
            pltpu.VMEM_SHARED((NPAD, CW), jnp.float32),
        ],
    )(src2, dst2, ones_c, zeros_c)


def _inv_from(cnt_ref):
    cnt = cnt_ref[0, :, 0:1] + cnt_ref[1, :, 0:1]
    return jnp.where(cnt > 0, 1.0 / jnp.where(cnt > 0, cnt, 1.0), 0.0)


def _mm_body(x_ref, w_ref, o_ref):
    o_ref[...] = jnp.dot(x_ref[...], w_ref[...],
                         preferred_element_type=jnp.float32)


def _mm(x, wT):
    return pl.pallas_call(
        _mm_body,
        out_shape=jax.ShapeDtypeStruct((x.shape[0], wT.shape[1]), jnp.float32),
    )(x, wT)


def _combine_body(p_ref, cnt_ref, o_ref):
    o_ref[...] = (p_ref[0] + p_ref[1]) * _inv_from(cnt_ref)


def _combine(p, cnt):
    return pl.pallas_call(
        _combine_body,
        out_shape=jax.ShapeDtypeStruct(p.shape[1:], jnp.float32),
    )(p, cnt)


def _layer_body(p_ref, cnt_ref, b_ref, w_ref, h_ref, xw_ref):
    h = jnp.maximum((p_ref[0] + p_ref[1]) * _inv_from(cnt_ref) + b_ref[...],
                    0.0)[:N]
    h_ref[...] = h
    xw_ref[...] = jnp.dot(h, w_ref[...], preferred_element_type=jnp.float32)


def _layer(p, cnt, b, wT):
    d = p.shape[2]
    return pl.pallas_call(
        _layer_body,
        out_shape=(jax.ShapeDtypeStruct((N, d), jnp.float32),
                   jax.ShapeDtypeStruct((N, wT.shape[1]), jnp.float32)),
    )(p, cnt, b, wT)


def _final_body(p_ref, cnt_ref, b_ref, w_ref, bp_ref, h_ref, z_ref):
    h = jnp.maximum((p_ref[0] + p_ref[1]) * _inv_from(cnt_ref) + b_ref[...],
                    0.0)[:N]
    h_ref[...] = h
    z_ref[...] = jnp.dot(h, w_ref[...],
                         preferred_element_type=jnp.float32) + bp_ref[...]


def _final(p, cnt, b, wT, bp):
    d = p.shape[2]
    return pl.pallas_call(
        _final_body,
        out_shape=(jax.ShapeDtypeStruct((N, d), jnp.float32),
                   jax.ShapeDtypeStruct((N, wT.shape[1]), jnp.float32)),
    )(p, cnt, b, wT, bp)


def kernel(x, hyperedge_index, W1, b1, W2, b2, Wp, bp):
    node2 = hyperedge_index[0].reshape(NW * NCHUNK, CHUNK)
    edge2 = hyperedge_index[1].reshape(NW * NCHUNK, CHUNK)
    z128 = jnp.zeros((NPAD, D_HID), jnp.float32)
    z64 = jnp.zeros((NPAD, D_OUT), jnp.float32)
    zc = jnp.zeros((NPAD, CW), jnp.float32)
    ones_c = jnp.ones((CHUNK, CW), jnp.float32)

    dcnt, bcnt = _sc_counts(node2, edge2, ones_c, zc)
    xW1 = _mm(x, W1.T)
    e1p = _sc_pass(xW1, node2, edge2, z128)
    e1 = _combine(e1p, bcnt)
    h1p = _sc_pass(e1, edge2, node2, z128)
    h1f, xW2 = _layer(h1p, dcnt, b1.reshape(1, -1), W2.T)
    e2p = _sc_pass(xW2, node2, edge2, z64)
    e2 = _combine(e2p, bcnt)
    h2p = _sc_pass(e2, edge2, node2, z64)
    h2f, zf = _final(h2p, dcnt, b2.reshape(1, -1), Wp.T, bp.reshape(1, -1))
    return (zf, h1f, h2f)

# --- scband reference (transcript-rebuilt; emitter-appended) ---
"""Pipeline reference for scband-hgnnanomaly-detector-69990787055765 (READ-ONLY COPY).

The authoritative reference and input builder live on the scoring server;
editing this copy changes nothing except your own understanding.
"""

import jax, jax.numpy as jnp
import numpy as np

N_NODES = 10000
N_HYPEREDGES = 10000
NNZ = 320000
D_IN = 128
D_HID = 128
D_OUT = 64


def setup_inputs(seed: int = 0):
    key = jax.random.key(seed)
    ks = jax.random.split(key, 9)
    x = jax.random.normal(ks[0], (N_NODES, D_IN), dtype=jnp.float32)
    hyperedge_index = jax.random.randint(ks[1], (2, NNZ), 0, N_NODES, dtype=jnp.int32)
    W1 = jax.random.normal(ks[2], (D_HID, D_IN), dtype=jnp.float32) * (1.0 / np.sqrt(D_IN))
    b1 = jnp.zeros((D_HID,), dtype=jnp.float32)
    W2 = jax.random.normal(ks[3], (D_OUT, D_HID), dtype=jnp.float32) * (1.0 / np.sqrt(D_HID))
    b2 = jnp.zeros((D_OUT,), dtype=jnp.float32)
    Wp = jax.random.normal(ks[4], (D_OUT, D_OUT), dtype=jnp.float32) * (1.0 / np.sqrt(D_OUT))
    bp = jnp.zeros((D_OUT,), dtype=jnp.float32)
    return {"x": x, "hyperedge_index": hyperedge_index, "W1": W1, "b1": b1, "W2": W2, "b2": b2, "Wp": Wp, "bp": bp}


def _hypergraph_conv(x, hyperedge_index, W, b, num_nodes, num_edges):
    # PyG HypergraphConv: out = D^{-1} H W_e B^{-1} H^T (X Theta) + b, W_e = I
    x = x @ W.T
    node_idx = hyperedge_index[0]
    edge_idx = hyperedge_index[1]
    ones = jnp.ones((hyperedge_index.shape[1],), dtype=x.dtype)
    D = jax.ops.segment_sum(ones, node_idx, num_segments=num_nodes)
    D_inv = jnp.where(D > 0, 1.0 / jnp.where(D > 0, D, 1.0), 0.0)
    B = jax.ops.segment_sum(ones, edge_idx, num_segments=num_edges)
    B_inv = jnp.where(B > 0, 1.0 / jnp.where(B > 0, B, 1.0), 0.0)
    # node -> hyperedge aggregation (H^T X), normalized by B^{-1}
    e = jax.ops.segment_sum(jnp.take(x, node_idx, axis=0), edge_idx, num_segments=num_edges)
    e = e * B_inv[:, None]
    # hyperedge -> node aggregation (H e), normalized by D^{-1}
    out = jax.ops.segment_sum(jnp.take(e, edge_idx, axis=0), node_idx, num_segments=num_nodes)
    out = out * D_inv[:, None]
    return out + b


def reference(x, hyperedge_index, W1, b1, W2, b2, Wp, bp):
    h = _hypergraph_conv(x, hyperedge_index, W1, b1, N_NODES, N_HYPEREDGES)
    h = jax.nn.relu(h)
    features_1 = h
    h = _hypergraph_conv(h, hyperedge_index, W2, b2, N_NODES, N_HYPEREDGES)
    h = jax.nn.relu(h)
    features_2 = h
    z = h @ Wp.T + bp
    return (z, features_1, features_2)

if __name__ == "__main__":
    import jax
    _d = setup_inputs()
    print(jax.jit(kernel)(*tuple(_d.values())))

</pallas_src>

<mosaic_0001>
#map = affine_map<(d0, d1) -> (0, 0)>
#map1 = affine_map<(d0, d1) -> (0, 0, 0)>
module attributes {stable_mosaic.version = 14 : i64} {
  func.func @body(%arg0: i32, %arg1: i32, %arg2: memref<10240x128xf32, #tpu.memory_space<hbm>>, %arg3: memref<2560x125xi32, #tpu.memory_space<hbm>>, %arg4: memref<2560x125xi32, #tpu.memory_space<hbm>>, %arg5: memref<10240x128xf32, #tpu.memory_space<hbm>>, %arg6: memref<2x10240x128xf32, #tpu.memory_space<hbm>>, %arg7: memref<40x125xi32, #tpu.memory_space<vmem>>, %arg8: memref<40x125xi32, #tpu.memory_space<vmem>>, %arg9: memref<125x128xf32, #tpu.memory_space<vmem>>, %arg10: memref<125x128xf32, #tpu.memory_space<vmem>>, %arg11: memref<10240x128xf32, #tpu.memory_space<vmem_shared>>, %arg12: memref<!tpu.dma_semaphore, #tpu.memory_space<semaphore_mem>>, %arg13: memref<!tpu.dma_semaphore, #tpu.memory_space<semaphore_mem>>, %arg14: memref<!tpu.dma_semaphore, #tpu.memory_space<semaphore_mem>>) attributes {dimension_semantics = [#tpu.dimension_semantics<core_parallel>, #tpu.dimension_semantics<subcore_parallel>], iteration_bounds = array<i64: 2, 16>, scalar_prefetch = 0 : i64, scratch_operands = 8 : i64, tpu.core_type = #tpu.core_type<sc_vector_subcore>, window_params = [{transform_indices = #map}, {transform_indices = #map}, {transform_indices = #map}, {transform_indices = #map}, {transform_indices = #map1}]} {
    %mul3A = arith.constant 16 : i32
    %mul3A_0 = arith.muli %arg0, %mul3A : i32
    %add3A = arith.addi %mul3A_0, %arg1 : i32
    %mul3A_1 = arith.constant 640 : i32
    %mul3A_2 = arith.muli %arg1, %mul3A_1 : i32
    %dma_start3A = arith.constant 0 : i32
    %dma_start3A_3 = tpu.memref_slice %arg11[%mul3A_2, %dma_start3A] : memref<10240x128xf32, #tpu.memory_space<vmem_shared>> -> memref<640x128xf32, #tpu.memory_space<vmem_shared>>
    %dma_start3A_4 = arith.constant 0 : i32
    %dma_start3A_5 = tpu.memref_slice %arg5[%mul3A_2, %dma_start3A_4] : memref<10240x128xf32, #tpu.memory_space<hbm>> -> memref<640x128xf32, #tpu.memory_space<hbm>>
    tpu.enqueue_dma source(%dma_start3A_5 : memref<640x128xf32, #tpu.memory_space<hbm>>) target(%dma_start3A_3 : memref<640x128xf32, #tpu.memory_space<vmem_shared>>) target_semaphore(%arg14 : memref<!tpu.dma_semaphore, #tpu.memory_space<semaphore_mem>>)
    %dma_wait3A = arith.constant 0 : i32
    %dma_wait3A_6 = tpu.memref_slice %arg11[%mul3A_2, %dma_wait3A] : memref<10240x128xf32, #tpu.memory_space<vmem_shared>> -> memref<640x128xf32, #tpu.memory_space<vmem_shared>>
    %dma_wait3A_7 = arith.constant 0 : i32
    %dma_wait3A_8 = tpu.memref_slice %arg5[%mul3A_2, %dma_wait3A_7] : memref<10240x128xf32, #tpu.memory_space<hbm>> -> memref<640x128xf32, #tpu.memory_space<hbm>>
    tpu.wait_dma2 semaphore(%arg14 : memref<!tpu.dma_semaphore, #tpu.memory_space<semaphore_mem>>) src(%dma_wait3A_8 : memref<640x128xf32, #tpu.memory_space<hbm>>) dst(%dma_wait3A_6 : memref<640x128xf32, #tpu.memory_space<vmem_shared>>)
    %barrier3A = arith.constant 0 : index
    tpu.barrier barrier_id(%barrier3A)
    %mul3A_9 = arith.constant 80 : i32
    %mul3A_10 = arith.muli %add3A, %mul3A_9 : i32
    %add3A_11 = arith.constant 0 : i32
    %add3A_12 = arith.addi %mul3A_10, %add3A_11 : i32
    "tpu.region"() ({
      %run_scoped3A = tpu.sem_alloc : memref<!tpu.dma_semaphore, #tpu.memory_space<semaphore_mem>>
      %dma_start3A_41 = arith.constant 0 : i32
      %dma_start3A_42 = tpu.memref_slice %arg3[%add3A_12, %dma_start3A_41] : memref<2560x125xi32, #tpu.memory_space<hbm>> -> memref<40x125xi32, #tpu.memory_space<hbm>>
      %dma_start3A_43 = arith.constant 0 : i32
      %dma_start3A_44 = tpu.memref_slice %arg3[%add3A_12, %dma_start3A_43] : memref<2560x125xi32, #tpu.memory_space<hbm>> -> memref<40x125xi32, #tpu.memory_space<hbm>>
      tpu.enqueue_dma source(%dma_start3A_44 : memref<40x125xi32, #tpu.memory_space<hbm>>) target(%arg7 : memref<40x125xi32, #tpu.memory_space<vmem>>) target_semaphore(%run_scoped3A : memref<!tpu.dma_semaphore, #tpu.memory_space<semaphore_mem>>)
      %dma_wait3A_45 = arith.constant 0 : i32
      %dma_wait3A_46 = tpu.memref_slice %arg3[%add3A_12, %dma_wait3A_45] : memref<2560x125xi32, #tpu.memory_space<hbm>> -> memref<40x125xi32, #tpu.memory_space<hbm>>
      %dma_wait3A_47 = arith.constant 0 : i32
      %dma_wait3A_48 = tpu.memref_slice %arg3[%add3A_12, %dma_wait3A_47] : memref<2560x125xi32, #tpu.memory_space<hbm>> -> memref<40x125xi32, #tpu.memory_space<hbm>>
      tpu.wait_dma2 semaphore(%run_scoped3A : memref<!tpu.dma_semaphore, #tpu.memory_space<semaphore_mem>>) src(%dma_wait3A_48 : memref<40x125xi32, #tpu.memory_space<hbm>>) dst(%arg7 : memref<40x125xi32, #tpu.memory_space<vmem>>)
      tpu.yield
    }) : () -> ()
    "tpu.region"() ({
      %run_scoped3A = tpu.sem_alloc : memref<!tpu.dma_semaphore, #tpu.memory_space<semaphore_mem>>
      %dma_start3A_41 = arith.constant 0 : i32
      %dma_start3A_42 = tpu.memref_slice %arg4[%add3A_12, %dma_start3A_41] : memref<2560x125xi32, #tpu.memory_space<hbm>> -> memref<40x125xi32, #tpu.memory_space<hbm>>
      %dma_start3A_43 = arith.constant 0 : i32
      %dma_start3A_44 = tpu.memref_slice %arg4[%add3A_12, %dma_start3A_43] : memref<2560x125xi32, #tpu.memory_space<hbm>> -> memref<40x125xi32, #tpu.memory_space<hbm>>
      tpu.enqueue_dma source(%dma_start3A_44 : memref<40x125xi32, #tpu.memory_space<hbm>>) target(%arg8 : memref<40x125xi32, #tpu.memory_space<vmem>>) target_semaphore(%run_scoped3A : memref<!tpu.dma_semaphore, #tpu.memory_space<semaphore_mem>>)
      %dma_wait3A_45 = arith.constant 0 : i32
      %dma_wait3A_46 = tpu.memref_slice %arg4[%add3A_12, %dma_wait3A_45] : memref<2560x125xi32, #tpu.memory_space<hbm>> -> memref<40x125xi32, #tpu.memory_space<hbm>>
      %dma_wait3A_47 = arith.constant 0 : i32
      %dma_wait3A_48 = tpu.memref_slice %arg4[%add3A_12, %dma_wait3A_47] : memref<2560x125xi32, #tpu.memory_space<hbm>> -> memref<40x125xi32, #tpu.memory_space<hbm>>
      tpu.wait_dma2 semaphore(%run_scoped3A : memref<!tpu.dma_semaphore, #tpu.memory_space<semaphore_mem>>) src(%dma_wait3A_48 : memref<40x125xi32, #tpu.memory_space<hbm>>) dst(%arg8 : memref<40x125xi32, #tpu.memory_space<vmem>>)
      tpu.yield
    }) : () -> ()
    %dma_start3A_13 = arith.constant 0 : i32
    %dma_start3A_14 = arith.constant 0 : i32
    %dma_start3A_15 = tpu.memref_slice %arg7[%dma_start3A_13, %dma_start3A_14] : memref<40x125xi32, #tpu.memory_space<vmem>> -> memref<1x125xi32, #tpu.memory_space<vmem>>
    %dma_start3A_16 = tpu.memref_squeeze %dma_start3A_15 : memref<1x125xi32, #tpu.memory_space<vmem>> -> memref<125xi32, #tpu.memory_space<vmem>>
    %dma_start3A_17 = arith.constant 0 : i32
    %dma_start3A_18 = arith.constant 0 : i32
    %dma_start3A_19 = tpu.memref_slice %arg2[%dma_start3A_17, %dma_start3A_18] : memref<10240x128xf32, #tpu.memory_space<hbm>> -> memref<10240x128xf32, #tpu.memory_space<hbm>>
    tpu.enqueue_indirect_dma source(%dma_start3A_19 : memref<10240x128xf32, #tpu.memory_space<hbm>>) target(%arg9 : memref<125x128xf32, #tpu.memory_space<vmem>>) offsets(%dma_start3A_16 : memref<125xi32, #tpu.memory_space<vmem>>) semaphore(%arg12 : memref<!tpu.dma_semaphore, #tpu.memory_space<semaphore_mem>>)
    %scan3A = arith.constant 0 : i32
    %scan3A_20 = arith.constant 20 : i32
    %scan3A_21 = arith.addi %scan3A, %scan3A_20 : i32
    %scan3A_22 = arith.constant 1 : i32
    scf.for %scan3A_41 = %scan3A to %scan3A_21 step %scan3A_22  : i32 {
      %mul3A_42 = arith.constant 1 : i32
      %mul3A_43 = arith.muli %scan3A_41, %mul3A_42 : i32
      %add3A_44 = arith.constant 0 : i32
      %add3A_45 = arith.addi %add3A_44, %mul3A_43 : i32
      %mul3A_46 = arith.constant 2 : i32
      %mul3A_47 = arith.muli %mul3A_46, %add3A_45 : i32
      %add3A_48 = arith.constant 1 : i32
      %add3A_49 = arith.addi %mul3A_47, %add3A_48 : i32
      %dma_start3A_50 = arith.constant 0 : i32
      %dma_start3A_51 = tpu.memref_slice %arg7[%add3A_49, %dma_start3A_50] : memref<40x125xi32, #tpu.memory_space<vmem>> -> memref<1x125xi32, #tpu.memory_space<vmem>>
      %dma_start3A_52 = tpu.memref_squeeze %dma_start3A_51 : memref<1x125xi32, #tpu.memory_space<vmem>> -> memref<125xi32, #tpu.memory_space<vmem>>
      %dma_start3A_53 = arith.constant 0 : i32
      %dma_start3A_54 = arith.constant 0 : i32
      %dma_start3A_55 = tpu.memref_slice %arg2[%dma_start3A_53, %dma_start3A_54] : memref<10240x128xf32, #tpu.memory_space<hbm>> -> memref<10240x128xf32, #tpu.memory_space<hbm>>
      tpu.enqueue_indirect_dma source(%dma_start3A_55 : memref<10240x128xf32, #tpu.memory_space<hbm>>) target(%arg10 : memref<125x128xf32, #tpu.memory_space<vmem>>) offsets(%dma_start3A_52 : memref<125xi32, #tpu.memory_space<vmem>>) semaphore(%arg13 : memref<!tpu.dma_semaphore, #tpu.memory_space<semaphore_mem>>)
      %dma_wait3A_56 = arith.constant 0 : i32
      %dma_wait3A_57 = tpu.memref_slice %arg7[%mul3A_47, %dma_wait3A_56] : memref<40x125xi32, #tpu.memory_space<vmem>> -> memref<1x125xi32, #tpu.memory_space<vmem>>
      %dma_wait3A_58 = tpu.memref_squeeze %dma_wait3A_57 : memref<1x125xi32, #tpu.memory_space<vmem>> -> memref<125xi32, #tpu.memory_space<vmem>>
      %dma_wait3A_59 = arith.constant 0 : i32
      %dma_wait3A_60 = arith.constant 0 : i32
      %dma_wait3A_61 = tpu.memref_slice %arg2[%dma_wait3A_59, %dma_wait3A_60] : memref<10240x128xf32, #tpu.memory_space<hbm>> -> memref<10240x128xf32, #tpu.memory_space<hbm>>
      tpu.wait_indirect_dma semaphore(%arg12 : memref<!tpu.dma_semaphore, #tpu.memory_space<semaphore_mem>>) src(%dma_wait3A_61 : memref<10240x128xf32, #tpu.memory_space<hbm>>) dst(%arg9 : memref<125x128xf32, #tpu.memory_space<vmem>>)
      "tpu.region"() ({
        %run_scoped3A = tpu.sem_alloc : memref<!tpu.dma_semaphore, #tpu.memory_space<semaphore_mem>>
        %dma_start3A_76 = arith.constant 0 : i32
        %dma_start3A_77 = tpu.memref_slice %arg8[%mul3A_47, %dma_start3A_76] : memref<40x125xi32, #tpu.memory_space<vmem>> -> memref<1x125xi32, #tpu.memory_space<vmem>>
        %dma_start3A_78 = tpu.memref_squeeze %dma_start3A_77 : memref<1x125xi32, #tpu.memory_space<vmem>> -> memref<125xi32, #tpu.memory_space<vmem>>
        %dma_start3A_79 = arith.constant 0 : i32
        %dma_start3A_80 = arith.constant 0 : i32
        %dma_start3A_81 = tpu.memref_slice %arg11[%dma_start3A_79, %dma_start3A_80] : memref<10240x128xf32, #tpu.memory_space<vmem_shared>> -> memref<10240x128xf32, #tpu.memory_space<vmem_shared>>
        tpu.enqueue_indirect_dma source(%arg9 : memref<125x128xf32, #tpu.memory_space<vmem>>) target(%dma_start3A_81 : memref<10240x128xf32, #tpu.memory_space<vmem_shared>>) offsets(%dma_start3A_78 : memref<125xi32, #tpu.memory_space<vmem>>) semaphore(%run_scoped3A : memref<!tpu.dma_semaphore, #tpu.memory_space<semaphore_mem>>) {add = true}
        %dma_wait3A_82 = arith.constant 0 : i32
        %dma_wait3A_83 = tpu.memref_slice %arg8[%mul3A_47, %dma_wait3A_82] : memref<40x125xi32, #tpu.memory_space<vmem>> -> memref<1x125xi32, #tpu.memory_space<vmem>>
        %dma_wait3A_84 = tpu.memref_squeeze %dma_wait3A_83 : memref<1x125xi32, #tpu.memory_space<vmem>> -> memref<125xi32, #tpu.memory_space<vmem>>
        %dma_wait3A_85 = arith.constant 0 : i32
        %dma_wait3A_86 = arith.constant 0 : i32
        %dma_wait3A_87 = tpu.memref_slice %arg11[%dma_wait3A_85, %dma_wait3A_86] : memref<10240x128xf32, #tpu.memory_space<vmem_shared>> -> memref<10240x128xf32, #tpu.memory_space<vmem_shared>>
        tpu.wait_indirect_dma semaphore(%run_scoped3A : memref<!tpu.dma_semaphore, #tpu.memory_space<semaphore_mem>>) src(%arg9 : memref<125x128xf32, #tpu.memory_space<vmem>>) dst(%dma_wait3A_87 : memref<10240x128xf32, #tpu.memory_space<vmem_shared>>)
        tpu.yield
      }) : () -> ()
      %add3A_62 = arith.constant 2 : i32
      %add3A_63 = arith.addi %mul3A_47, %add3A_62 : i32
      %lt3A = arith.constant 40 : i32
      %lt3A_64 = arith.cmpi slt, %add3A_63, %lt3A : i32
      %convert_element_type3A = arith.extui %lt3A_64 : i1 to i32
      %cond3A = arith.constant 0 : i32
      %cond3A_65 = arith.cmpi ne, %convert_element_type3A, %cond3A : i32
      scf.if %cond3A_65 {
        %add3A_76 = arith.constant 2 : i32
        %add3A_77 = arith.addi %mul3A_47, %add3A_76 : i32
        %dma_start3A_78 = arith.constant 0 : i32
        %dma_start3A_79 = tpu.memref_slice %arg7[%add3A_77, %dma_start3A_78] : memref<40x125xi32, #tpu.memory_space<vmem>> -> memref<1x125xi32, #tpu.memory_space<vmem>>
        %dma_start3A_80 = tpu.memref_squeeze %dma_start3A_79 : memref<1x125xi32, #tpu.memory_space<vmem>> -> memref<125xi32, #tpu.memory_space<vmem>>
        %dma_start3A_81 = arith.constant 0 : i32
        %dma_start3A_82 = arith.constant 0 : i32
        %dma_start3A_83 = tpu.memref_slice %arg2[%dma_start3A_81, %dma_start3A_82] : memref<10240x128xf32, #tpu.memory_space<hbm>> -> memref<10240x128xf32, #tpu.memory_space<hbm>>
        tpu.enqueue_indirect_dma source(%dma_start3A_83 : memref<10240x128xf32, #tpu.memory_space<hbm>>) target(%arg9 : memref<125x128xf32, #tpu.memory_space<vmem>>) offsets(%dma_start3A_80 : memref<125xi32, #tpu.memory_space<vmem>>) semaphore(%arg12 : memref<!tpu.dma_semaphore, #tpu.memory_space<semaphore_mem>>)
      } else {
      }
      %add3A_66 = arith.constant 1 : i32
      %add3A_67 = arith.addi %mul3A_47, %add3A_66 : i32
      %dma_wait3A_68 = arith.constant 0 : i32
      %dma_wait3A_69 = tpu.memref_slice %arg7[%add3A_67, %dma_wait3A_68] : memref<40x125xi32, #tpu.memory_space<vmem>> -> memref<1x125xi32, #tpu.memory_space<vmem>>
      %dma_wait3A_70 = tpu.memref_squeeze %dma_wait3A_69 : memref<1x125xi32, #tpu.memory_space<vmem>> -> memref<125xi32, #tpu.memory_space<vmem>>
      %dma_wait3A_71 = arith.constant 0 : i32
      %dma_wait3A_72 = arith.constant 0 : i32
      %dma_wait3A_73 = tpu.memref_slice %arg2[%dma_wait3A_71, %dma_wait3A_72] : memref<10240x128xf32, #tpu.memory_space<hbm>> -> memref<10240x128xf32, #tpu.memory_space<hbm>>
      tpu.wait_indirect_dma semaphore(%arg13 : memref<!tpu.dma_semaphore, #tpu.memory_space<semaphore_mem>>) src(%dma_wait3A_73 : memref<10240x128xf32, #tpu.memory_space<hbm>>) dst(%arg10 : memref<125x128xf32, #tpu.memory_space<vmem>>)
      %add3A_74 = arith.constant 1 : i32
      %add3A_75 = arith.addi %mul3A_47, %add3A_74 : i32
      "tpu.region"() ({
        %run_scoped3A = tpu.sem_alloc : memref<!tpu.dma_semaphore, #tpu.memory_space<semaphore_mem>>
        %dma_start3A_76 = arith.constant 0 : i32
        %dma_start3A_77 = tpu.memref_slice %arg8[%add3A_75, %dma_start3A_76] : memref<40x125xi32, #tpu.memory_space<vmem>> -> memref<1x125xi32, #tpu.memory_space<vmem>>
        %dma_start3A_78 = tpu.memref_squeeze %dma_start3A_77 : memref<1x125xi32, #tpu.memory_space<vmem>> -> memref<125xi32, #tpu.memory_space<vmem>>
        %dma_start3A_79 = arith.constant 0 : i32
        %dma_start3A_80 = arith.constant 0 : i32
        %dma_start3A_81 = tpu.memref_slice %arg11[%dma_start3A_79, %dma_start3A_80] : memref<10240x128xf32, #tpu.memory_space<vmem_shared>> -> memref<10240x128xf32, #tpu.memory_space<vmem_shared>>
        tpu.enqueue_indirect_dma source(%arg10 : memref<125x128xf32, #tpu.memory_space<vmem>>) target(%dma_start3A_81 : memref<10240x128xf32, #tpu.memory_space<vmem_shared>>) offsets(%dma_start3A_78 : memref<125xi32, #tpu.memory_space<vmem>>) semaphore(%run_scoped3A : memref<!tpu.dma_semaphore, #tpu.memory_space<semaphore_mem>>) {add = true}
        %dma_wait3A_82 = arith.constant 0 : i32
        %dma_wait3A_83 = tpu.memref_slice %arg8[%add3A_75, %dma_wait3A_82] : memref<40x125xi32, #tpu.memory_space<vmem>> -> memref<1x125xi32, #tpu.memory_space<vmem>>
        %dma_wait3A_84 = tpu.memref_squeeze %dma_wait3A_83 : memref<1x125xi32, #tpu.memory_space<vmem>> -> memref<125xi32, #tpu.memory_space<vmem>>
        %dma_wait3A_85 = arith.constant 0 : i32
        %dma_wait3A_86 = arith.constant 0 : i32
        %dma_wait3A_87 = tpu.memref_slice %arg11[%dma_wait3A_85, %dma_wait3A_86] : memref<10240x128xf32, #tpu.memory_space<vmem_shared>> -> memref<10240x128xf32, #tpu.memory_space<vmem_shared>>
        tpu.wait_indirect_dma semaphore(%run_scoped3A : memref<!tpu.dma_semaphore, #tpu.memory_space<semaphore_mem>>) src(%arg10 : memref<125x128xf32, #tpu.memory_space<vmem>>) dst(%dma_wait3A_87 : memref<10240x128xf32, #tpu.memory_space<vmem_shared>>)
        tpu.yield
      }) : () -> ()
    }
    %scan3A_23 = arith.constant 20 : i32
    %mul3A_24 = arith.constant 80 : i32
    %mul3A_25 = arith.muli %add3A, %mul3A_24 : i32
    %add3A_26 = arith.constant 40 : i32
    %add3A_27 = arith.addi %mul3A_25, %add3A_26 : i32
    "tpu.region"() ({
      %run_scoped3A = tpu.sem_alloc : memref<!tpu.dma_semaphore, #tpu.memory_space<semaphore_mem>>
      %dma_start3A_41 = arith.constant 0 : i32
      %dma_start3A_42 = tpu.memref_slice %arg3[%add3A_27, %dma_start3A_41] : memref<2560x125xi32, #tpu.memory_space<hbm>> -> memref<40x125xi32, #tpu.memory_space<hbm>>
      %dma_start3A_43 = arith.constant 0 : i32
      %dma_start3A_44 = tpu.memref_slice %arg3[%add3A_27, %dma_start3A_43] : memref<2560x125xi32, #tpu.memory_space<hbm>> -> memref<40x125xi32, #tpu.memory_space<hbm>>
      tpu.enqueue_dma source(%dma_start3A_44 : memref<40x125xi32, #tpu.memory_space<hbm>>) target(%arg7 : memref<40x125xi32, #tpu.memory_space<vmem>>) target_semaphore(%run_scoped3A : memref<!tpu.dma_semaphore, #tpu.memory_space<semaphore_mem>>)
      %dma_wait3A_45 = arith.constant 0 : i32
      %dma_wait3A_46 = tpu.memref_slice %arg3[%add3A_27, %dma_wait3A_45] : memref<2560x125xi32, #tpu.memory_space<hbm>> -> memref<40x125xi32, #tpu.memory_space<hbm>>
      %dma_wait3A_47 = arith.constant 0 : i32
      %dma_wait3A_48 = tpu.memref_slice %arg3[%add3A_27, %dma_wait3A_47] : memref<2560x125xi32, #tpu.memory_space<hbm>> -> memref<40x125xi32, #tpu.memory_space<hbm>>
      tpu.wait_dma2 semaphore(%run_scoped3A : memref<!tpu.dma_semaphore, #tpu.memory_space<semaphore_mem>>) src(%dma_wait3A_48 : memref<40x125xi32, #tpu.memory_space<hbm>>) dst(%arg7 : memref<40x125xi32, #tpu.memory_space<vmem>>)
      tpu.yield
    }) : () -> ()
    "tpu.region"() ({
      %run_scoped3A = tpu.sem_alloc : memref<!tpu.dma_semaphore, #tpu.memory_space<semaphore_mem>>
      %dma_start3A_41 = arith.constant 0 : i32
      %dma_start3A_42 = tpu.memref_slice %arg4[%add3A_27, %dma_start3A_41] : memref<2560x125xi32, #tpu.memory_space<hbm>> -> memref<40x125xi32, #tpu.memory_space<hbm>>
      %dma_start3A_43 = arith.constant 0 : i32
      %dma_start3A_44 = tpu.memref_slice %arg4[%add3A_27, %dma_start3A_43] : memref<2560x125xi32, #tpu.memory_space<hbm>> -> memref<40x125xi32, #tpu.memory_space<hbm>>
      tpu.enqueue_dma source(%dma_start3A_44 : memref<40x125xi32, #tpu.memory_space<hbm>>) target(%arg8 : memref<40x125xi32, #tpu.memory_space<vmem>>) target_semaphore(%run_scoped3A : memref<!tpu.dma_semaphore, #tpu.memory_space<semaphore_mem>>)
      %dma_wait3A_45 = arith.constant 0 : i32
      %dma_wait3A_46 = tpu.memref_slice %arg4[%add3A_27, %dma_wait3A_45] : memref<2560x125xi32, #tpu.memory_space<hbm>> -> memref<40x125xi32, #tpu.memory_space<hbm>>
      %dma_wait3A_47 = arith.constant 0 : i32
      %dma_wait3A_48 = tpu.memref_slice %arg4[%add3A_27, %dma_wait3A_47] : memref<2560x125xi32, #tpu.memory_space<hbm>> -> memref<40x125xi32, #tpu.memory_space<hbm>>
      tpu.wait_dma2 semaphore(%run_scoped3A : memref<!tpu.dma_semaphore, #tpu.memory_space<semaphore_mem>>) src(%dma_wait3A_48 : memref<40x125xi32, #tpu.memory_space<hbm>>) dst(%arg8 : memref<40x125xi32, #tpu.memory_space<vmem>>)
      tpu.yield
    }) : () -> ()
    %dma_start3A_28 = arith.constant 0 : i32
    %dma_start3A_29 = arith.constant 0 : i32
    %dma_start3A_30 = tpu.memref_slice %arg7[%dma_start3A_28, %dma_start3A_29] : memref<40x125xi32, #tpu.memory_space<vmem>> -> memref<1x125xi32, #tpu.memory_space<vmem>>
    %dma_start3A_31 = tpu.memref_squeeze %dma_start3A_30 : memref<1x125xi32, #tpu.memory_space<vmem>> -> memref<125xi32, #tpu.memory_space<vmem>>
    %dma_start3A_32 = arith.constant 0 : i32
    %dma_start3A_33 = arith.constant 0 : i32
    %dma_start3A_34 = tpu.memref_slice %arg2[%dma_start3A_32, %dma_start3A_33] : memref<10240x128xf32, #tpu.memory_space<hbm>> -> memref<10240x128xf32, #tpu.memory_space<hbm>>
    tpu.enqueue_indirect_dma source(%dma_start3A_34 : memref<10240x128xf32, #tpu.memory_space<hbm>>) target(%arg9 : memref<125x128xf32, #tpu.memory_space<vmem>>) offsets(%dma_start3A_31 : memref<125xi32, #tpu.memory_space<vmem>>) semaphore(%arg12 : memref<!tpu.dma_semaphore, #tpu.memory_space<semaphore_mem>>)
    %scan3A_35 = arith.constant 0 : i32
    %scan3A_36 = arith.constant 20 : i32
    %scan3A_37 = arith.addi %scan3A_35, %scan3A_36 : i32
    %scan3A_38 = arith.constant 1 : i32
    scf.for %scan3A_41 = %scan3A_35 to %scan3A_37 step %scan3A_38  : i32 {
      %mul3A_42 = arith.constant 1 : i32
      %mul3A_43 = arith.muli %scan3A_41, %mul3A_42 : i32
      %add3A_44 = arith.constant 0 : i32
      %add3A_45 = arith.addi %add3A_44, %mul3A_43 : i32
      %mul3A_46 = arith.constant 2 : i32
      %mul3A_47 = arith.muli %mul3A_46, %add3A_45 : i32
      %add3A_48 = arith.constant 1 : i32
      %add3A_49 = arith.addi %mul3A_47, %add3A_48 : i32
      %dma_start3A_50 = arith.constant 0 : i32
      %dma_start3A_51 = tpu.memref_slice %arg7[%add3A_49, %dma_start3A_50] : memref<40x125xi32, #tpu.memory_space<vmem>> -> memref<1x125xi32, #tpu.memory_space<vmem>>
      %dma_start3A_52 = tpu.memref_squeeze %dma_start3A_51 : memref<1x125xi32, #tpu.memory_space<vmem>> -> memref<125xi32, #tpu.memory_space<vmem>>
      %dma_start3A_53 = arith.constant 0 : i32
      %dma_start3A_54 = arith.constant 0 : i32
      %dma_start3A_55 = tpu.memref_slice %arg2[%dma_start3A_53, %dma_start3A_54] : memref<10240x128xf32, #tpu.memory_space<hbm>> -> memref<10240x128xf32, #tpu.memory_space<hbm>>
      tpu.enqueue_indirect_dma source(%dma_start3A_55 : memref<10240x128xf32, #tpu.memory_space<hbm>>) target(%arg10 : memref<125x128xf32, #tpu.memory_space<vmem>>) offsets(%dma_start3A_52 : memref<125xi32, #tpu.memory_space<vmem>>) semaphore(%arg13 : memref<!tpu.dma_semaphore, #tpu.memory_space<semaphore_mem>>)
      %dma_wait3A_56 = arith.constant 0 : i32
      %dma_wait3A_57 = tpu.memref_slice %arg7[%mul3A_47, %dma_wait3A_56] : memref<40x125xi32, #tpu.memory_space<vmem>> -> memref<1x125xi32, #tpu.memory_space<vmem>>
      %dma_wait3A_58 = tpu.memref_squeeze %dma_wait3A_57 : memref<1x125xi32, #tpu.memory_space<vmem>> -> memref<125xi32, #tpu.memory_space<vmem>>
      %dma_wait3A_59 = arith.constant 0 : i32
      %dma_wait3A_60 = arith.constant 0 : i32
      %dma_wait3A_61 = tpu.memref_slice %arg2[%dma_wait3A_59, %dma_wait3A_60] : memref<10240x128xf32, #tpu.memory_space<hbm>> -> memref<10240x128xf32, #tpu.memory_space<hbm>>
      tpu.wait_indirect_dma semaphore(%arg12 : memref<!tpu.dma_semaphore, #tpu.memory_space<semaphore_mem>>) src(%dma_wait3A_61 : memref<10240x128xf32, #tpu.memory_space<hbm>>) dst(%arg9 : memref<125x128xf32, #tpu.memory_space<vmem>>)
      "tpu.region"() ({
        %run_scoped3A = tpu.sem_alloc : memref<!tpu.dma_semaphore, #tpu.memory_space<semaphore_mem>>
        %dma_start3A_76 = arith.constant 0 : i32
        %dma_start3A_77 = tpu.memref_slice %arg8[%mul3A_47, %dma_start3A_76] : memref<40x125xi32, #tpu.memory_space<vmem>> -> memref<1x125xi32, #tpu.memory_space<vmem>>
        %dma_start3A_78 = tpu.memref_squeeze %dma_start3A_77 : memref<1x125xi32, #tpu.memory_space<vmem>> -> memref<125xi32, #tpu.memory_space<vmem>>
        %dma_start3A_79 = arith.constant 0 : i32
        %dma_start3A_80 = arith.constant 0 : i32
        %dma_start3A_81 = tpu.memref_slice %arg11[%dma_start3A_79, %dma_start3A_80] : memref<10240x128xf32, #tpu.memory_space<vmem_shared>> -> memref<10240x128xf32, #tpu.memory_space<vmem_shared>>
        tpu.enqueue_indirect_dma source(%arg9 : memref<125x128xf32, #tpu.memory_space<vmem>>) target(%dma_start3A_81 : memref<10240x128xf32, #tpu.memory_space<vmem_shared>>) offsets(%dma_start3A_78 : memref<125xi32, #tpu.memory_space<vmem>>) semaphore(%run_scoped3A : memref<!tpu.dma_semaphore, #tpu.memory_space<semaphore_mem>>) {add = true}
        %dma_wait3A_82 = arith.constant 0 : i32
        %dma_wait3A_83 = tpu.memref_slice %arg8[%mul3A_47, %dma_wait3A_82] : memref<40x125xi32, #tpu.memory_space<vmem>> -> memref<1x125xi32, #tpu.memory_space<vmem>>
        %dma_wait3A_84 = tpu.memref_squeeze %dma_wait3A_83 : memref<1x125xi32, #tpu.memory_space<vmem>> -> memref<125xi32, #tpu.memory_space<vmem>>
        %dma_wait3A_85 = arith.constant 0 : i32
        %dma_wait3A_86 = arith.constant 0 : i32
        %dma_wait3A_87 = tpu.memref_slice %arg11[%dma_wait3A_85, %dma_wait3A_86] : memref<10240x128xf32, #tpu.memory_space<vmem_shared>> -> memref<10240x128xf32, #tpu.memory_space<vmem_shared>>
        tpu.wait_indirect_dma semaphore(%run_scoped3A : memref<!tpu.dma_semaphore, #tpu.memory_space<semaphore_mem>>) src(%arg9 : memref<125x128xf32, #tpu.memory_space<vmem>>) dst(%dma_wait3A_87 : memref<10240x128xf32, #tpu.memory_space<vmem_shared>>)
        tpu.yield
      }) : () -> ()
      %add3A_62 = arith.constant 2 : i32
      %add3A_63 = arith.addi %mul3A_47, %add3A_62 : i32
      %lt3A = arith.constant 40 : i32
      %lt3A_64 = arith.cmpi slt, %add3A_63, %lt3A : i32
      %convert_element_type3A = arith.extui %lt3A_64 : i1 to i32
      %cond3A = arith.constant 0 : i32
      %cond3A_65 = arith.cmpi ne, %convert_element_type3A, %cond3A : i32
      scf.if %cond3A_65 {
        %add3A_76 = arith.constant 2 : i32
        %add3A_77 = arith.addi %mul3A_47, %add3A_76 : i32
        %dma_start3A_78 = arith.constant 0 : i32
        %dma_start3A_79 = tpu.memref_slice %arg7[%add3A_77, %dma_start3A_78] : memref<40x125xi32, #tpu.memory_space<vmem>> -> memref<1x125xi32, #tpu.memory_space<vmem>>
        %dma_start3A_80 = tpu.memref_squeeze %dma_start3A_79 : memref<1x125xi32, #tpu.memory_space<vmem>> -> memref<125xi32, #tpu.memory_space<vmem>>
        %dma_start3A_81 = arith.constant 0 : i32
        %dma_start3A_82 = arith.constant 0 : i32
        %dma_start3A_83 = tpu.memref_slice %arg2[%dma_start3A_81, %dma_start3A_82] : memref<10240x128xf32, #tpu.memory_space<hbm>> -> memref<10240x128xf32, #tpu.memory_space<hbm>>
        tpu.enqueue_indirect_dma source(%dma_start3A_83 : memref<10240x128xf32, #tpu.memory_space<hbm>>) target(%arg9 : memref<125x128xf32, #tpu.memory_space<vmem>>) offsets(%dma_start3A_80 : memref<125xi32, #tpu.memory_space<vmem>>) semaphore(%arg12 : memref<!tpu.dma_semaphore, #tpu.memory_space<semaphore_mem>>)
      } else {
      }
      %add3A_66 = arith.constant 1 : i32
      %add3A_67 = arith.addi %mul3A_47, %add3A_66 : i32
      %dma_wait3A_68 = arith.constant 0 : i32
      %dma_wait3A_69 = tpu.memref_slice %arg7[%add3A_67, %dma_wait3A_68] : memref<40x125xi32, #tpu.memory_space<vmem>> -> memref<1x125xi32, #tpu.memory_space<vmem>>
      %dma_wait3A_70 = tpu.memref_squeeze %dma_wait3A_69 : memref<1x125xi32, #tpu.memory_space<vmem>> -> memref<125xi32, #tpu.memory_space<vmem>>
      %dma_wait3A_71 = arith.constant 0 : i32
      %dma_wait3A_72 = arith.constant 0 : i32
      %dma_wait3A_73 = tpu.memref_slice %arg2[%dma_wait3A_71, %dma_wait3A_72] : memref<10240x128xf32, #tpu.memory_space<hbm>> -> memref<10240x128xf32, #tpu.memory_space<hbm>>
      tpu.wait_indirect_dma semaphore(%arg13 : memref<!tpu.dma_semaphore, #tpu.memory_space<semaphore_mem>>) src(%dma_wait3A_73 : memref<10240x128xf32, #tpu.memory_space<hbm>>) dst(%arg10 : memref<125x128xf32, #tpu.memory_space<vmem>>)
      %add3A_74 = arith.constant 1 : i32
      %add3A_75 = arith.addi %mul3A_47, %add3A_74 : i32
      "tpu.region"() ({
        %run_scoped3A = tpu.sem_alloc : memref<!tpu.dma_semaphore, #tpu.memory_space<semaphore_mem>>
        %dma_start3A_76 = arith.constant 0 : i32
        %dma_start3A_77 = tpu.memref_slice %arg8[%add3A_75, %dma_start3A_76] : memref<40x125xi32, #tpu.memory_space<vmem>> -> memref<1x125xi32, #tpu.memory_space<vmem>>
        %dma_start3A_78 = tpu.memref_squeeze %dma_start3A_77 : memref<1x125xi32, #tpu.memory_space<vmem>> -> memref<125xi32, #tpu.memory_space<vmem>>
        %dma_start3A_79 = arith.constant 0 : i32
        %dma_start3A_80 = arith.constant 0 : i32
        %dma_start3A_81 = tpu.memref_slice %arg11[%dma_start3A_79, %dma_start3A_80] : memref<10240x128xf32, #tpu.memory_space<vmem_shared>> -> memref<10240x128xf32, #tpu.memory_space<vmem_shared>>
        tpu.enqueue_indirect_dma source(%arg10 : memref<125x128xf32, #tpu.memory_space<vmem>>) target(%dma_start3A_81 : memref<10240x128xf32, #tpu.memory_space<vmem_shared>>) offsets(%dma_start3A_78 : memref<125xi32, #tpu.memory_space<vmem>>) semaphore(%run_scoped3A : memref<!tpu.dma_semaphore, #tpu.memory_space<semaphore_mem>>) {add = true}
        %dma_wait3A_82 = arith.constant 0 : i32
        %dma_wait3A_83 = tpu.memref_slice %arg8[%add3A_75, %dma_wait3A_82] : memref<40x125xi32, #tpu.memory_space<vmem>> -> memref<1x125xi32, #tpu.memory_space<vmem>>
        %dma_wait3A_84 = tpu.memref_squeeze %dma_wait3A_83 : memref<1x125xi32, #tpu.memory_space<vmem>> -> memref<125xi32, #tpu.memory_space<vmem>>
        %dma_wait3A_85 = arith.constant 0 : i32
        %dma_wait3A_86 = arith.constant 0 : i32
        %dma_wait3A_87 = tpu.memref_slice %arg11[%dma_wait3A_85, %dma_wait3A_86] : memref<10240x128xf32, #tpu.memory_space<vmem_shared>> -> memref<10240x128xf32, #tpu.memory_space<vmem_shared>>
        tpu.wait_indirect_dma semaphore(%run_scoped3A : memref<!tpu.dma_semaphore, #tpu.memory_space<semaphore_mem>>) src(%arg10 : memref<125x128xf32, #tpu.memory_space<vmem>>) dst(%dma_wait3A_87 : memref<10240x128xf32, #tpu.memory_space<vmem_shared>>)
        tpu.yield
      }) : () -> ()
    }
    %scan3A_39 = arith.constant 20 : i32
    %barrier3A_40 = arith.constant 0 : index
    tpu.barrier barrier_id(%barrier3A_40)
    "tpu.region"() ({
      %run_scoped3A = tpu.sem_alloc : memref<!tpu.dma_semaphore, #tpu.memory_space<semaphore_mem>>
      %dma_start3A_41 = arith.constant 0 : i32
      %dma_start3A_42 = tpu.memref_slice %arg6[%arg0, %mul3A_2, %dma_start3A_41] : memref<2x10240x128xf32, #tpu.memory_space<hbm>> -> memref<1x640x128xf32, #tpu.memory_space<hbm>>
      %dma_start3A_43 = tpu.memref_squeeze %dma_start3A_42 : memref<1x640x128xf32, #tpu.memory_space<hbm>> -> memref<640x128xf32, #tpu.memory_space<hbm>>
      %dma_start3A_44 = arith.constant 0 : i32
      %dma_start3A_45 = tpu.memref_slice %arg11[%mul3A_2, %dma_start3A_44] : memref<10240x128xf32, #tpu.memory_space<vmem_shared>> -> memref<640x128xf32, #tpu.memory_space<vmem_shared>>
      tpu.enqueue_dma source(%dma_start3A_45 : memref<640x128xf32, #tpu.memory_space<vmem_shared>>) target(%dma_start3A_43 : memref<640x128xf32, #tpu.memory_space<hbm>>) target_semaphore(%run_scoped3A : memref<!tpu.dma_semaphore, #tpu.memory_space<semaphore_mem>>)
      %dma_wait3A_46 = arith.constant 0 : i32
      %dma_wait3A_47 = tpu.memref_slice %arg6[%arg0, %mul3A_2, %dma_wait3A_46] : memref<2x10240x128xf32, #tpu.memory_space<hbm>> -> memref<1x640x128xf32, #tpu.memory_space<hbm>>
      %dma_wait3A_48 = tpu.memref_squeeze %dma_wait3A_47 : memref<1x640x128xf32, #tpu.memory_space<hbm>> -> memref<640x128xf32, #tpu.memory_space<hbm>>
      %dma_wait3A_49 = arith.constant 0 : i32
      %dma_wait3A_50 = tpu.memref_slice %arg11[%mul3A_2, %dma_wait3A_49] : memref<10240x128xf32, #tpu.memory_space<vmem_shared>> -> memref<640x128xf32, #tpu.memory_space<vmem_shared>>
      tpu.wait_dma2 semaphore(%run_scoped3A : memref<!tpu.dma_semaphore, #tpu.memory_space<semaphore_mem>>) src(%dma_wait3A_50 : memref<640x128xf32, #tpu.memory_space<vmem_shared>>) dst(%dma_wait3A_48 : memref<640x128xf32, #tpu.memory_space<hbm>>)
      tpu.yield
    }) : () -> ()
    return
  }
}

#map = affine_map<(d0, d1) -> (0, 0)>
#map1 = affine_map<(d0, d1) -> (0, 0, 0)>
module attributes {stable_mosaic.version = 14 : i64} {
  func.func @body(%arg0: i32, %arg1: i32, %arg2: memref<2560x125xi32, #tpu.memory_space<hbm>>, %arg3: memref<2560x125xi32, #tpu.memory_space<hbm>>, %arg4: memref<125x8xf32, #tpu.memory_space<hbm>>, %arg5: memref<10240x8xf32, #tpu.memory_space<hbm>>, %arg6: memref<2x10240x8xf32, #tpu.memory_space<hbm>>, %arg7: memref<2x10240x8xf32, #tpu.memory_space<hbm>>, %arg8: memref<80x125xi32, #tpu.memory_space<vmem>>, %arg9: memref<80x125xi32, #tpu.memory_space<vmem>>, %arg10: memref<125x8xf32, #tpu.memory_space<vmem>>, %arg11: memref<10240x8xf32, #tpu.memory_space<vmem_shared>>, %arg12: memref<10240x8xf32, #tpu.memory_space<vmem_shared>>) attributes {dimension_semantics = [#tpu.dimension_semantics<core_parallel>, #tpu.dimension_semantics<subcore_parallel>], iteration_bounds = array<i64: 2, 16>, scalar_prefetch = 0 : i64, scratch_operands = 5 : i64, tpu.core_type = #tpu.core_type<sc_vector_subcore>, window_params = [{transform_indices = #map}, {transform_indices = #map}, {transform_indices = #map}, {transform_indices = #map}, {transform_indices = #map1}, {transform_indices = #map1}]} {
    %mul3A = arith.constant 16 : i32
    %mul3A_0 = arith.muli %arg0, %mul3A : i32
    %add3A = arith.addi %mul3A_0, %arg1 : i32
    %mul3A_1 = arith.constant 640 : i32
    %mul3A_2 = arith.muli %arg1, %mul3A_1 : i32
    "tpu.region"() ({
      %run_scoped3A = tpu.sem_alloc : memref<!tpu.dma_semaphore, #tpu.memory_space<semaphore_mem>>
      %dma_start3A = arith.constant 0 : i32
      %dma_start3A_12 = tpu.memref_slice %arg11[%mul3A_2, %dma_start3A] : memref<10240x8xf32, #tpu.memory_space<vmem_shared>> -> memref<640x8xf32, #tpu.memory_space<vmem_shared>>
      %dma_start3A_13 = arith.constant 0 : i32
      %dma_start3A_14 = tpu.memref_slice %arg5[%mul3A_2, %dma_start3A_13] : memref<10240x8xf32, #tpu.memory_space<hbm>> -> memref<640x8xf32, #tpu.memory_space<hbm>>
      tpu.enqueue_dma source(%dma_start3A_14 : memref<640x8xf32, #tpu.memory_space<hbm>>) target(%dma_start3A_12 : memref<640x8xf32, #tpu.memory_space<vmem_shared>>) target_semaphore(%run_scoped3A : memref<!tpu.dma_semaphore, #tpu.memory_space<semaphore_mem>>)
      %dma_wait3A = arith.constant 0 : i32
      %dma_wait3A_15 = tpu.memref_slice %arg11[%mul3A_2, %dma_wait3A] : memref<10240x8xf32, #tpu.memory_space<vmem_shared>> -> memref<640x8xf32, #tpu.memory_space<vmem_shared>>
      %dma_wait3A_16 = arith.constant 0 : i32
      %dma_wait3A_17 = tpu.memref_slice %arg5[%mul3A_2, %dma_wait3A_16] : memref<10240x8xf32, #tpu.memory_space<hbm>> -> memref<640x8xf32, #tpu.memory_space<hbm>>
      tpu.wait_dma2 semaphore(%run_scoped3A : memref<!tpu.dma_semaphore, #tpu.memory_space<semaphore_mem>>) src(%dma_wait3A_17 : memref<640x8xf32, #tpu.memory_space<hbm>>) dst(%dma_wait3A_15 : memref<640x8xf32, #tpu.memory_space<vmem_shared>>)
      tpu.yield
    }) : () -> ()
    "tpu.region"() ({
      %run_scoped3A = tpu.sem_alloc : memref<!tpu.dma_semaphore, #tpu.memory_space<semaphore_mem>>
      %dma_start3A = arith.constant 0 : i32
      %dma_start3A_12 = tpu.memref_slice %arg12[%mul3A_2, %dma_start3A] : memref<10240x8xf32, #tpu.memory_space<vmem_shared>> -> memref<640x8xf32, #tpu.memory_space<vmem_shared>>
      %dma_start3A_13 = arith.constant 0 : i32
      %dma_start3A_14 = tpu.memref_slice %arg5[%mul3A_2, %dma_start3A_13] : memref<10240x8xf32, #tpu.memory_space<hbm>> -> memref<640x8xf32, #tpu.memory_space<hbm>>
      tpu.enqueue_dma source(%dma_start3A_14 : memref<640x8xf32, #tpu.memory_space<hbm>>) target(%dma_start3A_12 : memref<640x8xf32, #tpu.memory_space<vmem_shared>>) target_semaphore(%run_scoped3A : memref<!tpu.dma_semaphore, #tpu.memory_space<semaphore_mem>>)
      %dma_wait3A = arith.constant 0 : i32
      %dma_wait3A_15 = tpu.memref_slice %arg12[%mul3A_2, %dma_wait3A] : memref<10240x8xf32, #tpu.memory_space<vmem_shared>> -> memref<640x8xf32, #tpu.memory_space<vmem_shared>>
      %dma_wait3A_16 = arith.constant 0 : i32
      %dma_wait3A_17 = tpu.memref_slice %arg5[%mul3A_2, %dma_wait3A_16] : memref<10240x8xf32, #tpu.memory_space<hbm>> -> memref<640x8xf32, #tpu.memory_space<hbm>>
      tpu.wait_dma2 semaphore(%run_scoped3A : memref<!tpu.dma_semaphore, #tpu.memory_space<semaphore_mem>>) src(%dma_wait3A_17 : memref<640x8xf32, #tpu.memory_space<hbm>>) dst(%dma_wait3A_15 : memref<640x8xf32, #tpu.memory_space<vmem_shared>>)
      tpu.yield
    }) : () -> ()
    "tpu.region"() ({
      %run_scoped3A = tpu.sem_alloc : memref<!tpu.dma_semaphore, #tpu.memory_space<semaphore_mem>>
      tpu.enqueue_dma source(%arg4 : memref<125x8xf32, #tpu.memory_space<hbm>>) target(%arg10 : memref<125x8xf32, #tpu.memory_space<vmem>>) target_semaphore(%run_scoped3A : memref<!tpu.dma_semaphore, #tpu.memory_space<semaphore_mem>>)
      tpu.wait_dma2 semaphore(%run_scoped3A : memref<!tpu.dma_semaphore, #tpu.memory_space<semaphore_mem>>) src(%arg4 : memref<125x8xf32, #tpu.memory_space<hbm>>) dst(%arg10 : memref<125x8xf32, #tpu.memory_space<vmem>>)
      tpu.yield
    }) : () -> ()
    %mul3A_3 = arith.constant 80 : i32
    %mul3A_4 = arith.muli %add3A, %mul3A_3 : i32
    "tpu.region"() ({
      %run_scoped3A = tpu.sem_alloc : memref<!tpu.dma_semaphore, #tpu.memory_space<semaphore_mem>>
      %dma_start3A = arith.constant 0 : i32
      %dma_start3A_12 = tpu.memref_slice %arg2[%mul3A_4, %dma_start3A] : memref<2560x125xi32, #tpu.memory_space<hbm>> -> memref<80x125xi32, #tpu.memory_space<hbm>>
      %dma_start3A_13 = arith.constant 0 : i32
      %dma_start3A_14 = tpu.memref_slice %arg2[%mul3A_4, %dma_start3A_13] : memref<2560x125xi32, #tpu.memory_space<hbm>> -> memref<80x125xi32, #tpu.memory_space<hbm>>
      tpu.enqueue_dma source(%dma_start3A_14 : memref<80x125xi32, #tpu.memory_space<hbm>>) target(%arg8 : memref<80x125xi32, #tpu.memory_space<vmem>>) target_semaphore(%run_scoped3A : memref<!tpu.dma_semaphore, #tpu.memory_space<semaphore_mem>>)
      %dma_wait3A = arith.constant 0 : i32
      %dma_wait3A_15 = tpu.memref_slice %arg2[%mul3A_4, %dma_wait3A] : memref<2560x125xi32, #tpu.memory_space<hbm>> -> memref<80x125xi32, #tpu.memory_space<hbm>>
      %dma_wait3A_16 = arith.constant 0 : i32
      %dma_wait3A_17 = tpu.memref_slice %arg2[%mul3A_4, %dma_wait3A_16] : memref<2560x125xi32, #tpu.memory_space<hbm>> -> memref<80x125xi32, #tpu.memory_space<hbm>>
      tpu.wait_dma2 semaphore(%run_scoped3A : memref<!tpu.dma_semaphore, #tpu.memory_space<semaphore_mem>>) src(%dma_wait3A_17 : memref<80x125xi32, #tpu.memory_space<hbm>>) dst(%arg8 : memref<80x125xi32, #tpu.memory_space<vmem>>)
      tpu.yield
    }) : () -> ()
    %mul3A_5 = arith.constant 80 : i32
    %mul3A_6 = arith.muli %add3A, %mul3A_5 : i32
    "tpu.region"() ({
      %run_scoped3A = tpu.sem_alloc : memref<!tpu.dma_semaphore, #tpu.memory_space<semaphore_mem>>
      %dma_start3A = arith.constant 0 : i32
      %dma_start3A_12 = tpu.memref_slice %arg3[%mul3A_6, %dma_start3A] : memref<2560x125xi32, #tpu.memory_space<hbm>> -> memref<80x125xi32, #tpu.memory_space<hbm>>
      %dma_start3A_13 = arith.constant 0 : i32
      %dma_start3A_14 = tpu.memref_slice %arg3[%mul3A_6, %dma_start3A_13] : memref<2560x125xi32, #tpu.memory_space<hbm>> -> memref<80x125xi32, #tpu.memory_space<hbm>>
      tpu.enqueue_dma source(%dma_start3A_14 : memref<80x125xi32, #tpu.memory_space<hbm>>) target(%arg9 : memref<80x125xi32, #tpu.memory_space<vmem>>) target_semaphore(%run_scoped3A : memref<!tpu.dma_semaphore, #tpu.memory_space<semaphore_mem>>)
      %dma_wait3A = arith.constant 0 : i32
      %dma_wait3A_15 = tpu.memref_slice %arg3[%mul3A_6, %dma_wait3A] : memref<2560x125xi32, #tpu.memory_space<hbm>> -> memref<80x125xi32, #tpu.memory_space<hbm>>
      %dma_wait3A_16 = arith.constant 0 : i32
      %dma_wait3A_17 = tpu.memref_slice %arg3[%mul3A_6, %dma_wait3A_16] : memref<2560x125xi32, #tpu.memory_space<hbm>> -> memref<80x125xi32, #tpu.memory_space<hbm>>
      tpu.wait_dma2 semaphore(%run_scoped3A : memref<!tpu.dma_semaphore, #tpu.memory_space<semaphore_mem>>) src(%dma_wait3A_17 : memref<80x125xi32, #tpu.memory_space<hbm>>) dst(%arg9 : memref<80x125xi32, #tpu.memory_space<vmem>>)
      tpu.yield
    }) : () -> ()
    %barrier3A = arith.constant 0 : index
    tpu.barrier barrier_id(%barrier3A)
    %scan3A = arith.constant 0 : i32
    %scan3A_7 = arith.constant 80 : i32
    %scan3A_8 = arith.addi %scan3A, %scan3A_7 : i32
    %scan3A_9 = arith.constant 1 : i32
    scf.for %scan3A_12 = %scan3A to %scan3A_8 step %scan3A_9  : i32 {
      %mul3A_13 = arith.constant 1 : i32
      %mul3A_14 = arith.muli %scan3A_12, %mul3A_13 : i32
      %add3A_15 = arith.constant 0 : i32
      %add3A_16 = arith.addi %add3A_15, %mul3A_14 : i32
      "tpu.region"() ({
        %run_scoped3A = tpu.sem_alloc : memref<!tpu.dma_semaphore, #tpu.memory_space<semaphore_mem>>
        %dma_start3A = arith.constant 0 : i32
        %dma_start3A_17 = tpu.memref_slice %arg8[%add3A_16, %dma_start3A] : memref<80x125xi32, #tpu.memory_space<vmem>> -> memref<1x125xi32, #tpu.memory_space<vmem>>
        %dma_start3A_18 = tpu.memref_squeeze %dma_start3A_17 : memref<1x125xi32, #tpu.memory_space<vmem>> -> memref<125xi32, #tpu.memory_space<vmem>>
        %dma_start3A_19 = arith.constant 0 : i32
        %dma_start3A_20 = arith.constant 0 : i32
        %dma_start3A_21 = tpu.memref_slice %arg11[%dma_start3A_19, %dma_start3A_20] : memref<10240x8xf32, #tpu.memory_space<vmem_shared>> -> memref<10240x8xf32, #tpu.memory_space<vmem_shared>>
        tpu.enqueue_indirect_dma source(%arg10 : memref<125x8xf32, #tpu.memory_space<vmem>>) target(%dma_start3A_21 : memref<10240x8xf32, #tpu.memory_space<vmem_shared>>) offsets(%dma_start3A_18 : memref<125xi32, #tpu.memory_space<vmem>>) semaphore(%run_scoped3A : memref<!tpu.dma_semaphore, #tpu.memory_space<semaphore_mem>>) {add = true}
        %dma_wait3A = arith.constant 0 : i32
        %dma_wait3A_22 = tpu.memref_slice %arg8[%add3A_16, %dma_wait3A] : memref<80x125xi32, #tpu.memory_space<vmem>> -> memref<1x125xi32, #tpu.memory_space<vmem>>
        %dma_wait3A_23 = tpu.memref_squeeze %dma_wait3A_22 : memref<1x125xi32, #tpu.memory_space<vmem>> -> memref<125xi32, #tpu.memory_space<vmem>>
        %dma_wait3A_24 = arith.constant 0 : i32
        %dma_wait3A_25 = arith.constant 0 : i32
        %dma_wait3A_26 = tpu.memref_slice %arg11[%dma_wait3A_24, %dma_wait3A_25] : memref<10240x8xf32, #tpu.memory_space<vmem_shared>> -> memref<10240x8xf32, #tpu.memory_space<vmem_shared>>
        tpu.wait_indirect_dma semaphore(%run_scoped3A : memref<!tpu.dma_semaphore, #tpu.memory_space<semaphore_mem>>) src(%arg10 : memref<125x8xf32, #tpu.memory_space<vmem>>) dst(%dma_wait3A_26 : memref<10240x8xf32, #tpu.memory_space<vmem_shared>>)
        tpu.yield
      }) : () -> ()
      "tpu.region"() ({
        %run_scoped3A = tpu.sem_alloc : memref<!tpu.dma_semaphore, #tpu.memory_space<semaphore_mem>>
        %dma_start3A = arith.constant 0 : i32
        %dma_start3A_17 = tpu.memref_slice %arg9[%add3A_16, %dma_start3A] : memref<80x125xi32, #tpu.memory_space<vmem>> -> memref<1x125xi32, #tpu.memory_space<vmem>>
        %dma_start3A_18 = tpu.memref_squeeze %dma_start3A_17 : memref<1x125xi32, #tpu.memory_space<vmem>> -> memref<125xi32, #tpu.memory_space<vmem>>
        %dma_start3A_19 = arith.constant 0 : i32
        %dma_start3A_20 = arith.constant 0 : i32
        %dma_start3A_21 = tpu.memref_slice %arg12[%dma_start3A_19, %dma_start3A_20] : memref<10240x8xf32, #tpu.memory_space<vmem_shared>> -> memref<10240x8xf32, #tpu.memory_space<vmem_shared>>
        tpu.enqueue_indirect_dma source(%arg10 : memref<125x8xf32, #tpu.memory_space<vmem>>) target(%dma_start3A_21 : memref<10240x8xf32, #tpu.memory_space<vmem_shared>>) offsets(%dma_start3A_18 : memref<125xi32, #tpu.memory_space<vmem>>) semaphore(%run_scoped3A : memref<!tpu.dma_semaphore, #tpu.memory_space<semaphore_mem>>) {add = true}
        %dma_wait3A = arith.constant 0 : i32
        %dma_wait3A_22 = tpu.memref_slice %arg9[%add3A_16, %dma_wait3A] : memref<80x125xi32, #tpu.memory_space<vmem>> -> memref<1x125xi32, #tpu.memory_space<vmem>>
        %dma_wait3A_23 = tpu.memref_squeeze %dma_wait3A_22 : memref<1x125xi32, #tpu.memory_space<vmem>> -> memref<125xi32, #tpu.memory_space<vmem>>
        %dma_wait3A_24 = arith.constant 0 : i32
        %dma_wait3A_25 = arith.constant 0 : i32
        %dma_wait3A_26 = tpu.memref_slice %arg12[%dma_wait3A_24, %dma_wait3A_25] : memref<10240x8xf32, #tpu.memory_space<vmem_shared>> -> memref<10240x8xf32, #tpu.memory_space<vmem_shared>>
        tpu.wait_indirect_dma semaphore(%run_scoped3A : memref<!tpu.dma_semaphore, #tpu.memory_space<semaphore_mem>>) src(%arg10 : memref<125x8xf32, #tpu.memory_space<vmem>>) dst(%dma_wait3A_26 : memref<10240x8xf32, #tpu.memory_space<vmem_shared>>)
        tpu.yield
      }) : () -> ()
    }
    %scan3A_10 = arith.constant 80 : i32
    %barrier3A_11 = arith.constant 0 : index
    tpu.barrier barrier_id(%barrier3A_11)
    "tpu.region"() ({
      %run_scoped3A = tpu.sem_alloc : memref<!tpu.dma_semaphore, #tpu.memory_space<semaphore_mem>>
      %dma_start3A = arith.constant 0 : i32
      %dma_start3A_12 = tpu.memref_slice %arg6[%arg0, %mul3A_2, %dma_start3A] : memref<2x10240x8xf32, #tpu.memory_space<hbm>> -> memref<1x640x8xf32, #tpu.memory_space<hbm>>
      %dma_start3A_13 = tpu.memref_squeeze %dma_start3A_12 : memref<1x640x8xf32, #tpu.memory_space<hbm>> -> memref<640x8xf32, #tpu.memory_space<hbm>>
      %dma_start3A_14 = arith.constant 0 : i32
      %dma_start3A_15 = tpu.memref_slice %arg11[%mul3A_2, %dma_start3A_14] : memref<10240x8xf32, #tpu.memory_space<vmem_shared>> -> memref<640x8xf32, #tpu.memory_space<vmem_shared>>
      tpu.enqueue_dma source(%dma_start3A_15 : memref<640x8xf32, #tpu.memory_space<vmem_shared>>) target(%dma_start3A_13 : memref<640x8xf32, #tpu.memory_space<hbm>>) target_semaphore(%run_scoped3A : memref<!tpu.dma_semaphore, #tpu.memory_space<semaphore_mem>>)
      %dma_wait3A = arith.constant 0 : i32
      %dma_wait3A_16 = tpu.memref_slice %arg6[%arg0, %mul3A_2, %dma_wait3A] : memref<2x10240x8xf32, #tpu.memory_space<hbm>> -> memref<1x640x8xf32, #tpu.memory_space<hbm>>
      %dma_wait3A_17 = tpu.memref_squeeze %dma_wait3A_16 : memref<1x640x8xf32, #tpu.memory_space<hbm>> -> memref<640x8xf32, #tpu.memory_space<hbm>>
      %dma_wait3A_18 = arith.constant 0 : i32
      %dma_wait3A_19 = tpu.memref_slice %arg11[%mul3A_2, %dma_wait3A_18] : memref<10240x8xf32, #tpu.memory_space<vmem_shared>> -> memref<640x8xf32, #tpu.memory_space<vmem_shared>>
      tpu.wait_dma2 semaphore(%run_scoped3A : memref<!tpu.dma_semaphore, #tpu.memory_space<semaphore_mem>>) src(%dma_wait3A_19 : memref<640x8xf32, #tpu.memory_space<vmem_shared>>) dst(%dma_wait3A_17 : memref<640x8xf32, #tpu.memory_space<hbm>>)
      tpu.yield
    }) : () -> ()
    "tpu.region"() ({
      %run_scoped3A = tpu.sem_alloc : memref<!tpu.dma_semaphore, #tpu.memory_space<semaphore_mem>>
      %dma_start3A = arith.constant 0 : i32
      %dma_start3A_12 = tpu.memref_slice %arg7[%arg0, %mul3A_2, %dma_start3A] : memref<2x10240x8xf32, #tpu.memory_space<hbm>> -> memref<1x640x8xf32, #tpu.memory_space<hbm>>
      %dma_start3A_13 = tpu.memref_squeeze %dma_start3A_12 : memref<1x640x8xf32, #tpu.memory_space<hbm>> -> memref<640x8xf32, #tpu.memory_space<hbm>>
      %dma_start3A_14 = arith.constant 0 : i32
      %dma_start3A_15 = tpu.memref_slice %arg12[%mul3A_2, %dma_start3A_14] : memref<10240x8xf32, #tpu.memory_space<vmem_shared>> -> memref<640x8xf32, #tpu.memory_space<vmem_shared>>
      tpu.enqueue_dma source(%dma_start3A_15 : memref<640x8xf32, #tpu.memory_space<vmem_shared>>) target(%dma_start3A_13 : memref<640x8xf32, #tpu.memory_space<hbm>>) target_semaphore(%run_scoped3A : memref<!tpu.dma_semaphore, #tpu.memory_space<semaphore_mem>>)
      %dma_wait3A = arith.constant 0 : i32
      %dma_wait3A_16 = tpu.memref_slice %arg7[%arg0, %mul3A_2, %dma_wait3A] : memref<2x10240x8xf32, #tpu.memory_space<hbm>> -> memref<1x640x8xf32, #tpu.memory_space<hbm>>
      %dma_wait3A_17 = tpu.memref_squeeze %dma_wait3A_16 : memref<1x640x8xf32, #tpu.memory_space<hbm>> -> memref<640x8xf32, #tpu.memory_space<hbm>>
      %dma_wait3A_18 = arith.constant 0 : i32
      %dma_wait3A_19 = tpu.memref_slice %arg12[%mul3A_2, %dma_wait3A_18] : memref<10240x8xf32, #tpu.memory_space<vmem_shared>> -> memref<640x8xf32, #tpu.memory_space<vmem_shared>>
      tpu.wait_dma2 semaphore(%run_scoped3A : memref<!tpu.dma_semaphore, #tpu.memory_space<semaphore_mem>>) src(%dma_wait3A_19 : memref<640x8xf32, #tpu.memory_space<vmem_shared>>) dst(%dma_wait3A_17 : memref<640x8xf32, #tpu.memory_space<hbm>>)
      tpu.yield
    }) : () -> ()
    return
  }
}

#map = affine_map<(d0, d1) -> (0, 0)>
#map1 = affine_map<(d0, d1) -> (0, 0, 0)>
module attributes {stable_mosaic.version = 14 : i64} {
  func.func @body(%arg0: i32, %arg1: i32, %arg2: memref<10000x64xf32, #tpu.memory_space<hbm>>, %arg3: memref<2560x125xi32, #tpu.memory_space<hbm>>, %arg4: memref<2560x125xi32, #tpu.memory_space<hbm>>, %arg5: memref<10240x64xf32, #tpu.memory_space<hbm>>, %arg6: memref<2x10240x64xf32, #tpu.memory_space<hbm>>, %arg7: memref<40x125xi32, #tpu.memory_space<vmem>>, %arg8: memref<40x125xi32, #tpu.memory_space<vmem>>, %arg9: memref<125x64xf32, #tpu.memory_space<vmem>>, %arg10: memref<125x64xf32, #tpu.memory_space<vmem>>, %arg11: memref<10240x64xf32, #tpu.memory_space<vmem_shared>>, %arg12: memref<!tpu.dma_semaphore, #tpu.memory_space<semaphore_mem>>, %arg13: memref<!tpu.dma_semaphore, #tpu.memory_space<semaphore_mem>>, %arg14: memref<!tpu.dma_semaphore, #tpu.memory_space<semaphore_mem>>) attributes {dimension_semantics = [#tpu.dimension_semantics<core_parallel>, #tpu.dimension_semantics<subcore_parallel>], iteration_bounds = array<i64: 2, 16>, scalar_prefetch = 0 : i64, scratch_operands = 8 : i64, tpu.core_type = #tpu.core_type<sc_vector_subcore>, window_params = [{transform_indices = #map}, {transform_indices = #map}, {transform_indices = #map}, {transform_indices = #map}, {transform_indices = #map1}]} {
    %mul3A = arith.constant 16 : i32
    %mul3A_0 = arith.muli %arg0, %mul3A : i32
    %add3A = arith.addi %mul3A_0, %arg1 : i32
    %mul3A_1 = arith.constant 640 : i32
    %mul3A_2 = arith.muli %arg1, %mul3A_1 : i32
    %dma_start3A = arith.constant 0 : i32
    %dma_start3A_3 = tpu.memref_slice %arg11[%mul3A_2, %dma_start3A] : memref<10240x64xf32, #tpu.memory_space<vmem_shared>> -> memref<640x64xf32, #tpu.memory_space<vmem_shared>>
    %dma_start3A_4 = arith.constant 0 : i32
    %dma_start3A_5 = tpu.memref_slice %arg5[%mul3A_2, %dma_start3A_4] : memref<10240x64xf32, #tpu.memory_space<hbm>> -> memref<640x64xf32, #tpu.memory_space<hbm>>
    tpu.enqueue_dma source(%dma_start3A_5 : memref<640x64xf32, #tpu.memory_space<hbm>>) target(%dma_start3A_3 : memref<640x64xf32, #tpu.memory_space<vmem_shared>>) target_semaphore(%arg14 : memref<!tpu.dma_semaphore, #tpu.memory_space<semaphore_mem>>)
    %dma_wait3A = arith.constant 0 : i32
    %dma_wait3A_6 = tpu.memref_slice %arg11[%mul3A_2, %dma_wait3A] : memref<10240x64xf32, #tpu.memory_space<vmem_shared>> -> memref<640x64xf32, #tpu.memory_space<vmem_shared>>
    %dma_wait3A_7 = arith.constant 0 : i32
    %dma_wait3A_8 = tpu.memref_slice %arg5[%mul3A_2, %dma_wait3A_7] : memref<10240x64xf32, #tpu.memory_space<hbm>> -> memref<640x64xf32, #tpu.memory_space<hbm>>
    tpu.wait_dma2 semaphore(%arg14 : memref<!tpu.dma_semaphore, #tpu.memory_space<semaphore_mem>>) src(%dma_wait3A_8 : memref<640x64xf32, #tpu.memory_space<hbm>>) dst(%dma_wait3A_6 : memref<640x64xf32, #tpu.memory_space<vmem_shared>>)
    %barrier3A = arith.constant 0 : index
    tpu.barrier barrier_id(%barrier3A)
    %mul3A_9 = arith.constant 80 : i32
    %mul3A_10 = arith.muli %add3A, %mul3A_9 : i32
    %add3A_11 = arith.constant 0 : i32
    %add3A_12 = arith.addi %mul3A_10, %add3A_11 : i32
    "tpu.region"() ({
      %run_scoped3A = tpu.sem_alloc : memref<!tpu.dma_semaphore, #tpu.memory_space<semaphore_mem>>
      %dma_start3A_41 = arith.constant 0 : i32
      %dma_start3A_42 = tpu.memref_slice %arg3[%add3A_12, %dma_start3A_41] : memref<2560x125xi32, #tpu.memory_space<hbm>> -> memref<40x125xi32, #tpu.memory_space<hbm>>
      %dma_start3A_43 = arith.constant 0 : i32
      %dma_start3A_44 = tpu.memref_slice %arg3[%add3A_12, %dma_start3A_43] : memref<2560x125xi32, #tpu.memory_space<hbm>> -> memref<40x125xi32, #tpu.memory_space<hbm>>
      tpu.enqueue_dma source(%dma_start3A_44 : memref<40x125xi32, #tpu.memory_space<hbm>>) target(%arg7 : memref<40x125xi32, #tpu.memory_space<vmem>>) target_semaphore(%run_scoped3A : memref<!tpu.dma_semaphore, #tpu.memory_space<semaphore_mem>>)
      %dma_wait3A_45 = arith.constant 0 : i32
      %dma_wait3A_46 = tpu.memref_slice %arg3[%add3A_12, %dma_wait3A_45] : memref<2560x125xi32, #tpu.memory_space<hbm>> -> memref<40x125xi32, #tpu.memory_space<hbm>>
      %dma_wait3A_47 = arith.constant 0 : i32
      %dma_wait3A_48 = tpu.memref_slice %arg3[%add3A_12, %dma_wait3A_47] : memref<2560x125xi32, #tpu.memory_space<hbm>> -> memref<40x125xi32, #tpu.memory_space<hbm>>
      tpu.wait_dma2 semaphore(%run_scoped3A : memref<!tpu.dma_semaphore, #tpu.memory_space<semaphore_mem>>) src(%dma_wait3A_48 : memref<40x125xi32, #tpu.memory_space<hbm>>) dst(%arg7 : memref<40x125xi32, #tpu.memory_space<vmem>>)
      tpu.yield
    }) : () -> ()
    "tpu.region"() ({
      %run_scoped3A = tpu.sem_alloc : memref<!tpu.dma_semaphore, #tpu.memory_space<semaphore_mem>>
      %dma_start3A_41 = arith.constant 0 : i32
      %dma_start3A_42 = tpu.memref_slice %arg4[%add3A_12, %dma_start3A_41] : memref<2560x125xi32, #tpu.memory_space<hbm>> -> memref<40x125xi32, #tpu.memory_space<hbm>>
      %dma_start3A_43 = arith.constant 0 : i32
      %dma_start3A_44 = tpu.memref_slice %arg4[%add3A_12, %dma_start3A_43] : memref<2560x125xi32, #tpu.memory_space<hbm>> -> memref<40x125xi32, #tpu.memory_space<hbm>>
      tpu.enqueue_dma source(%dma_start3A_44 : memref<40x125xi32, #tpu.memory_space<hbm>>) target(%arg8 : memref<40x125xi32, #tpu.memory_space<vmem>>) target_semaphore(%run_scoped3A : memref<!tpu.dma_semaphore, #tpu.memory_space<semaphore_mem>>)
      %dma_wait3A_45 = arith.constant 0 : i32
      %dma_wait3A_46 = tpu.memref_slice %arg4[%add3A_12, %dma_wait3A_45] : memref<2560x125xi32, #tpu.memory_space<hbm>> -> memref<40x125xi32, #tpu.memory_space<hbm>>
      %dma_wait3A_47 = arith.constant 0 : i32
      %dma_wait3A_48 = tpu.memref_slice %arg4[%add3A_12, %dma_wait3A_47] : memref<2560x125xi32, #tpu.memory_space<hbm>> -> memref<40x125xi32, #tpu.memory_space<hbm>>
      tpu.wait_dma2 semaphore(%run_scoped3A : memref<!tpu.dma_semaphore, #tpu.memory_space<semaphore_mem>>) src(%dma_wait3A_48 : memref<40x125xi32, #tpu.memory_space<hbm>>) dst(%arg8 : memref<40x125xi32, #tpu.memory_space<vmem>>)
      tpu.yield
    }) : () -> ()
    %dma_start3A_13 = arith.constant 0 : i32
    %dma_start3A_14 = arith.constant 0 : i32
    %dma_start3A_15 = tpu.memref_slice %arg7[%dma_start3A_13, %dma_start3A_14] : memref<40x125xi32, #tpu.memory_space<vmem>> -> memref<1x125xi32, #tpu.memory_space<vmem>>
    %dma_start3A_16 = tpu.memref_squeeze %dma_start3A_15 : memref<1x125xi32, #tpu.memory_space<vmem>> -> memref<125xi32, #tpu.memory_space<vmem>>
    %dma_start3A_17 = arith.constant 0 : i32
    %dma_start3A_18 = arith.constant 0 : i32
    %dma_start3A_19 = tpu.memref_slice %arg2[%dma_start3A_17, %dma_start3A_18] : memref<10000x64xf32, #tpu.memory_space<hbm>> -> memref<10000x64xf32, #tpu.memory_space<hbm>>
    tpu.enqueue_indirect_dma source(%dma_start3A_19 : memref<10000x64xf32, #tpu.memory_space<hbm>>) target(%arg9 : memref<125x64xf32, #tpu.memory_space<vmem>>) offsets(%dma_start3A_16 : memref<125xi32, #tpu.memory_space<vmem>>) semaphore(%arg12 : memref<!tpu.dma_semaphore, #tpu.memory_space<semaphore_mem>>)
    %scan3A = arith.constant 0 : i32
    %scan3A_20 = arith.constant 20 : i32
    %scan3A_21 = arith.addi %scan3A, %scan3A_20 : i32
    %scan3A_22 = arith.constant 1 : i32
    scf.for %scan3A_41 = %scan3A to %scan3A_21 step %scan3A_22  : i32 {
      %mul3A_42 = arith.constant 1 : i32
      %mul3A_43 = arith.muli %scan3A_41, %mul3A_42 : i32
      %add3A_44 = arith.constant 0 : i32
      %add3A_45 = arith.addi %add3A_44, %mul3A_43 : i32
      %mul3A_46 = arith.constant 2 : i32
      %mul3A_47 = arith.muli %mul3A_46, %add3A_45 : i32
      %add3A_48 = arith.constant 1 : i32
      %add3A_49 = arith.addi %mul3A_47, %add3A_48 : i32
      %dma_start3A_50 = arith.constant 0 : i32
      %dma_start3A_51 = tpu.memref_slice %arg7[%add3A_49, %dma_start3A_50] : memref<40x125xi32, #tpu.memory_space<vmem>> -> memref<1x125xi32, #tpu.memory_space<vmem>>
      %dma_start3A_52 = tpu.memref_squeeze %dma_start3A_51 : memref<1x125xi32, #tpu.memory_space<vmem>> -> memref<125xi32, #tpu.memory_space<vmem>>
      %dma_start3A_53 = arith.constant 0 : i32
      %dma_start3A_54 = arith.constant 0 : i32
      %dma_start3A_55 = tpu.memref_slice %arg2[%dma_start3A_53, %dma_start3A_54] : memref<10000x64xf32, #tpu.memory_space<hbm>> -> memref<10000x64xf32, #tpu.memory_space<hbm>>
      tpu.enqueue_indirect_dma source(%dma_start3A_55 : memref<10000x64xf32, #tpu.memory_space<hbm>>) target(%arg10 : memref<125x64xf32, #tpu.memory_space<vmem>>) offsets(%dma_start3A_52 : memref<125xi32, #tpu.memory_space<vmem>>) semaphore(%arg13 : memref<!tpu.dma_semaphore, #tpu.memory_space<semaphore_mem>>)
      %dma_wait3A_56 = arith.constant 0 : i32
      %dma_wait3A_57 = tpu.memref_slice %arg7[%mul3A_47, %dma_wait3A_56] : memref<40x125xi32, #tpu.memory_space<vmem>> -> memref<1x125xi32, #tpu.memory_space<vmem>>
      %dma_wait3A_58 = tpu.memref_squeeze %dma_wait3A_57 : memref<1x125xi32, #tpu.memory_space<vmem>> -> memref<125xi32, #tpu.memory_space<vmem>>
      %dma_wait3A_59 = arith.constant 0 : i32
      %dma_wait3A_60 = arith.constant 0 : i32
      %dma_wait3A_61 = tpu.memref_slice %arg2[%dma_wait3A_59, %dma_wait3A_60] : memref<10000x64xf32, #tpu.memory_space<hbm>> -> memref<10000x64xf32, #tpu.memory_space<hbm>>
      tpu.wait_indirect_dma semaphore(%arg12 : memref<!tpu.dma_semaphore, #tpu.memory_space<semaphore_mem>>) src(%dma_wait3A_61 : memref<10000x64xf32, #tpu.memory_space<hbm>>) dst(%arg9 : memref<125x64xf32, #tpu.memory_space<vmem>>)
      "tpu.region"() ({
        %run_scoped3A = tpu.sem_alloc : memref<!tpu.dma_semaphore, #tpu.memory_space<semaphore_mem>>
        %dma_start3A_76 = arith.constant 0 : i32
        %dma_start3A_77 = tpu.memref_slice %arg8[%mul3A_47, %dma_start3A_76] : memref<40x125xi32, #tpu.memory_space<vmem>> -> memref<1x125xi32, #tpu.memory_space<vmem>>
        %dma_start3A_78 = tpu.memref_squeeze %dma_start3A_77 : memref<1x125xi32, #tpu.memory_space<vmem>> -> memref<125xi32, #tpu.memory_space<vmem>>
        %dma_start3A_79 = arith.constant 0 : i32
        %dma_start3A_80 = arith.constant 0 : i32
        %dma_start3A_81 = tpu.memref_slice %arg11[%dma_start3A_79, %dma_start3A_80] : memref<10240x64xf32, #tpu.memory_space<vmem_shared>> -> memref<10240x64xf32, #tpu.memory_space<vmem_shared>>
        tpu.enqueue_indirect_dma source(%arg9 : memref<125x64xf32, #tpu.memory_space<vmem>>) target(%dma_start3A_81 : memref<10240x64xf32, #tpu.memory_space<vmem_shared>>) offsets(%dma_start3A_78 : memref<125xi32, #tpu.memory_space<vmem>>) semaphore(%run_scoped3A : memref<!tpu.dma_semaphore, #tpu.memory_space<semaphore_mem>>) {add = true}
        %dma_wait3A_82 = arith.constant 0 : i32
        %dma_wait3A_83 = tpu.memref_slice %arg8[%mul3A_47, %dma_wait3A_82] : memref<40x125xi32, #tpu.memory_space<vmem>> -> memref<1x125xi32, #tpu.memory_space<vmem>>
        %dma_wait3A_84 = tpu.memref_squeeze %dma_wait3A_83 : memref<1x125xi32, #tpu.memory_space<vmem>> -> memref<125xi32, #tpu.memory_space<vmem>>
        %dma_wait3A_85 = arith.constant 0 : i32
        %dma_wait3A_86 = arith.constant 0 : i32
        %dma_wait3A_87 = tpu.memref_slice %arg11[%dma_wait3A_85, %dma_wait3A_86] : memref<10240x64xf32, #tpu.memory_space<vmem_shared>> -> memref<10240x64xf32, #tpu.memory_space<vmem_shared>>
        tpu.wait_indirect_dma semaphore(%run_scoped3A : memref<!tpu.dma_semaphore, #tpu.memory_space<semaphore_mem>>) src(%arg9 : memref<125x64xf32, #tpu.memory_space<vmem>>) dst(%dma_wait3A_87 : memref<10240x64xf32, #tpu.memory_space<vmem_shared>>)
        tpu.yield
      }) : () -> ()
      %add3A_62 = arith.constant 2 : i32
      %add3A_63 = arith.addi %mul3A_47, %add3A_62 : i32
      %lt3A = arith.constant 40 : i32
      %lt3A_64 = arith.cmpi slt, %add3A_63, %lt3A : i32
      %convert_element_type3A = arith.extui %lt3A_64 : i1 to i32
      %cond3A = arith.constant 0 : i32
      %cond3A_65 = arith.cmpi ne, %convert_element_type3A, %cond3A : i32
      scf.if %cond3A_65 {
        %add3A_76 = arith.constant 2 : i32
        %add3A_77 = arith.addi %mul3A_47, %add3A_76 : i32
        %dma_start3A_78 = arith.constant 0 : i32
        %dma_start3A_79 = tpu.memref_slice %arg7[%add3A_77, %dma_start3A_78] : memref<40x125xi32, #tpu.memory_space<vmem>> -> memref<1x125xi32, #tpu.memory_space<vmem>>
        %dma_start3A_80 = tpu.memref_squeeze %dma_start3A_79 : memref<1x125xi32, #tpu.memory_space<vmem>> -> memref<125xi32, #tpu.memory_space<vmem>>
        %dma_start3A_81 = arith.constant 0 : i32
        %dma_start3A_82 = arith.constant 0 : i32
        %dma_start3A_83 = tpu.memref_slice %arg2[%dma_start3A_81, %dma_start3A_82] : memref<10000x64xf32, #tpu.memory_space<hbm>> -> memref<10000x64xf32, #tpu.memory_space<hbm>>
        tpu.enqueue_indirect_dma source(%dma_start3A_83 : memref<10000x64xf32, #tpu.memory_space<hbm>>) target(%arg9 : memref<125x64xf32, #tpu.memory_space<vmem>>) offsets(%dma_start3A_80 : memref<125xi32, #tpu.memory_space<vmem>>) semaphore(%arg12 : memref<!tpu.dma_semaphore, #tpu.memory_space<semaphore_mem>>)
      } else {
      }
      %add3A_66 = arith.constant 1 : i32
      %add3A_67 = arith.addi %mul3A_47, %add3A_66 : i32
      %dma_wait3A_68 = arith.constant 0 : i32
      %dma_wait3A_69 = tpu.memref_slice %arg7[%add3A_67, %dma_wait3A_68] : memref<40x125xi32, #tpu.memory_space<vmem>> -> memref<1x125xi32, #tpu.memory_space<vmem>>
      %dma_wait3A_70 = tpu.memref_squeeze %dma_wait3A_69 : memref<1x125xi32, #tpu.memory_space<vmem>> -> memref<125xi32, #tpu.memory_space<vmem>>
      %dma_wait3A_71 = arith.constant 0 : i32
      %dma_wait3A_72 = arith.constant 0 : i32
      %dma_wait3A_73 = tpu.memref_slice %arg2[%dma_wait3A_71, %dma_wait3A_72] : memref<10000x64xf32, #tpu.memory_space<hbm>> -> memref<10000x64xf32, #tpu.memory_space<hbm>>
      tpu.wait_indirect_dma semaphore(%arg13 : memref<!tpu.dma_semaphore, #tpu.memory_space<semaphore_mem>>) src(%dma_wait3A_73 : memref<10000x64xf32, #tpu.memory_space<hbm>>) dst(%arg10 : memref<125x64xf32, #tpu.memory_space<vmem>>)
      %add3A_74 = arith.constant 1 : i32
      %add3A_75 = arith.addi %mul3A_47, %add3A_74 : i32
      "tpu.region"() ({
        %run_scoped3A = tpu.sem_alloc : memref<!tpu.dma_semaphore, #tpu.memory_space<semaphore_mem>>
        %dma_start3A_76 = arith.constant 0 : i32
        %dma_start3A_77 = tpu.memref_slice %arg8[%add3A_75, %dma_start3A_76] : memref<40x125xi32, #tpu.memory_space<vmem>> -> memref<1x125xi32, #tpu.memory_space<vmem>>
        %dma_start3A_78 = tpu.memref_squeeze %dma_start3A_77 : memref<1x125xi32, #tpu.memory_space<vmem>> -> memref<125xi32, #tpu.memory_space<vmem>>
        %dma_start3A_79 = arith.constant 0 : i32
        %dma_start3A_80 = arith.constant 0 : i32
        %dma_start3A_81 = tpu.memref_slice %arg11[%dma_start3A_79, %dma_start3A_80] : memref<10240x64xf32, #tpu.memory_space<vmem_shared>> -> memref<10240x64xf32, #tpu.memory_space<vmem_shared>>
        tpu.enqueue_indirect_dma source(%arg10 : memref<125x64xf32, #tpu.memory_space<vmem>>) target(%dma_start3A_81 : memref<10240x64xf32, #tpu.memory_space<vmem_shared>>) offsets(%dma_start3A_78 : memref<125xi32, #tpu.memory_space<vmem>>) semaphore(%run_scoped3A : memref<!tpu.dma_semaphore, #tpu.memory_space<semaphore_mem>>) {add = true}
        %dma_wait3A_82 = arith.constant 0 : i32
        %dma_wait3A_83 = tpu.memref_slice %arg8[%add3A_75, %dma_wait3A_82] : memref<40x125xi32, #tpu.memory_space<vmem>> -> memref<1x125xi32, #tpu.memory_space<vmem>>
        %dma_wait3A_84 = tpu.memref_squeeze %dma_wait3A_83 : memref<1x125xi32, #tpu.memory_space<vmem>> -> memref<125xi32, #tpu.memory_space<vmem>>
        %dma_wait3A_85 = arith.constant 0 : i32
        %dma_wait3A_86 = arith.constant 0 : i32
        %dma_wait3A_87 = tpu.memref_slice %arg11[%dma_wait3A_85, %dma_wait3A_86] : memref<10240x64xf32, #tpu.memory_space<vmem_shared>> -> memref<10240x64xf32, #tpu.memory_space<vmem_shared>>
        tpu.wait_indirect_dma semaphore(%run_scoped3A : memref<!tpu.dma_semaphore, #tpu.memory_space<semaphore_mem>>) src(%arg10 : memref<125x64xf32, #tpu.memory_space<vmem>>) dst(%dma_wait3A_87 : memref<10240x64xf32, #tpu.memory_space<vmem_shared>>)
        tpu.yield
      }) : () -> ()
    }
    %scan3A_23 = arith.constant 20 : i32
    %mul3A_24 = arith.constant 80 : i32
    %mul3A_25 = arith.muli %add3A, %mul3A_24 : i32
    %add3A_26 = arith.constant 40 : i32
    %add3A_27 = arith.addi %mul3A_25, %add3A_26 : i32
    "tpu.region"() ({
      %run_scoped3A = tpu.sem_alloc : memref<!tpu.dma_semaphore, #tpu.memory_space<semaphore_mem>>
      %dma_start3A_41 = arith.constant 0 : i32
      %dma_start3A_42 = tpu.memref_slice %arg3[%add3A_27, %dma_start3A_41] : memref<2560x125xi32, #tpu.memory_space<hbm>> -> memref<40x125xi32, #tpu.memory_space<hbm>>
      %dma_start3A_43 = arith.constant 0 : i32
      %dma_start3A_44 = tpu.memref_slice %arg3[%add3A_27, %dma_start3A_43] : memref<2560x125xi32, #tpu.memory_space<hbm>> -> memref<40x125xi32, #tpu.memory_space<hbm>>
      tpu.enqueue_dma source(%dma_start3A_44 : memref<40x125xi32, #tpu.memory_space<hbm>>) target(%arg7 : memref<40x125xi32, #tpu.memory_space<vmem>>) target_semaphore(%run_scoped3A : memref<!tpu.dma_semaphore, #tpu.memory_space<semaphore_mem>>)
      %dma_wait3A_45 = arith.constant 0 : i32
      %dma_wait3A_46 = tpu.memref_slice %arg3[%add3A_27, %dma_wait3A_45] : memref<2560x125xi32, #tpu.memory_space<hbm>> -> memref<40x125xi32, #tpu.memory_space<hbm>>
      %dma_wait3A_47 = arith.constant 0 : i32
      %dma_wait3A_48 = tpu.memref_slice %arg3[%add3A_27, %dma_wait3A_47] : memref<2560x125xi32, #tpu.memory_space<hbm>> -> memref<40x125xi32, #tpu.memory_space<hbm>>
      tpu.wait_dma2 semaphore(%run_scoped3A : memref<!tpu.dma_semaphore, #tpu.memory_space<semaphore_mem>>) src(%dma_wait3A_48 : memref<40x125xi32, #tpu.memory_space<hbm>>) dst(%arg7 : memref<40x125xi32, #tpu.memory_space<vmem>>)
      tpu.yield
    }) : () -> ()
    "tpu.region"() ({
      %run_scoped3A = tpu.sem_alloc : memref<!tpu.dma_semaphore, #tpu.memory_space<semaphore_mem>>
      %dma_start3A_41 = arith.constant 0 : i32
      %dma_start3A_42 = tpu.memref_slice %arg4[%add3A_27, %dma_start3A_41] : memref<2560x125xi32, #tpu.memory_space<hbm>> -> memref<40x125xi32, #tpu.memory_space<hbm>>
      %dma_start3A_43 = arith.constant 0 : i32
      %dma_start3A_44 = tpu.memref_slice %arg4[%add3A_27, %dma_start3A_43] : memref<2560x125xi32, #tpu.memory_space<hbm>> -> memref<40x125xi32, #tpu.memory_space<hbm>>
      tpu.enqueue_dma source(%dma_start3A_44 : memref<40x125xi32, #tpu.memory_space<hbm>>) target(%arg8 : memref<40x125xi32, #tpu.memory_space<vmem>>) target_semaphore(%run_scoped3A : memref<!tpu.dma_semaphore, #tpu.memory_space<semaphore_mem>>)
      %dma_wait3A_45 = arith.constant 0 : i32
      %dma_wait3A_46 = tpu.memref_slice %arg4[%add3A_27, %dma_wait3A_45] : memref<2560x125xi32, #tpu.memory_space<hbm>> -> memref<40x125xi32, #tpu.memory_space<hbm>>
      %dma_wait3A_47 = arith.constant 0 : i32
      %dma_wait3A_48 = tpu.memref_slice %arg4[%add3A_27, %dma_wait3A_47] : memref<2560x125xi32, #tpu.memory_space<hbm>> -> memref<40x125xi32, #tpu.memory_space<hbm>>
      tpu.wait_dma2 semaphore(%run_scoped3A : memref<!tpu.dma_semaphore, #tpu.memory_space<semaphore_mem>>) src(%dma_wait3A_48 : memref<40x125xi32, #tpu.memory_space<hbm>>) dst(%arg8 : memref<40x125xi32, #tpu.memory_space<vmem>>)
      tpu.yield
    }) : () -> ()
    %dma_start3A_28 = arith.constant 0 : i32
    %dma_start3A_29 = arith.constant 0 : i32
    %dma_start3A_30 = tpu.memref_slice %arg7[%dma_start3A_28, %dma_start3A_29] : memref<40x125xi32, #tpu.memory_space<vmem>> -> memref<1x125xi32, #tpu.memory_space<vmem>>
    %dma_start3A_31 = tpu.memref_squeeze %dma_start3A_30 : memref<1x125xi32, #tpu.memory_space<vmem>> -> memref<125xi32, #tpu.memory_space<vmem>>
    %dma_start3A_32 = arith.constant 0 : i32
    %dma_start3A_33 = arith.constant 0 : i32
    %dma_start3A_34 = tpu.memref_slice %arg2[%dma_start3A_32, %dma_start3A_33] : memref<10000x64xf32, #tpu.memory_space<hbm>> -> memref<10000x64xf32, #tpu.memory_space<hbm>>
    tpu.enqueue_indirect_dma source(%dma_start3A_34 : memref<10000x64xf32, #tpu.memory_space<hbm>>) target(%arg9 : memref<125x64xf32, #tpu.memory_space<vmem>>) offsets(%dma_start3A_31 : memref<125xi32, #tpu.memory_space<vmem>>) semaphore(%arg12 : memref<!tpu.dma_semaphore, #tpu.memory_space<semaphore_mem>>)
    %scan3A_35 = arith.constant 0 : i32
    %scan3A_36 = arith.constant 20 : i32
    %scan3A_37 = arith.addi %scan3A_35, %scan3A_36 : i32
    %scan3A_38 = arith.constant 1 : i32
    scf.for %scan3A_41 = %scan3A_35 to %scan3A_37 step %scan3A_38  : i32 {
      %mul3A_42 = arith.constant 1 : i32
      %mul3A_43 = arith.muli %scan3A_41, %mul3A_42 : i32
      %add3A_44 = arith.constant 0 : i32
      %add3A_45 = arith.addi %add3A_44, %mul3A_43 : i32
      %mul3A_46 = arith.constant 2 : i32
      %mul3A_47 = arith.muli %mul3A_46, %add3A_45 : i32
      %add3A_48 = arith.constant 1 : i32
      %add3A_49 = arith.addi %mul3A_47, %add3A_48 : i32
      %dma_start3A_50 = arith.constant 0 : i32
      %dma_start3A_51 = tpu.memref_slice %arg7[%add3A_49, %dma_start3A_50] : memref<40x125xi32, #tpu.memory_space<vmem>> -> memref<1x125xi32, #tpu.memory_space<vmem>>
      %dma_start3A_52 = tpu.memref_squeeze %dma_start3A_51 : memref<1x125xi32, #tpu.memory_space<vmem>> -> memref<125xi32, #tpu.memory_space<vmem>>
      %dma_start3A_53 = arith.constant 0 : i32
      %dma_start3A_54 = arith.constant 0 : i32
      %dma_start3A_55 = tpu.memref_slice %arg2[%dma_start3A_53, %dma_start3A_54] : memref<10000x64xf32, #tpu.memory_space<hbm>> -> memref<10000x64xf32, #tpu.memory_space<hbm>>
      tpu.enqueue_indirect_dma source(%dma_start3A_55 : memref<10000x64xf32, #tpu.memory_space<hbm>>) target(%arg10 : memref<125x64xf32, #tpu.memory_space<vmem>>) offsets(%dma_start3A_52 : memref<125xi32, #tpu.memory_space<vmem>>) semaphore(%arg13 : memref<!tpu.dma_semaphore, #tpu.memory_space<semaphore_mem>>)
      %dma_wait3A_56 = arith.constant 0 : i32
      %dma_wait3A_57 = tpu.memref_slice %arg7[%mul3A_47, %dma_wait3A_56] : memref<40x125xi32, #tpu.memory_space<vmem>> -> memref<1x125xi32, #tpu.memory_space<vmem>>
      %dma_wait3A_58 = tpu.memref_squeeze %dma_wait3A_57 : memref<1x125xi32, #tpu.memory_space<vmem>> -> memref<125xi32, #tpu.memory_space<vmem>>
      %dma_wait3A_59 = arith.constant 0 : i32
      %dma_wait3A_60 = arith.constant 0 : i32
      %dma_wait3A_61 = tpu.memref_slice %arg2[%dma_wait3A_59, %dma_wait3A_60] : memref<10000x64xf32, #tpu.memory_space<hbm>> -> memref<10000x64xf32, #tpu.memory_space<hbm>>
      tpu.wait_indirect_dma semaphore(%arg12 : memref<!tpu.dma_semaphore, #tpu.memory_space<semaphore_mem>>) src(%dma_wait3A_61 : memref<10000x64xf32, #tpu.memory_space<hbm>>) dst(%arg9 : memref<125x64xf32, #tpu.memory_space<vmem>>)
      "tpu.region"() ({
        %run_scoped3A = tpu.sem_alloc : memref<!tpu.dma_semaphore, #tpu.memory_space<semaphore_mem>>
        %dma_start3A_76 = arith.constant 0 : i32
        %dma_start3A_77 = tpu.memref_slice %arg8[%mul3A_47, %dma_start3A_76] : memref<40x125xi32, #tpu.memory_space<vmem>> -> memref<1x125xi32, #tpu.memory_space<vmem>>
        %dma_start3A_78 = tpu.memref_squeeze %dma_start3A_77 : memref<1x125xi32, #tpu.memory_space<vmem>> -> memref<125xi32, #tpu.memory_space<vmem>>
        %dma_start3A_79 = arith.constant 0 : i32
        %dma_start3A_80 = arith.constant 0 : i32
        %dma_start3A_81 = tpu.memref_slice %arg11[%dma_start3A_79, %dma_start3A_80] : memref<10240x64xf32, #tpu.memory_space<vmem_shared>> -> memref<10240x64xf32, #tpu.memory_space<vmem_shared>>
        tpu.enqueue_indirect_dma source(%arg9 : memref<125x64xf32, #tpu.memory_space<vmem>>) target(%dma_start3A_81 : memref<10240x64xf32, #tpu.memory_space<vmem_shared>>) offsets(%dma_start3A_78 : memref<125xi32, #tpu.memory_space<vmem>>) semaphore(%run_scoped3A : memref<!tpu.dma_semaphore, #tpu.memory_space<semaphore_mem>>) {add = true}
        %dma_wait3A_82 = arith.constant 0 : i32
        %dma_wait3A_83 = tpu.memref_slice %arg8[%mul3A_47, %dma_wait3A_82] : memref<40x125xi32, #tpu.memory_space<vmem>> -> memref<1x125xi32, #tpu.memory_space<vmem>>
        %dma_wait3A_84 = tpu.memref_squeeze %dma_wait3A_83 : memref<1x125xi32, #tpu.memory_space<vmem>> -> memref<125xi32, #tpu.memory_space<vmem>>
        %dma_wait3A_85 = arith.constant 0 : i32
        %dma_wait3A_86 = arith.constant 0 : i32
        %dma_wait3A_87 = tpu.memref_slice %arg11[%dma_wait3A_85, %dma_wait3A_86] : memref<10240x64xf32, #tpu.memory_space<vmem_shared>> -> memref<10240x64xf32, #tpu.memory_space<vmem_shared>>
        tpu.wait_indirect_dma semaphore(%run_scoped3A : memref<!tpu.dma_semaphore, #tpu.memory_space<semaphore_mem>>) src(%arg9 : memref<125x64xf32, #tpu.memory_space<vmem>>) dst(%dma_wait3A_87 : memref<10240x64xf32, #tpu.memory_space<vmem_shared>>)
        tpu.yield
      }) : () -> ()
      %add3A_62 = arith.constant 2 : i32
      %add3A_63 = arith.addi %mul3A_47, %add3A_62 : i32
      %lt3A = arith.constant 40 : i32
      %lt3A_64 = arith.cmpi slt, %add3A_63, %lt3A : i32
      %convert_element_type3A = arith.extui %lt3A_64 : i1 to i32
      %cond3A = arith.constant 0 : i32
      %cond3A_65 = arith.cmpi ne, %convert_element_type3A, %cond3A : i32
      scf.if %cond3A_65 {
        %add3A_76 = arith.constant 2 : i32
        %add3A_77 = arith.addi %mul3A_47, %add3A_76 : i32
        %dma_start3A_78 = arith.constant 0 : i32
        %dma_start3A_79 = tpu.memref_slice %arg7[%add3A_77, %dma_start3A_78] : memref<40x125xi32, #tpu.memory_space<vmem>> -> memref<1x125xi32, #tpu.memory_space<vmem>>
        %dma_start3A_80 = tpu.memref_squeeze %dma_start3A_79 : memref<1x125xi32, #tpu.memory_space<vmem>> -> memref<125xi32, #tpu.memory_space<vmem>>
        %dma_start3A_81 = arith.constant 0 : i32
        %dma_start3A_82 = arith.constant 0 : i32
        %dma_start3A_83 = tpu.memref_slice %arg2[%dma_start3A_81, %dma_start3A_82] : memref<10000x64xf32, #tpu.memory_space<hbm>> -> memref<10000x64xf32, #tpu.memory_space<hbm>>
        tpu.enqueue_indirect_dma source(%dma_start3A_83 : memref<10000x64xf32, #tpu.memory_space<hbm>>) target(%arg9 : memref<125x64xf32, #tpu.memory_space<vmem>>) offsets(%dma_start3A_80 : memref<125xi32, #tpu.memory_space<vmem>>) semaphore(%arg12 : memref<!tpu.dma_semaphore, #tpu.memory_space<semaphore_mem>>)
      } else {
      }
      %add3A_66 = arith.constant 1 : i32
      %add3A_67 = arith.addi %mul3A_47, %add3A_66 : i32
      %dma_wait3A_68 = arith.constant 0 : i32
      %dma_wait3A_69 = tpu.memref_slice %arg7[%add3A_67, %dma_wait3A_68] : memref<40x125xi32, #tpu.memory_space<vmem>> -> memref<1x125xi32, #tpu.memory_space<vmem>>
      %dma_wait3A_70 = tpu.memref_squeeze %dma_wait3A_69 : memref<1x125xi32, #tpu.memory_space<vmem>> -> memref<125xi32, #tpu.memory_space<vmem>>
      %dma_wait3A_71 = arith.constant 0 : i32
      %dma_wait3A_72 = arith.constant 0 : i32
      %dma_wait3A_73 = tpu.memref_slice %arg2[%dma_wait3A_71, %dma_wait3A_72] : memref<10000x64xf32, #tpu.memory_space<hbm>> -> memref<10000x64xf32, #tpu.memory_space<hbm>>
      tpu.wait_indirect_dma semaphore(%arg13 : memref<!tpu.dma_semaphore, #tpu.memory_space<semaphore_mem>>) src(%dma_wait3A_73 : memref<10000x64xf32, #tpu.memory_space<hbm>>) dst(%arg10 : memref<125x64xf32, #tpu.memory_space<vmem>>)
      %add3A_74 = arith.constant 1 : i32
      %add3A_75 = arith.addi %mul3A_47, %add3A_74 : i32
      "tpu.region"() ({
        %run_scoped3A = tpu.sem_alloc : memref<!tpu.dma_semaphore, #tpu.memory_space<semaphore_mem>>
        %dma_start3A_76 = arith.constant 0 : i32
        %dma_start3A_77 = tpu.memref_slice %arg8[%add3A_75, %dma_start3A_76] : memref<40x125xi32, #tpu.memory_space<vmem>> -> memref<1x125xi32, #tpu.memory_space<vmem>>
        %dma_start3A_78 = tpu.memref_squeeze %dma_start3A_77 : memref<1x125xi32, #tpu.memory_space<vmem>> -> memref<125xi32, #tpu.memory_space<vmem>>
        %dma_start3A_79 = arith.constant 0 : i32
        %dma_start3A_80 = arith.constant 0 : i32
        %dma_start3A_81 = tpu.memref_slice %arg11[%dma_start3A_79, %dma_start3A_80] : memref<10240x64xf32, #tpu.memory_space<vmem_shared>> -> memref<10240x64xf32, #tpu.memory_space<vmem_shared>>
        tpu.enqueue_indirect_dma source(%arg10 : memref<125x64xf32, #tpu.memory_space<vmem>>) target(%dma_start3A_81 : memref<10240x64xf32, #tpu.memory_space<vmem_shared>>) offsets(%dma_start3A_78 : memref<125xi32, #tpu.memory_space<vmem>>) semaphore(%run_scoped3A : memref<!tpu.dma_semaphore, #tpu.memory_space<semaphore_mem>>) {add = true}
        %dma_wait3A_82 = arith.constant 0 : i32
        %dma_wait3A_83 = tpu.memref_slice %arg8[%add3A_75, %dma_wait3A_82] : memref<40x125xi32, #tpu.memory_space<vmem>> -> memref<1x125xi32, #tpu.memory_space<vmem>>
        %dma_wait3A_84 = tpu.memref_squeeze %dma_wait3A_83 : memref<1x125xi32, #tpu.memory_space<vmem>> -> memref<125xi32, #tpu.memory_space<vmem>>
        %dma_wait3A_85 = arith.constant 0 : i32
        %dma_wait3A_86 = arith.constant 0 : i32
        %dma_wait3A_87 = tpu.memref_slice %arg11[%dma_wait3A_85, %dma_wait3A_86] : memref<10240x64xf32, #tpu.memory_space<vmem_shared>> -> memref<10240x64xf32, #tpu.memory_space<vmem_shared>>
        tpu.wait_indirect_dma semaphore(%run_scoped3A : memref<!tpu.dma_semaphore, #tpu.memory_space<semaphore_mem>>) src(%arg10 : memref<125x64xf32, #tpu.memory_space<vmem>>) dst(%dma_wait3A_87 : memref<10240x64xf32, #tpu.memory_space<vmem_shared>>)
        tpu.yield
      }) : () -> ()
    }
    %scan3A_39 = arith.constant 20 : i32
    %barrier3A_40 = arith.constant 0 : index
    tpu.barrier barrier_id(%barrier3A_40)
    "tpu.region"() ({
      %run_scoped3A = tpu.sem_alloc : memref<!tpu.dma_semaphore, #tpu.memory_space<semaphore_mem>>
      %dma_start3A_41 = arith.constant 0 : i32
      %dma_start3A_42 = tpu.memref_slice %arg6[%arg0, %mul3A_2, %dma_start3A_41] : memref<2x10240x64xf32, #tpu.memory_space<hbm>> -> memref<1x640x64xf32, #tpu.memory_space<hbm>>
      %dma_start3A_43 = tpu.memref_squeeze %dma_start3A_42 : memref<1x640x64xf32, #tpu.memory_space<hbm>> -> memref<640x64xf32, #tpu.memory_space<hbm>>
      %dma_start3A_44 = arith.constant 0 : i32
      %dma_start3A_45 = tpu.memref_slice %arg11[%mul3A_2, %dma_start3A_44] : memref<10240x64xf32, #tpu.memory_space<vmem_shared>> -> memref<640x64xf32, #tpu.memory_space<vmem_shared>>
      tpu.enqueue_dma source(%dma_start3A_45 : memref<640x64xf32, #tpu.memory_space<vmem_shared>>) target(%dma_start3A_43 : memref<640x64xf32, #tpu.memory_space<hbm>>) target_semaphore(%run_scoped3A : memref<!tpu.dma_semaphore, #tpu.memory_space<semaphore_mem>>)
      %dma_wait3A_46 = arith.constant 0 : i32
      %dma_wait3A_47 = tpu.memref_slice %arg6[%arg0, %mul3A_2, %dma_wait3A_46] : memref<2x10240x64xf32, #tpu.memory_space<hbm>> -> memref<1x640x64xf32, #tpu.memory_space<hbm>>
      %dma_wait3A_48 = tpu.memref_squeeze %dma_wait3A_47 : memref<1x640x64xf32, #tpu.memory_space<hbm>> -> memref<640x64xf32, #tpu.memory_space<hbm>>
      %dma_wait3A_49 = arith.constant 0 : i32
      %dma_wait3A_50 = tpu.memref_slice %arg11[%mul3A_2, %dma_wait3A_49] : memref<10240x64xf32, #tpu.memory_space<vmem_shared>> -> memref<640x64xf32, #tpu.memory_space<vmem_shared>>
      tpu.wait_dma2 semaphore(%run_scoped3A : memref<!tpu.dma_semaphore, #tpu.memory_space<semaphore_mem>>) src(%dma_wait3A_50 : memref<640x64xf32, #tpu.memory_space<vmem_shared>>) dst(%dma_wait3A_48 : memref<640x64xf32, #tpu.memory_space<hbm>>)
      tpu.yield
    }) : () -> ()
    return
  }
}

#map = affine_map<(d0, d1) -> (0, 0)>
#map1 = affine_map<(d0, d1) -> (0, 0, 0)>
module attributes {stable_mosaic.version = 14 : i64} {
  func.func @body(%arg0: i32, %arg1: i32, %arg2: memref<10000x128xf32, #tpu.memory_space<hbm>>, %arg3: memref<2560x125xi32, #tpu.memory_space<hbm>>, %arg4: memref<2560x125xi32, #tpu.memory_space<hbm>>, %arg5: memref<10240x128xf32, #tpu.memory_space<hbm>>, %arg6: memref<2x10240x128xf32, #tpu.memory_space<hbm>>, %arg7: memref<40x125xi32, #tpu.memory_space<vmem>>, %arg8: memref<40x125xi32, #tpu.memory_space<vmem>>, %arg9: memref<125x128xf32, #tpu.memory_space<vmem>>, %arg10: memref<125x128xf32, #tpu.memory_space<vmem>>, %arg11: memref<10240x128xf32, #tpu.memory_space<vmem_shared>>, %arg12: memref<!tpu.dma_semaphore, #tpu.memory_space<semaphore_mem>>, %arg13: memref<!tpu.dma_semaphore, #tpu.memory_space<semaphore_mem>>, %arg14: memref<!tpu.dma_semaphore, #tpu.memory_space<semaphore_mem>>) attributes {dimension_semantics = [#tpu.dimension_semantics<core_parallel>, #tpu.dimension_semantics<subcore_parallel>], iteration_bounds = array<i64: 2, 16>, scalar_prefetch = 0 : i64, scratch_operands = 8 : i64, tpu.core_type = #tpu.core_type<sc_vector_subcore>, window_params = [{transform_indices = #map}, {transform_indices = #map}, {transform_indices = #map}, {transform_indices = #map}, {transform_indices = #map1}]} {
    %mul3A = arith.constant 16 : i32
    %mul3A_0 = arith.muli %arg0, %mul3A : i32
    %add3A = arith.addi %mul3A_0, %arg1 : i32
    %mul3A_1 = arith.constant 640 : i32
    %mul3A_2 = arith.muli %arg1, %mul3A_1 : i32
    %dma_start3A = arith.constant 0 : i32
    %dma_start3A_3 = tpu.memref_slice %arg11[%mul3A_2, %dma_start3A] : memref<10240x128xf32, #tpu.memory_space<vmem_shared>> -> memref<640x128xf32, #tpu.memory_space<vmem_shared>>
    %dma_start3A_4 = arith.constant 0 : i32
    %dma_start3A_5 = tpu.memref_slice %arg5[%mul3A_2, %dma_start3A_4] : memref<10240x128xf32, #tpu.memory_space<hbm>> -> memref<640x128xf32, #tpu.memory_space<hbm>>
    tpu.enqueue_dma source(%dma_start3A_5 : memref<640x128xf32, #tpu.memory_space<hbm>>) target(%dma_start3A_3 : memref<640x128xf32, #tpu.memory_space<vmem_shared>>) target_semaphore(%arg14 : memref<!tpu.dma_semaphore, #tpu.memory_space<semaphore_mem>>)
    %dma_wait3A = arith.constant 0 : i32
    %dma_wait3A_6 = tpu.memref_slice %arg11[%mul3A_2, %dma_wait3A] : memref<10240x128xf32, #tpu.memory_space<vmem_shared>> -> memref<640x128xf32, #tpu.memory_space<vmem_shared>>
    %dma_wait3A_7 = arith.constant 0 : i32
    %dma_wait3A_8 = tpu.memref_slice %arg5[%mul3A_2, %dma_wait3A_7] : memref<10240x128xf32, #tpu.memory_space<hbm>> -> memref<640x128xf32, #tpu.memory_space<hbm>>
    tpu.wait_dma2 semaphore(%arg14 : memref<!tpu.dma_semaphore, #tpu.memory_space<semaphore_mem>>) src(%dma_wait3A_8 : memref<640x128xf32, #tpu.memory_space<hbm>>) dst(%dma_wait3A_6 : memref<640x128xf32, #tpu.memory_space<vmem_shared>>)
    %barrier3A = arith.constant 0 : index
    tpu.barrier barrier_id(%barrier3A)
    %mul3A_9 = arith.constant 80 : i32
    %mul3A_10 = arith.muli %add3A, %mul3A_9 : i32
    %add3A_11 = arith.constant 0 : i32
    %add3A_12 = arith.addi %mul3A_10, %add3A_11 : i32
    "tpu.region"() ({
      %run_scoped3A = tpu.sem_alloc : memref<!tpu.dma_semaphore, #tpu.memory_space<semaphore_mem>>
      %dma_start3A_41 = arith.constant 0 : i32
      %dma_start3A_42 = tpu.memref_slice %arg3[%add3A_12, %dma_start3A_41] : memref<2560x125xi32, #tpu.memory_space<hbm>> -> memref<40x125xi32, #tpu.memory_space<hbm>>
      %dma_start3A_43 = arith.constant 0 : i32
      %dma_start3A_44 = tpu.memref_slice %arg3[%add3A_12, %dma_start3A_43] : memref<2560x125xi32, #tpu.memory_space<hbm>> -> memref<40x125xi32, #tpu.memory_space<hbm>>
      tpu.enqueue_dma source(%dma_start3A_44 : memref<40x125xi32, #tpu.memory_space<hbm>>) target(%arg7 : memref<40x125xi32, #tpu.memory_space<vmem>>) target_semaphore(%run_scoped3A : memref<!tpu.dma_semaphore, #tpu.memory_space<semaphore_mem>>)
      %dma_wait3A_45 = arith.constant 0 : i32
      %dma_wait3A_46 = tpu.memref_slice %arg3[%add3A_12, %dma_wait3A_45] : memref<2560x125xi32, #tpu.memory_space<hbm>> -> memref<40x125xi32, #tpu.memory_space<hbm>>
      %dma_wait3A_47 = arith.constant 0 : i32
      %dma_wait3A_48 = tpu.memref_slice %arg3[%add3A_12, %dma_wait3A_47] : memref<2560x125xi32, #tpu.memory_space<hbm>> -> memref<40x125xi32, #tpu.memory_space<hbm>>
      tpu.wait_dma2 semaphore(%run_scoped3A : memref<!tpu.dma_semaphore, #tpu.memory_space<semaphore_mem>>) src(%dma_wait3A_48 : memref<40x125xi32, #tpu.memory_space<hbm>>) dst(%arg7 : memref<40x125xi32, #tpu.memory_space<vmem>>)
      tpu.yield
    }) : () -> ()
    "tpu.region"() ({
      %run_scoped3A = tpu.sem_alloc : memref<!tpu.dma_semaphore, #tpu.memory_space<semaphore_mem>>
      %dma_start3A_41 = arith.constant 0 : i32
      %dma_start3A_42 = tpu.memref_slice %arg4[%add3A_12, %dma_start3A_41] : memref<2560x125xi32, #tpu.memory_space<hbm>> -> memref<40x125xi32, #tpu.memory_space<hbm>>
      %dma_start3A_43 = arith.constant 0 : i32
      %dma_start3A_44 = tpu.memref_slice %arg4[%add3A_12, %dma_start3A_43] : memref<2560x125xi32, #tpu.memory_space<hbm>> -> memref<40x125xi32, #tpu.memory_space<hbm>>
      tpu.enqueue_dma source(%dma_start3A_44 : memref<40x125xi32, #tpu.memory_space<hbm>>) target(%arg8 : memref<40x125xi32, #tpu.memory_space<vmem>>) target_semaphore(%run_scoped3A : memref<!tpu.dma_semaphore, #tpu.memory_space<semaphore_mem>>)
      %dma_wait3A_45 = arith.constant 0 : i32
      %dma_wait3A_46 = tpu.memref_slice %arg4[%add3A_12, %dma_wait3A_45] : memref<2560x125xi32, #tpu.memory_space<hbm>> -> memref<40x125xi32, #tpu.memory_space<hbm>>
      %dma_wait3A_47 = arith.constant 0 : i32
      %dma_wait3A_48 = tpu.memref_slice %arg4[%add3A_12, %dma_wait3A_47] : memref<2560x125xi32, #tpu.memory_space<hbm>> -> memref<40x125xi32, #tpu.memory_space<hbm>>
      tpu.wait_dma2 semaphore(%run_scoped3A : memref<!tpu.dma_semaphore, #tpu.memory_space<semaphore_mem>>) src(%dma_wait3A_48 : memref<40x125xi32, #tpu.memory_space<hbm>>) dst(%arg8 : memref<40x125xi32, #tpu.memory_space<vmem>>)
      tpu.yield
    }) : () -> ()
    %dma_start3A_13 = arith.constant 0 : i32
    %dma_start3A_14 = arith.constant 0 : i32
    %dma_start3A_15 = tpu.memref_slice %arg7[%dma_start3A_13, %dma_start3A_14] : memref<40x125xi32, #tpu.memory_space<vmem>> -> memref<1x125xi32, #tpu.memory_space<vmem>>
    %dma_start3A_16 = tpu.memref_squeeze %dma_start3A_15 : memref<1x125xi32, #tpu.memory_space<vmem>> -> memref<125xi32, #tpu.memory_space<vmem>>
    %dma_start3A_17 = arith.constant 0 : i32
    %dma_start3A_18 = arith.constant 0 : i32
    %dma_start3A_19 = tpu.memref_slice %arg2[%dma_start3A_17, %dma_start3A_18] : memref<10000x128xf32, #tpu.memory_space<hbm>> -> memref<10000x128xf32, #tpu.memory_space<hbm>>
    tpu.enqueue_indirect_dma source(%dma_start3A_19 : memref<10000x128xf32, #tpu.memory_space<hbm>>) target(%arg9 : memref<125x128xf32, #tpu.memory_space<vmem>>) offsets(%dma_start3A_16 : memref<125xi32, #tpu.memory_space<vmem>>) semaphore(%arg12 : memref<!tpu.dma_semaphore, #tpu.memory_space<semaphore_mem>>)
    %scan3A = arith.constant 0 : i32
    %scan3A_20 = arith.constant 20 : i32
    %scan3A_21 = arith.addi %scan3A, %scan3A_20 : i32
    %scan3A_22 = arith.constant 1 : i32
    scf.for %scan3A_41 = %scan3A to %scan3A_21 step %scan3A_22  : i32 {
      %mul3A_42 = arith.constant 1 : i32
      %mul3A_43 = arith.muli %scan3A_41, %mul3A_42 : i32
      %add3A_44 = arith.constant 0 : i32
      %add3A_45 = arith.addi %add3A_44, %mul3A_43 : i32
      %mul3A_46 = arith.constant 2 : i32
      %mul3A_47 = arith.muli %mul3A_46, %add3A_45 : i32
      %add3A_48 = arith.constant 1 : i32
      %add3A_49 = arith.addi %mul3A_47, %add3A_48 : i32
      %dma_start3A_50 = arith.constant 0 : i32
      %dma_start3A_51 = tpu.memref_slice %arg7[%add3A_49, %dma_start3A_50] : memref<40x125xi32, #tpu.memory_space<vmem>> -> memref<1x125xi32, #tpu.memory_space<vmem>>
      %dma_start3A_52 = tpu.memref_squeeze %dma_start3A_51 : memref<1x125xi32, #tpu.memory_space<vmem>> -> memref<125xi32, #tpu.memory_space<vmem>>
      %dma_start3A_53 = arith.constant 0 : i32
      %dma_start3A_54 = arith.constant 0 : i32
      %dma_start3A_55 = tpu.memref_slice %arg2[%dma_start3A_53, %dma_start3A_54] : memref<10000x128xf32, #tpu.memory_space<hbm>> -> memref<10000x128xf32, #tpu.memory_space<hbm>>
      tpu.enqueue_indirect_dma source(%dma_start3A_55 : memref<10000x128xf32, #tpu.memory_space<hbm>>) target(%arg10 : memref<125x128xf32, #tpu.memory_space<vmem>>) offsets(%dma_start3A_52 : memref<125xi32, #tpu.memory_space<vmem>>) semaphore(%arg13 : memref<!tpu.dma_semaphore, #tpu.memory_space<semaphore_mem>>)
      %dma_wait3A_56 = arith.constant 0 : i32
      %dma_wait3A_57 = tpu.memref_slice %arg7[%mul3A_47, %dma_wait3A_56] : memref<40x125xi32, #tpu.memory_space<vmem>> -> memref<1x125xi32, #tpu.memory_space<vmem>>
      %dma_wait3A_58 = tpu.memref_squeeze %dma_wait3A_57 : memref<1x125xi32, #tpu.memory_space<vmem>> -> memref<125xi32, #tpu.memory_space<vmem>>
      %dma_wait3A_59 = arith.constant 0 : i32
      %dma_wait3A_60 = arith.constant 0 : i32
      %dma_wait3A_61 = tpu.memref_slice %arg2[%dma_wait3A_59, %dma_wait3A_60] : memref<10000x128xf32, #tpu.memory_space<hbm>> -> memref<10000x128xf32, #tpu.memory_space<hbm>>
      tpu.wait_indirect_dma semaphore(%arg12 : memref<!tpu.dma_semaphore, #tpu.memory_space<semaphore_mem>>) src(%dma_wait3A_61 : memref<10000x128xf32, #tpu.memory_space<hbm>>) dst(%arg9 : memref<125x128xf32, #tpu.memory_space<vmem>>)
      "tpu.region"() ({
        %run_scoped3A = tpu.sem_alloc : memref<!tpu.dma_semaphore, #tpu.memory_space<semaphore_mem>>
        %dma_start3A_76 = arith.constant 0 : i32
        %dma_start3A_77 = tpu.memref_slice %arg8[%mul3A_47, %dma_start3A_76] : memref<40x125xi32, #tpu.memory_space<vmem>> -> memref<1x125xi32, #tpu.memory_space<vmem>>
        %dma_start3A_78 = tpu.memref_squeeze %dma_start3A_77 : memref<1x125xi32, #tpu.memory_space<vmem>> -> memref<125xi32, #tpu.memory_space<vmem>>
        %dma_start3A_79 = arith.constant 0 : i32
        %dma_start3A_80 = arith.constant 0 : i32
        %dma_start3A_81 = tpu.memref_slice %arg11[%dma_start3A_79, %dma_start3A_80] : memref<10240x128xf32, #tpu.memory_space<vmem_shared>> -> memref<10240x128xf32, #tpu.memory_space<vmem_shared>>
        tpu.enqueue_indirect_dma source(%arg9 : memref<125x128xf32, #tpu.memory_space<vmem>>) target(%dma_start3A_81 : memref<10240x128xf32, #tpu.memory_space<vmem_shared>>) offsets(%dma_start3A_78 : memref<125xi32, #tpu.memory_space<vmem>>) semaphore(%run_scoped3A : memref<!tpu.dma_semaphore, #tpu.memory_space<semaphore_mem>>) {add = true}
        %dma_wait3A_82 = arith.constant 0 : i32
        %dma_wait3A_83 = tpu.memref_slice %arg8[%mul3A_47, %dma_wait3A_82] : memref<40x125xi32, #tpu.memory_space<vmem>> -> memref<1x125xi32, #tpu.memory_space<vmem>>
        %dma_wait3A_84 = tpu.memref_squeeze %dma_wait3A_83 : memref<1x125xi32, #tpu.memory_space<vmem>> -> memref<125xi32, #tpu.memory_space<vmem>>
        %dma_wait3A_85 = arith.constant 0 : i32
        %dma_wait3A_86 = arith.constant 0 : i32
        %dma_wait3A_87 = tpu.memref_slice %arg11[%dma_wait3A_85, %dma_wait3A_86] : memref<10240x128xf32, #tpu.memory_space<vmem_shared>> -> memref<10240x128xf32, #tpu.memory_space<vmem_shared>>
        tpu.wait_indirect_dma semaphore(%run_scoped3A : memref<!tpu.dma_semaphore, #tpu.memory_space<semaphore_mem>>) src(%arg9 : memref<125x128xf32, #tpu.memory_space<vmem>>) dst(%dma_wait3A_87 : memref<10240x128xf32, #tpu.memory_space<vmem_shared>>)
        tpu.yield
      }) : () -> ()
      %add3A_62 = arith.constant 2 : i32
      %add3A_63 = arith.addi %mul3A_47, %add3A_62 : i32
      %lt3A = arith.constant 40 : i32
      %lt3A_64 = arith.cmpi slt, %add3A_63, %lt3A : i32
      %convert_element_type3A = arith.extui %lt3A_64 : i1 to i32
      %cond3A = arith.constant 0 : i32
      %cond3A_65 = arith.cmpi ne, %convert_element_type3A, %cond3A : i32
      scf.if %cond3A_65 {
        %add3A_76 = arith.constant 2 : i32
        %add3A_77 = arith.addi %mul3A_47, %add3A_76 : i32
        %dma_start3A_78 = arith.constant 0 : i32
        %dma_start3A_79 = tpu.memref_slice %arg7[%add3A_77, %dma_start3A_78] : memref<40x125xi32, #tpu.memory_space<vmem>> -> memref<1x125xi32, #tpu.memory_space<vmem>>
        %dma_start3A_80 = tpu.memref_squeeze %dma_start3A_79 : memref<1x125xi32, #tpu.memory_space<vmem>> -> memref<125xi32, #tpu.memory_space<vmem>>
        %dma_start3A_81 = arith.constant 0 : i32
        %dma_start3A_82 = arith.constant 0 : i32
        %dma_start3A_83 = tpu.memref_slice %arg2[%dma_start3A_81, %dma_start3A_82] : memref<10000x128xf32, #tpu.memory_space<hbm>> -> memref<10000x128xf32, #tpu.memory_space<hbm>>
        tpu.enqueue_indirect_dma source(%dma_start3A_83 : memref<10000x128xf32, #tpu.memory_space<hbm>>) target(%arg9 : memref<125x128xf32, #tpu.memory_space<vmem>>) offsets(%dma_start3A_80 : memref<125xi32, #tpu.memory_space<vmem>>) semaphore(%arg12 : memref<!tpu.dma_semaphore, #tpu.memory_space<semaphore_mem>>)
      } else {
      }
      %add3A_66 = arith.constant 1 : i32
      %add3A_67 = arith.addi %mul3A_47, %add3A_66 : i32
      %dma_wait3A_68 = arith.constant 0 : i32
      %dma_wait3A_69 = tpu.memref_slice %arg7[%add3A_67, %dma_wait3A_68] : memref<40x125xi32, #tpu.memory_space<vmem>> -> memref<1x125xi32, #tpu.memory_space<vmem>>
      %dma_wait3A_70 = tpu.memref_squeeze %dma_wait3A_69 : memref<1x125xi32, #tpu.memory_space<vmem>> -> memref<125xi32, #tpu.memory_space<vmem>>
      %dma_wait3A_71 = arith.constant 0 : i32
      %dma_wait3A_72 = arith.constant 0 : i32
      %dma_wait3A_73 = tpu.memref_slice %arg2[%dma_wait3A_71, %dma_wait3A_72] : memref<10000x128xf32, #tpu.memory_space<hbm>> -> memref<10000x128xf32, #tpu.memory_space<hbm>>
      tpu.wait_indirect_dma semaphore(%arg13 : memref<!tpu.dma_semaphore, #tpu.memory_space<semaphore_mem>>) src(%dma_wait3A_73 : memref<10000x128xf32, #tpu.memory_space<hbm>>) dst(%arg10 : memref<125x128xf32, #tpu.memory_space<vmem>>)
      %add3A_74 = arith.constant 1 : i32
      %add3A_75 = arith.addi %mul3A_47, %add3A_74 : i32
      "tpu.region"() ({
        %run_scoped3A = tpu.sem_alloc : memref<!tpu.dma_semaphore, #tpu.memory_space<semaphore_mem>>
        %dma_start3A_76 = arith.constant 0 : i32
        %dma_start3A_77 = tpu.memref_slice %arg8[%add3A_75, %dma_start3A_76] : memref<40x125xi32, #tpu.memory_space<vmem>> -> memref<1x125xi32, #tpu.memory_space<vmem>>
        %dma_start3A_78 = tpu.memref_squeeze %dma_start3A_77 : memref<1x125xi32, #tpu.memory_space<vmem>> -> memref<125xi32, #tpu.memory_space<vmem>>
        %dma_start3A_79 = arith.constant 0 : i32
        %dma_start3A_80 = arith.constant 0 : i32
        %dma_start3A_81 = tpu.memref_slice %arg11[%dma_start3A_79, %dma_start3A_80] : memref<10240x128xf32, #tpu.memory_space<vmem_shared>> -> memref<10240x128xf32, #tpu.memory_space<vmem_shared>>
        tpu.enqueue_indirect_dma source(%arg10 : memref<125x128xf32, #tpu.memory_space<vmem>>) target(%dma_start3A_81 : memref<10240x128xf32, #tpu.memory_space<vmem_shared>>) offsets(%dma_start3A_78 : memref<125xi32, #tpu.memory_space<vmem>>) semaphore(%run_scoped3A : memref<!tpu.dma_semaphore, #tpu.memory_space<semaphore_mem>>) {add = true}
        %dma_wait3A_82 = arith.constant 0 : i32
        %dma_wait3A_83 = tpu.memref_slice %arg8[%add3A_75, %dma_wait3A_82] : memref<40x125xi32, #tpu.memory_space<vmem>> -> memref<1x125xi32, #tpu.memory_space<vmem>>
        %dma_wait3A_84 = tpu.memref_squeeze %dma_wait3A_83 : memref<1x125xi32, #tpu.memory_space<vmem>> -> memref<125xi32, #tpu.memory_space<vmem>>
        %dma_wait3A_85 = arith.constant 0 : i32
        %dma_wait3A_86 = arith.constant 0 : i32
        %dma_wait3A_87 = tpu.memref_slice %arg11[%dma_wait3A_85, %dma_wait3A_86] : memref<10240x128xf32, #tpu.memory_space<vmem_shared>> -> memref<10240x128xf32, #tpu.memory_space<vmem_shared>>
        tpu.wait_indirect_dma semaphore(%run_scoped3A : memref<!tpu.dma_semaphore, #tpu.memory_space<semaphore_mem>>) src(%arg10 : memref<125x128xf32, #tpu.memory_space<vmem>>) dst(%dma_wait3A_87 : memref<10240x128xf32, #tpu.memory_space<vmem_shared>>)
        tpu.yield
      }) : () -> ()
    }
    %scan3A_23 = arith.constant 20 : i32
    %mul3A_24 = arith.constant 80 : i32
    %mul3A_25 = arith.muli %add3A, %mul3A_24 : i32
    %add3A_26 = arith.constant 40 : i32
    %add3A_27 = arith.addi %mul3A_25, %add3A_26 : i32
    "tpu.region"() ({
      %run_scoped3A = tpu.sem_alloc : memref<!tpu.dma_semaphore, #tpu.memory_space<semaphore_mem>>
      %dma_start3A_41 = arith.constant 0 : i32
      %dma_start3A_42 = tpu.memref_slice %arg3[%add3A_27, %dma_start3A_41] : memref<2560x125xi32, #tpu.memory_space<hbm>> -> memref<40x125xi32, #tpu.memory_space<hbm>>
      %dma_start3A_43 = arith.constant 0 : i32
      %dma_start3A_44 = tpu.memref_slice %arg3[%add3A_27, %dma_start3A_43] : memref<2560x125xi32, #tpu.memory_space<hbm>> -> memref<40x125xi32, #tpu.memory_space<hbm>>
      tpu.enqueue_dma source(%dma_start3A_44 : memref<40x125xi32, #tpu.memory_space<hbm>>) target(%arg7 : memref<40x125xi32, #tpu.memory_space<vmem>>) target_semaphore(%run_scoped3A : memref<!tpu.dma_semaphore, #tpu.memory_space<semaphore_mem>>)
      %dma_wait3A_45 = arith.constant 0 : i32
      %dma_wait3A_46 = tpu.memref_slice %arg3[%add3A_27, %dma_wait3A_45] : memref<2560x125xi32, #tpu.memory_space<hbm>> -> memref<40x125xi32, #tpu.memory_space<hbm>>
      %dma_wait3A_47 = arith.constant 0 : i32
      %dma_wait3A_48 = tpu.memref_slice %arg3[%add3A_27, %dma_wait3A_47] : memref<2560x125xi32, #tpu.memory_space<hbm>> -> memref<40x125xi32, #tpu.memory_space<hbm>>
      tpu.wait_dma2 semaphore(%run_scoped3A : memref<!tpu.dma_semaphore, #tpu.memory_space<semaphore_mem>>) src(%dma_wait3A_48 : memref<40x125xi32, #tpu.memory_space<hbm>>) dst(%arg7 : memref<40x125xi32, #tpu.memory_space<vmem>>)
      tpu.yield
    }) : () -> ()
    "tpu.region"() ({
      %run_scoped3A = tpu.sem_alloc : memref<!tpu.dma_semaphore, #tpu.memory_space<semaphore_mem>>
      %dma_start3A_41 = arith.constant 0 : i32
      %dma_start3A_42 = tpu.memref_slice %arg4[%add3A_27, %dma_start3A_41] : memref<2560x125xi32, #tpu.memory_space<hbm>> -> memref<40x125xi32, #tpu.memory_space<hbm>>
      %dma_start3A_43 = arith.constant 0 : i32
      %dma_start3A_44 = tpu.memref_slice %arg4[%add3A_27, %dma_start3A_43] : memref<2560x125xi32, #tpu.memory_space<hbm>> -> memref<40x125xi32, #tpu.memory_space<hbm>>
      tpu.enqueue_dma source(%dma_start3A_44 : memref<40x125xi32, #tpu.memory_space<hbm>>) target(%arg8 : memref<40x125xi32, #tpu.memory_space<vmem>>) target_semaphore(%run_scoped3A : memref<!tpu.dma_semaphore, #tpu.memory_space<semaphore_mem>>)
      %dma_wait3A_45 = arith.constant 0 : i32
      %dma_wait3A_46 = tpu.memref_slice %arg4[%add3A_27, %dma_wait3A_45] : memref<2560x125xi32, #tpu.memory_space<hbm>> -> memref<40x125xi32, #tpu.memory_space<hbm>>
      %dma_wait3A_47 = arith.constant 0 : i32
      %dma_wait3A_48 = tpu.memref_slice %arg4[%add3A_27, %dma_wait3A_47] : memref<2560x125xi32, #tpu.memory_space<hbm>> -> memref<40x125xi32, #tpu.memory_space<hbm>>
      tpu.wait_dma2 semaphore(%run_scoped3A : memref<!tpu.dma_semaphore, #tpu.memory_space<semaphore_mem>>) src(%dma_wait3A_48 : memref<40x125xi32, #tpu.memory_space<hbm>>) dst(%arg8 : memref<40x125xi32, #tpu.memory_space<vmem>>)
      tpu.yield
    }) : () -> ()
    %dma_start3A_28 = arith.constant 0 : i32
    %dma_start3A_29 = arith.constant 0 : i32
    %dma_start3A_30 = tpu.memref_slice %arg7[%dma_start3A_28, %dma_start3A_29] : memref<40x125xi32, #tpu.memory_space<vmem>> -> memref<1x125xi32, #tpu.memory_space<vmem>>
    %dma_start3A_31 = tpu.memref_squeeze %dma_start3A_30 : memref<1x125xi32, #tpu.memory_space<vmem>> -> memref<125xi32, #tpu.memory_space<vmem>>
    %dma_start3A_32 = arith.constant 0 : i32
    %dma_start3A_33 = arith.constant 0 : i32
    %dma_start3A_34 = tpu.memref_slice %arg2[%dma_start3A_32, %dma_start3A_33] : memref<10000x128xf32, #tpu.memory_space<hbm>> -> memref<10000x128xf32, #tpu.memory_space<hbm>>
    tpu.enqueue_indirect_dma source(%dma_start3A_34 : memref<10000x128xf32, #tpu.memory_space<hbm>>) target(%arg9 : memref<125x128xf32, #tpu.memory_space<vmem>>) offsets(%dma_start3A_31 : memref<125xi32, #tpu.memory_space<vmem>>) semaphore(%arg12 : memref<!tpu.dma_semaphore, #tpu.memory_space<semaphore_mem>>)
    %scan3A_35 = arith.constant 0 : i32
    %scan3A_36 = arith.constant 20 : i32
    %scan3A_37 = arith.addi %scan3A_35, %scan3A_36 : i32
    %scan3A_38 = arith.constant 1 : i32
    scf.for %scan3A_41 = %scan3A_35 to %scan3A_37 step %scan3A_38  : i32 {
      %mul3A_42 = arith.constant 1 : i32
      %mul3A_43 = arith.muli %scan3A_41, %mul3A_42 : i32
      %add3A_44 = arith.constant 0 : i32
      %add3A_45 = arith.addi %add3A_44, %mul3A_43 : i32
      %mul3A_46 = arith.constant 2 : i32
      %mul3A_47 = arith.muli %mul3A_46, %add3A_45 : i32
      %add3A_48 = arith.constant 1 : i32
      %add3A_49 = arith.addi %mul3A_47, %add3A_48 : i32
      %dma_start3A_50 = arith.constant 0 : i32
      %dma_start3A_51 = tpu.memref_slice %arg7[%add3A_49, %dma_start3A_50] : memref<40x125xi32, #tpu.memory_space<vmem>> -> memref<1x125xi32, #tpu.memory_space<vmem>>
      %dma_start3A_52 = tpu.memref_squeeze %dma_start3A_51 : memref<1x125xi32, #tpu.memory_space<vmem>> -> memref<125xi32, #tpu.memory_space<vmem>>
      %dma_start3A_53 = arith.constant 0 : i32
      %dma_start3A_54 = arith.constant 0 : i32
      %dma_start3A_55 = tpu.memref_slice %arg2[%dma_start3A_53, %dma_start3A_54] : memref<10000x128xf32, #tpu.memory_space<hbm>> -> memref<10000x128xf32, #tpu.memory_space<hbm>>
      tpu.enqueue_indirect_dma source(%dma_start3A_55 : memref<10000x128xf32, #tpu.memory_space<hbm>>) target(%arg10 : memref<125x128xf32, #tpu.memory_space<vmem>>) offsets(%dma_start3A_52 : memref<125xi32, #tpu.memory_space<vmem>>) semaphore(%arg13 : memref<!tpu.dma_semaphore, #tpu.memory_space<semaphore_mem>>)
      %dma_wait3A_56 = arith.constant 0 : i32
      %dma_wait3A_57 = tpu.memref_slice %arg7[%mul3A_47, %dma_wait3A_56] : memref<40x125xi32, #tpu.memory_space<vmem>> -> memref<1x125xi32, #tpu.memory_space<vmem>>
      %dma_wait3A_58 = tpu.memref_squeeze %dma_wait3A_57 : memref<1x125xi32, #tpu.memory_space<vmem>> -> memref<125xi32, #tpu.memory_space<vmem>>
      %dma_wait3A_59 = arith.constant 0 : i32
      %dma_wait3A_60 = arith.constant 0 : i32
      %dma_wait3A_61 = tpu.memref_slice %arg2[%dma_wait3A_59, %dma_wait3A_60] : memref<10000x128xf32, #tpu.memory_space<hbm>> -> memref<10000x128xf32, #tpu.memory_space<hbm>>
      tpu.wait_indirect_dma semaphore(%arg12 : memref<!tpu.dma_semaphore, #tpu.memory_space<semaphore_mem>>) src(%dma_wait3A_61 : memref<10000x128xf32, #tpu.memory_space<hbm>>) dst(%arg9 : memref<125x128xf32, #tpu.memory_space<vmem>>)
      "tpu.region"() ({
        %run_scoped3A = tpu.sem_alloc : memref<!tpu.dma_semaphore, #tpu.memory_space<semaphore_mem>>
        %dma_start3A_76 = arith.constant 0 : i32
        %dma_start3A_77 = tpu.memref_slice %arg8[%mul3A_47, %dma_start3A_76] : memref<40x125xi32, #tpu.memory_space<vmem>> -> memref<1x125xi32, #tpu.memory_space<vmem>>
        %dma_start3A_78 = tpu.memref_squeeze %dma_start3A_77 : memref<1x125xi32, #tpu.memory_space<vmem>> -> memref<125xi32, #tpu.memory_space<vmem>>
        %dma_start3A_79 = arith.constant 0 : i32
        %dma_start3A_80 = arith.constant 0 : i32
        %dma_start3A_81 = tpu.memref_slice %arg11[%dma_start3A_79, %dma_start3A_80] : memref<10240x128xf32, #tpu.memory_space<vmem_shared>> -> memref<10240x128xf32, #tpu.memory_space<vmem_shared>>
        tpu.enqueue_indirect_dma source(%arg9 : memref<125x128xf32, #tpu.memory_space<vmem>>) target(%dma_start3A_81 : memref<10240x128xf32, #tpu.memory_space<vmem_shared>>) offsets(%dma_start3A_78 : memref<125xi32, #tpu.memory_space<vmem>>) semaphore(%run_scoped3A : memref<!tpu.dma_semaphore, #tpu.memory_space<semaphore_mem>>) {add = true}
        %dma_wait3A_82 = arith.constant 0 : i32
        %dma_wait3A_83 = tpu.memref_slice %arg8[%mul3A_47, %dma_wait3A_82] : memref<40x125xi32, #tpu.memory_space<vmem>> -> memref<1x125xi32, #tpu.memory_space<vmem>>
        %dma_wait3A_84 = tpu.memref_squeeze %dma_wait3A_83 : memref<1x125xi32, #tpu.memory_space<vmem>> -> memref<125xi32, #tpu.memory_space<vmem>>
        %dma_wait3A_85 = arith.constant 0 : i32
        %dma_wait3A_86 = arith.constant 0 : i32
        %dma_wait3A_87 = tpu.memref_slice %arg11[%dma_wait3A_85, %dma_wait3A_86] : memref<10240x128xf32, #tpu.memory_space<vmem_shared>> -> memref<10240x128xf32, #tpu.memory_space<vmem_shared>>
        tpu.wait_indirect_dma semaphore(%run_scoped3A : memref<!tpu.dma_semaphore, #tpu.memory_space<semaphore_mem>>) src(%arg9 : memref<125x128xf32, #tpu.memory_space<vmem>>) dst(%dma_wait3A_87 : memref<10240x128xf32, #tpu.memory_space<vmem_shared>>)
        tpu.yield
      }) : () -> ()
      %add3A_62 = arith.constant 2 : i32
      %add3A_63 = arith.addi %mul3A_47, %add3A_62 : i32
      %lt3A = arith.constant 40 : i32
      %lt3A_64 = arith.cmpi slt, %add3A_63, %lt3A : i32
      %convert_element_type3A = arith.extui %lt3A_64 : i1 to i32
      %cond3A = arith.constant 0 : i32
      %cond3A_65 = arith.cmpi ne, %convert_element_type3A, %cond3A : i32
      scf.if %cond3A_65 {
        %add3A_76 = arith.constant 2 : i32
        %add3A_77 = arith.addi %mul3A_47, %add3A_76 : i32
        %dma_start3A_78 = arith.constant 0 : i32
        %dma_start3A_79 = tpu.memref_slice %arg7[%add3A_77, %dma_start3A_78] : memref<40x125xi32, #tpu.memory_space<vmem>> -> memref<1x125xi32, #tpu.memory_space<vmem>>
        %dma_start3A_80 = tpu.memref_squeeze %dma_start3A_79 : memref<1x125xi32, #tpu.memory_space<vmem>> -> memref<125xi32, #tpu.memory_space<vmem>>
        %dma_start3A_81 = arith.constant 0 : i32
        %dma_start3A_82 = arith.constant 0 : i32
        %dma_start3A_83 = tpu.memref_slice %arg2[%dma_start3A_81, %dma_start3A_82] : memref<10000x128xf32, #tpu.memory_space<hbm>> -> memref<10000x128xf32, #tpu.memory_space<hbm>>
        tpu.enqueue_indirect_dma source(%dma_start3A_83 : memref<10000x128xf32, #tpu.memory_space<hbm>>) target(%arg9 : memref<125x128xf32, #tpu.memory_space<vmem>>) offsets(%dma_start3A_80 : memref<125xi32, #tpu.memory_space<vmem>>) semaphore(%arg12 : memref<!tpu.dma_semaphore, #tpu.memory_space<semaphore_mem>>)
      } else {
      }
      %add3A_66 = arith.constant 1 : i32
      %add3A_67 = arith.addi %mul3A_47, %add3A_66 : i32
      %dma_wait3A_68 = arith.constant 0 : i32
      %dma_wait3A_69 = tpu.memref_slice %arg7[%add3A_67, %dma_wait3A_68] : memref<40x125xi32, #tpu.memory_space<vmem>> -> memref<1x125xi32, #tpu.memory_space<vmem>>
      %dma_wait3A_70 = tpu.memref_squeeze %dma_wait3A_69 : memref<1x125xi32, #tpu.memory_space<vmem>> -> memref<125xi32, #tpu.memory_space<vmem>>
      %dma_wait3A_71 = arith.constant 0 : i32
      %dma_wait3A_72 = arith.constant 0 : i32
      %dma_wait3A_73 = tpu.memref_slice %arg2[%dma_wait3A_71, %dma_wait3A_72] : memref<10000x128xf32, #tpu.memory_space<hbm>> -> memref<10000x128xf32, #tpu.memory_space<hbm>>
      tpu.wait_indirect_dma semaphore(%arg13 : memref<!tpu.dma_semaphore, #tpu.memory_space<semaphore_mem>>) src(%dma_wait3A_73 : memref<10000x128xf32, #tpu.memory_space<hbm>>) dst(%arg10 : memref<125x128xf32, #tpu.memory_space<vmem>>)
      %add3A_74 = arith.constant 1 : i32
      %add3A_75 = arith.addi %mul3A_47, %add3A_74 : i32
      "tpu.region"() ({
        %run_scoped3A = tpu.sem_alloc : memref<!tpu.dma_semaphore, #tpu.memory_space<semaphore_mem>>
        %dma_start3A_76 = arith.constant 0 : i32
        %dma_start3A_77 = tpu.memref_slice %arg8[%add3A_75, %dma_start3A_76] : memref<40x125xi32, #tpu.memory_space<vmem>> -> memref<1x125xi32, #tpu.memory_space<vmem>>
        %dma_start3A_78 = tpu.memref_squeeze %dma_start3A_77 : memref<1x125xi32, #tpu.memory_space<vmem>> -> memref<125xi32, #tpu.memory_space<vmem>>
        %dma_start3A_79 = arith.constant 0 : i32
        %dma_start3A_80 = arith.constant 0 : i32
        %dma_start3A_81 = tpu.memref_slice %arg11[%dma_start3A_79, %dma_start3A_80] : memref<10240x128xf32, #tpu.memory_space<vmem_shared>> -> memref<10240x128xf32, #tpu.memory_space<vmem_shared>>
        tpu.enqueue_indirect_dma source(%arg10 : memref<125x128xf32, #tpu.memory_space<vmem>>) target(%dma_start3A_81 : memref<10240x128xf32, #tpu.memory_space<vmem_shared>>) offsets(%dma_start3A_78 : memref<125xi32, #tpu.memory_space<vmem>>) semaphore(%run_scoped3A : memref<!tpu.dma_semaphore, #tpu.memory_space<semaphore_mem>>) {add = true}
        %dma_wait3A_82 = arith.constant 0 : i32
        %dma_wait3A_83 = tpu.memref_slice %arg8[%add3A_75, %dma_wait3A_82] : memref<40x125xi32, #tpu.memory_space<vmem>> -> memref<1x125xi32, #tpu.memory_space<vmem>>
        %dma_wait3A_84 = tpu.memref_squeeze %dma_wait3A_83 : memref<1x125xi32, #tpu.memory_space<vmem>> -> memref<125xi32, #tpu.memory_space<vmem>>
        %dma_wait3A_85 = arith.constant 0 : i32
        %dma_wait3A_86 = arith.constant 0 : i32
        %dma_wait3A_87 = tpu.memref_slice %arg11[%dma_wait3A_85, %dma_wait3A_86] : memref<10240x128xf32, #tpu.memory_space<vmem_shared>> -> memref<10240x128xf32, #tpu.memory_space<vmem_shared>>
        tpu.wait_indirect_dma semaphore(%run_scoped3A : memref<!tpu.dma_semaphore, #tpu.memory_space<semaphore_mem>>) src(%arg10 : memref<125x128xf32, #tpu.memory_space<vmem>>) dst(%dma_wait3A_87 : memref<10240x128xf32, #tpu.memory_space<vmem_shared>>)
        tpu.yield
      }) : () -> ()
    }
    %scan3A_39 = arith.constant 20 : i32
    %barrier3A_40 = arith.constant 0 : index
    tpu.barrier barrier_id(%barrier3A_40)
    "tpu.region"() ({
      %run_scoped3A = tpu.sem_alloc : memref<!tpu.dma_semaphore, #tpu.memory_space<semaphore_mem>>
      %dma_start3A_41 = arith.constant 0 : i32
      %dma_start3A_42 = tpu.memref_slice %arg6[%arg0, %mul3A_2, %dma_start3A_41] : memref<2x10240x128xf32, #tpu.memory_space<hbm>> -> memref<1x640x128xf32, #tpu.memory_space<hbm>>
      %dma_start3A_43 = tpu.memref_squeeze %dma_start3A_42 : memref<1x640x128xf32, #tpu.memory_space<hbm>> -> memref<640x128xf32, #tpu.memory_space<hbm>>
      %dma_start3A_44 = arith.constant 0 : i32
      %dma_start3A_45 = tpu.memref_slice %arg11[%mul3A_2, %dma_start3A_44] : memref<10240x128xf32, #tpu.memory_space<vmem_shared>> -> memref<640x128xf32, #tpu.memory_space<vmem_shared>>
      tpu.enqueue_dma source(%dma_start3A_45 : memref<640x128xf32, #tpu.memory_space<vmem_shared>>) target(%dma_start3A_43 : memref<640x128xf32, #tpu.memory_space<hbm>>) target_semaphore(%run_scoped3A : memref<!tpu.dma_semaphore, #tpu.memory_space<semaphore_mem>>)
      %dma_wait3A_46 = arith.constant 0 : i32
      %dma_wait3A_47 = tpu.memref_slice %arg6[%arg0, %mul3A_2, %dma_wait3A_46] : memref<2x10240x128xf32, #tpu.memory_space<hbm>> -> memref<1x640x128xf32, #tpu.memory_space<hbm>>
      %dma_wait3A_48 = tpu.memref_squeeze %dma_wait3A_47 : memref<1x640x128xf32, #tpu.memory_space<hbm>> -> memref<640x128xf32, #tpu.memory_space<hbm>>
      %dma_wait3A_49 = arith.constant 0 : i32
      %dma_wait3A_50 = tpu.memref_slice %arg11[%mul3A_2, %dma_wait3A_49] : memref<10240x128xf32, #tpu.memory_space<vmem_shared>> -> memref<640x128xf32, #tpu.memory_space<vmem_shared>>
      tpu.wait_dma2 semaphore(%run_scoped3A : memref<!tpu.dma_semaphore, #tpu.memory_space<semaphore_mem>>) src(%dma_wait3A_50 : memref<640x128xf32, #tpu.memory_space<vmem_shared>>) dst(%dma_wait3A_48 : memref<640x128xf32, #tpu.memory_space<hbm>>)
      tpu.yield
    }) : () -> ()
    return
  }
}

#map = affine_map<(d0, d1) -> (0, 0)>
#map1 = affine_map<(d0, d1) -> (0, 0, 0)>
module attributes {stable_mosaic.version = 14 : i64} {
  func.func @body(%arg0: i32, %arg1: i32, %arg2: memref<10240x64xf32, #tpu.memory_space<hbm>>, %arg3: memref<2560x125xi32, #tpu.memory_space<hbm>>, %arg4: memref<2560x125xi32, #tpu.memory_space<hbm>>, %arg5: memref<10240x64xf32, #tpu.memory_space<hbm>>, %arg6: memref<2x10240x64xf32, #tpu.memory_space<hbm>>, %arg7: memref<40x125xi32, #tpu.memory_space<vmem>>, %arg8: memref<40x125xi32, #tpu.memory_space<vmem>>, %arg9: memref<125x64xf32, #tpu.memory_space<vmem>>, %arg10: memref<125x64xf32, #tpu.memory_space<vmem>>, %arg11: memref<10240x64xf32, #tpu.memory_space<vmem_shared>>, %arg12: memref<!tpu.dma_semaphore, #tpu.memory_space<semaphore_mem>>, %arg13: memref<!tpu.dma_semaphore, #tpu.memory_space<semaphore_mem>>, %arg14: memref<!tpu.dma_semaphore, #tpu.memory_space<semaphore_mem>>) attributes {dimension_semantics = [#tpu.dimension_semantics<core_parallel>, #tpu.dimension_semantics<subcore_parallel>], iteration_bounds = array<i64: 2, 16>, scalar_prefetch = 0 : i64, scratch_operands = 8 : i64, tpu.core_type = #tpu.core_type<sc_vector_subcore>, window_params = [{transform_indices = #map}, {transform_indices = #map}, {transform_indices = #map}, {transform_indices = #map}, {transform_indices = #map1}]} {
    %mul3A = arith.constant 16 : i32
    %mul3A_0 = arith.muli %arg0, %mul3A : i32
    %add3A = arith.addi %mul3A_0, %arg1 : i32
    %mul3A_1 = arith.constant 640 : i32
    %mul3A_2 = arith.muli %arg1, %mul3A_1 : i32
    %dma_start3A = arith.constant 0 : i32
    %dma_start3A_3 = tpu.memref_slice %arg11[%mul3A_2, %dma_start3A] : memref<10240x64xf32, #tpu.memory_space<vmem_shared>> -> memref<640x64xf32, #tpu.memory_space<vmem_shared>>
    %dma_start3A_4 = arith.constant 0 : i32
    %dma_start3A_5 = tpu.memref_slice %arg5[%mul3A_2, %dma_start3A_4] : memref<10240x64xf32, #tpu.memory_space<hbm>> -> memref<640x64xf32, #tpu.memory_space<hbm>>
    tpu.enqueue_dma source(%dma_start3A_5 : memref<640x64xf32, #tpu.memory_space<hbm>>) target(%dma_start3A_3 : memref<640x64xf32, #tpu.memory_space<vmem_shared>>) target_semaphore(%arg14 : memref<!tpu.dma_semaphore, #tpu.memory_space<semaphore_mem>>)
    %dma_wait3A = arith.constant 0 : i32
    %dma_wait3A_6 = tpu.memref_slice %arg11[%mul3A_2, %dma_wait3A] : memref<10240x64xf32, #tpu.memory_space<vmem_shared>> -> memref<640x64xf32, #tpu.memory_space<vmem_shared>>
    %dma_wait3A_7 = arith.constant 0 : i32
    %dma_wait3A_8 = tpu.memref_slice %arg5[%mul3A_2, %dma_wait3A_7] : memref<10240x64xf32, #tpu.memory_space<hbm>> -> memref<640x64xf32, #tpu.memory_space<hbm>>
    tpu.wait_dma2 semaphore(%arg14 : memref<!tpu.dma_semaphore, #tpu.memory_space<semaphore_mem>>) src(%dma_wait3A_8 : memref<640x64xf32, #tpu.memory_space<hbm>>) dst(%dma_wait3A_6 : memref<640x64xf32, #tpu.memory_space<vmem_shared>>)
    %barrier3A = arith.constant 0 : index
    tpu.barrier barrier_id(%barrier3A)
    %mul3A_9 = arith.constant 80 : i32
    %mul3A_10 = arith.muli %add3A, %mul3A_9 : i32
    %add3A_11 = arith.constant 0 : i32
    %add3A_12 = arith.addi %mul3A_10, %add3A_11 : i32
    "tpu.region"() ({
      %run_scoped3A = tpu.sem_alloc : memref<!tpu.dma_semaphore, #tpu.memory_space<semaphore_mem>>
      %dma_start3A_41 = arith.constant 0 : i32
      %dma_start3A_42 = tpu.memref_slice %arg3[%add3A_12, %dma_start3A_41] : memref<2560x125xi32, #tpu.memory_space<hbm>> -> memref<40x125xi32, #tpu.memory_space<hbm>>
      %dma_start3A_43 = arith.constant 0 : i32
      %dma_start3A_44 = tpu.memref_slice %arg3[%add3A_12, %dma_start3A_43] : memref<2560x125xi32, #tpu.memory_space<hbm>> -> memref<40x125xi32, #tpu.memory_space<hbm>>
      tpu.enqueue_dma source(%dma_start3A_44 : memref<40x125xi32, #tpu.memory_space<hbm>>) target(%arg7 : memref<40x125xi32, #tpu.memory_space<vmem>>) target_semaphore(%run_scoped3A : memref<!tpu.dma_semaphore, #tpu.memory_space<semaphore_mem>>)
      %dma_wait3A_45 = arith.constant 0 : i32
      %dma_wait3A_46 = tpu.memref_slice %arg3[%add3A_12, %dma_wait3A_45] : memref<2560x125xi32, #tpu.memory_space<hbm>> -> memref<40x125xi32, #tpu.memory_space<hbm>>
      %dma_wait3A_47 = arith.constant 0 : i32
      %dma_wait3A_48 = tpu.memref_slice %arg3[%add3A_12, %dma_wait3A_47] : memref<2560x125xi32, #tpu.memory_space<hbm>> -> memref<40x125xi32, #tpu.memory_space<hbm>>
      tpu.wait_dma2 semaphore(%run_scoped3A : memref<!tpu.dma_semaphore, #tpu.memory_space<semaphore_mem>>) src(%dma_wait3A_48 : memref<40x125xi32, #tpu.memory_space<hbm>>) dst(%arg7 : memref<40x125xi32, #tpu.memory_space<vmem>>)
      tpu.yield
    }) : () -> ()
    "tpu.region"() ({
      %run_scoped3A = tpu.sem_alloc : memref<!tpu.dma_semaphore, #tpu.memory_space<semaphore_mem>>
      %dma_start3A_41 = arith.constant 0 : i32
      %dma_start3A_42 = tpu.memref_slice %arg4[%add3A_12, %dma_start3A_41] : memref<2560x125xi32, #tpu.memory_space<hbm>> -> memref<40x125xi32, #tpu.memory_space<hbm>>
      %dma_start3A_43 = arith.constant 0 : i32
      %dma_start3A_44 = tpu.memref_slice %arg4[%add3A_12, %dma_start3A_43] : memref<2560x125xi32, #tpu.memory_space<hbm>> -> memref<40x125xi32, #tpu.memory_space<hbm>>
      tpu.enqueue_dma source(%dma_start3A_44 : memref<40x125xi32, #tpu.memory_space<hbm>>) target(%arg8 : memref<40x125xi32, #tpu.memory_space<vmem>>) target_semaphore(%run_scoped3A : memref<!tpu.dma_semaphore, #tpu.memory_space<semaphore_mem>>)
      %dma_wait3A_45 = arith.constant 0 : i32
      %dma_wait3A_46 = tpu.memref_slice %arg4[%add3A_12, %dma_wait3A_45] : memref<2560x125xi32, #tpu.memory_space<hbm>> -> memref<40x125xi32, #tpu.memory_space<hbm>>
      %dma_wait3A_47 = arith.constant 0 : i32
      %dma_wait3A_48 = tpu.memref_slice %arg4[%add3A_12, %dma_wait3A_47] : memref<2560x125xi32, #tpu.memory_space<hbm>> -> memref<40x125xi32, #tpu.memory_space<hbm>>
      tpu.wait_dma2 semaphore(%run_scoped3A : memref<!tpu.dma_semaphore, #tpu.memory_space<semaphore_mem>>) src(%dma_wait3A_48 : memref<40x125xi32, #tpu.memory_space<hbm>>) dst(%arg8 : memref<40x125xi32, #tpu.memory_space<vmem>>)
      tpu.yield
    }) : () -> ()
    %dma_start3A_13 = arith.constant 0 : i32
    %dma_start3A_14 = arith.constant 0 : i32
    %dma_start3A_15 = tpu.memref_slice %arg7[%dma_start3A_13, %dma_start3A_14] : memref<40x125xi32, #tpu.memory_space<vmem>> -> memref<1x125xi32, #tpu.memory_space<vmem>>
    %dma_start3A_16 = tpu.memref_squeeze %dma_start3A_15 : memref<1x125xi32, #tpu.memory_space<vmem>> -> memref<125xi32, #tpu.memory_space<vmem>>
    %dma_start3A_17 = arith.constant 0 : i32
    %dma_start3A_18 = arith.constant 0 : i32
    %dma_start3A_19 = tpu.memref_slice %arg2[%dma_start3A_17, %dma_start3A_18] : memref<10240x64xf32, #tpu.memory_space<hbm>> -> memref<10240x64xf32, #tpu.memory_space<hbm>>
    tpu.enqueue_indirect_dma source(%dma_start3A_19 : memref<10240x64xf32, #tpu.memory_space<hbm>>) target(%arg9 : memref<125x64xf32, #tpu.memory_space<vmem>>) offsets(%dma_start3A_16 : memref<125xi32, #tpu.memory_space<vmem>>) semaphore(%arg12 : memref<!tpu.dma_semaphore, #tpu.memory_space<semaphore_mem>>)
    %scan3A = arith.constant 0 : i32
    %scan3A_20 = arith.constant 20 : i32
    %scan3A_21 = arith.addi %scan3A, %scan3A_20 : i32
    %scan3A_22 = arith.constant 1 : i32
    scf.for %scan3A_41 = %scan3A to %scan3A_21 step %scan3A_22  : i32 {
      %mul3A_42 = arith.constant 1 : i32
      %mul3A_43 = arith.muli %scan3A_41, %mul3A_42 : i32
      %add3A_44 = arith.constant 0 : i32
      %add3A_45 = arith.addi %add3A_44, %mul3A_43 : i32
      %mul3A_46 = arith.constant 2 : i32
      %mul3A_47 = arith.muli %mul3A_46, %add3A_45 : i32
      %add3A_48 = arith.constant 1 : i32
      %add3A_49 = arith.addi %mul3A_47, %add3A_48 : i32
      %dma_start3A_50 = arith.constant 0 : i32
      %dma_start3A_51 = tpu.memref_slice %arg7[%add3A_49, %dma_start3A_50] : memref<40x125xi32, #tpu.memory_space<vmem>> -> memref<1x125xi32, #tpu.memory_space<vmem>>
      %dma_start3A_52 = tpu.memref_squeeze %dma_start3A_51 : memref<1x125xi32, #tpu.memory_space<vmem>> -> memref<125xi32, #tpu.memory_space<vmem>>
      %dma_start3A_53 = arith.constant 0 : i32
      %dma_start3A_54 = arith.constant 0 : i32
      %dma_start3A_55 = tpu.memref_slice %arg2[%dma_start3A_53, %dma_start3A_54] : memref<10240x64xf32, #tpu.memory_space<hbm>> -> memref<10240x64xf32, #tpu.memory_space<hbm>>
      tpu.enqueue_indirect_dma source(%dma_start3A_55 : memref<10240x64xf32, #tpu.memory_space<hbm>>) target(%arg10 : memref<125x64xf32, #tpu.memory_space<vmem>>) offsets(%dma_start3A_52 : memref<125xi32, #tpu.memory_space<vmem>>) semaphore(%arg13 : memref<!tpu.dma_semaphore, #tpu.memory_space<semaphore_mem>>)
      %dma_wait3A_56 = arith.constant 0 : i32
      %dma_wait3A_57 = tpu.memref_slice %arg7[%mul3A_47, %dma_wait3A_56] : memref<40x125xi32, #tpu.memory_space<vmem>> -> memref<1x125xi32, #tpu.memory_space<vmem>>
      %dma_wait3A_58 = tpu.memref_squeeze %dma_wait3A_57 : memref<1x125xi32, #tpu.memory_space<vmem>> -> memref<125xi32, #tpu.memory_space<vmem>>
      %dma_wait3A_59 = arith.constant 0 : i32
      %dma_wait3A_60 = arith.constant 0 : i32
      %dma_wait3A_61 = tpu.memref_slice %arg2[%dma_wait3A_59, %dma_wait3A_60] : memref<10240x64xf32, #tpu.memory_space<hbm>> -> memref<10240x64xf32, #tpu.memory_space<hbm>>
      tpu.wait_indirect_dma semaphore(%arg12 : memref<!tpu.dma_semaphore, #tpu.memory_space<semaphore_mem>>) src(%dma_wait3A_61 : memref<10240x64xf32, #tpu.memory_space<hbm>>) dst(%arg9 : memref<125x64xf32, #tpu.memory_space<vmem>>)
      "tpu.region"() ({
        %run_scoped3A = tpu.sem_alloc : memref<!tpu.dma_semaphore, #tpu.memory_space<semaphore_mem>>
        %dma_start3A_76 = arith.constant 0 : i32
        %dma_start3A_77 = tpu.memref_slice %arg8[%mul3A_47, %dma_start3A_76] : memref<40x125xi32, #tpu.memory_space<vmem>> -> memref<1x125xi32, #tpu.memory_space<vmem>>
        %dma_start3A_78 = tpu.memref_squeeze %dma_start3A_77 : memref<1x125xi32, #tpu.memory_space<vmem>> -> memref<125xi32, #tpu.memory_space<vmem>>
        %dma_start3A_79 = arith.constant 0 : i32
        %dma_start3A_80 = arith.constant 0 : i32
        %dma_start3A_81 = tpu.memref_slice %arg11[%dma_start3A_79, %dma_start3A_80] : memref<10240x64xf32, #tpu.memory_space<vmem_shared>> -> memref<10240x64xf32, #tpu.memory_space<vmem_shared>>
        tpu.enqueue_indirect_dma source(%arg9 : memref<125x64xf32, #tpu.memory_space<vmem>>) target(%dma_start3A_81 : memref<10240x64xf32, #tpu.memory_space<vmem_shared>>) offsets(%dma_start3A_78 : memref<125xi32, #tpu.memory_space<vmem>>) semaphore(%run_scoped3A : memref<!tpu.dma_semaphore, #tpu.memory_space<semaphore_mem>>) {add = true}
        %dma_wait3A_82 = arith.constant 0 : i32
        %dma_wait3A_83 = tpu.memref_slice %arg8[%mul3A_47, %dma_wait3A_82] : memref<40x125xi32, #tpu.memory_space<vmem>> -> memref<1x125xi32, #tpu.memory_space<vmem>>
        %dma_wait3A_84 = tpu.memref_squeeze %dma_wait3A_83 : memref<1x125xi32, #tpu.memory_space<vmem>> -> memref<125xi32, #tpu.memory_space<vmem>>
        %dma_wait3A_85 = arith.constant 0 : i32
        %dma_wait3A_86 = arith.constant 0 : i32
        %dma_wait3A_87 = tpu.memref_slice %arg11[%dma_wait3A_85, %dma_wait3A_86] : memref<10240x64xf32, #tpu.memory_space<vmem_shared>> -> memref<10240x64xf32, #tpu.memory_space<vmem_shared>>
        tpu.wait_indirect_dma semaphore(%run_scoped3A : memref<!tpu.dma_semaphore, #tpu.memory_space<semaphore_mem>>) src(%arg9 : memref<125x64xf32, #tpu.memory_space<vmem>>) dst(%dma_wait3A_87 : memref<10240x64xf32, #tpu.memory_space<vmem_shared>>)
        tpu.yield
      }) : () -> ()
      %add3A_62 = arith.constant 2 : i32
      %add3A_63 = arith.addi %mul3A_47, %add3A_62 : i32
      %lt3A = arith.constant 40 : i32
      %lt3A_64 = arith.cmpi slt, %add3A_63, %lt3A : i32
      %convert_element_type3A = arith.extui %lt3A_64 : i1 to i32
      %cond3A = arith.constant 0 : i32
      %cond3A_65 = arith.cmpi ne, %convert_element_type3A, %cond3A : i32
      scf.if %cond3A_65 {
        %add3A_76 = arith.constant 2 : i32
        %add3A_77 = arith.addi %mul3A_47, %add3A_76 : i32
        %dma_start3A_78 = arith.constant 0 : i32
        %dma_start3A_79 = tpu.memref_slice %arg7[%add3A_77, %dma_start3A_78] : memref<40x125xi32, #tpu.memory_space<vmem>> -> memref<1x125xi32, #tpu.memory_space<vmem>>
        %dma_start3A_80 = tpu.memref_squeeze %dma_start3A_79 : memref<1x125xi32, #tpu.memory_space<vmem>> -> memref<125xi32, #tpu.memory_space<vmem>>
        %dma_start3A_81 = arith.constant 0 : i32
        %dma_start3A_82 = arith.constant 0 : i32
        %dma_start3A_83 = tpu.memref_slice %arg2[%dma_start3A_81, %dma_start3A_82] : memref<10240x64xf32, #tpu.memory_space<hbm>> -> memref<10240x64xf32, #tpu.memory_space<hbm>>
        tpu.enqueue_indirect_dma source(%dma_start3A_83 : memref<10240x64xf32, #tpu.memory_space<hbm>>) target(%arg9 : memref<125x64xf32, #tpu.memory_space<vmem>>) offsets(%dma_start3A_80 : memref<125xi32, #tpu.memory_space<vmem>>) semaphore(%arg12 : memref<!tpu.dma_semaphore, #tpu.memory_space<semaphore_mem>>)
      } else {
      }
      %add3A_66 = arith.constant 1 : i32
      %add3A_67 = arith.addi %mul3A_47, %add3A_66 : i32
      %dma_wait3A_68 = arith.constant 0 : i32
      %dma_wait3A_69 = tpu.memref_slice %arg7[%add3A_67, %dma_wait3A_68] : memref<40x125xi32, #tpu.memory_space<vmem>> -> memref<1x125xi32, #tpu.memory_space<vmem>>
      %dma_wait3A_70 = tpu.memref_squeeze %dma_wait3A_69 : memref<1x125xi32, #tpu.memory_space<vmem>> -> memref<125xi32, #tpu.memory_space<vmem>>
      %dma_wait3A_71 = arith.constant 0 : i32
      %dma_wait3A_72 = arith.constant 0 : i32
      %dma_wait3A_73 = tpu.memref_slice %arg2[%dma_wait3A_71, %dma_wait3A_72] : memref<10240x64xf32, #tpu.memory_space<hbm>> -> memref<10240x64xf32, #tpu.memory_space<hbm>>
      tpu.wait_indirect_dma semaphore(%arg13 : memref<!tpu.dma_semaphore, #tpu.memory_space<semaphore_mem>>) src(%dma_wait3A_73 : memref<10240x64xf32, #tpu.memory_space<hbm>>) dst(%arg10 : memref<125x64xf32, #tpu.memory_space<vmem>>)
      %add3A_74 = arith.constant 1 : i32
      %add3A_75 = arith.addi %mul3A_47, %add3A_74 : i32
      "tpu.region"() ({
        %run_scoped3A = tpu.sem_alloc : memref<!tpu.dma_semaphore, #tpu.memory_space<semaphore_mem>>
        %dma_start3A_76 = arith.constant 0 : i32
        %dma_start3A_77 = tpu.memref_slice %arg8[%add3A_75, %dma_start3A_76] : memref<40x125xi32, #tpu.memory_space<vmem>> -> memref<1x125xi32, #tpu.memory_space<vmem>>
        %dma_start3A_78 = tpu.memref_squeeze %dma_start3A_77 : memref<1x125xi32, #tpu.memory_space<vmem>> -> memref<125xi32, #tpu.memory_space<vmem>>
        %dma_start3A_79 = arith.constant 0 : i32
        %dma_start3A_80 = arith.constant 0 : i32
        %dma_start3A_81 = tpu.memref_slice %arg11[%dma_start3A_79, %dma_start3A_80] : memref<10240x64xf32, #tpu.memory_space<vmem_shared>> -> memref<10240x64xf32, #tpu.memory_space<vmem_shared>>
        tpu.enqueue_indirect_dma source(%arg10 : memref<125x64xf32, #tpu.memory_space<vmem>>) target(%dma_start3A_81 : memref<10240x64xf32, #tpu.memory_space<vmem_shared>>) offsets(%dma_start3A_78 : memref<125xi32, #tpu.memory_space<vmem>>) semaphore(%run_scoped3A : memref<!tpu.dma_semaphore, #tpu.memory_space<semaphore_mem>>) {add = true}
        %dma_wait3A_82 = arith.constant 0 : i32
        %dma_wait3A_83 = tpu.memref_slice %arg8[%add3A_75, %dma_wait3A_82] : memref<40x125xi32, #tpu.memory_space<vmem>> -> memref<1x125xi32, #tpu.memory_space<vmem>>
        %dma_wait3A_84 = tpu.memref_squeeze %dma_wait3A_83 : memref<1x125xi32, #tpu.memory_space<vmem>> -> memref<125xi32, #tpu.memory_space<vmem>>
        %dma_wait3A_85 = arith.constant 0 : i32
        %dma_wait3A_86 = arith.constant 0 : i32
        %dma_wait3A_87 = tpu.memref_slice %arg11[%dma_wait3A_85, %dma_wait3A_86] : memref<10240x64xf32, #tpu.memory_space<vmem_shared>> -> memref<10240x64xf32, #tpu.memory_space<vmem_shared>>
        tpu.wait_indirect_dma semaphore(%run_scoped3A : memref<!tpu.dma_semaphore, #tpu.memory_space<semaphore_mem>>) src(%arg10 : memref<125x64xf32, #tpu.memory_space<vmem>>) dst(%dma_wait3A_87 : memref<10240x64xf32, #tpu.memory_space<vmem_shared>>)
        tpu.yield
      }) : () -> ()
    }
    %scan3A_23 = arith.constant 20 : i32
    %mul3A_24 = arith.constant 80 : i32
    %mul3A_25 = arith.muli %add3A, %mul3A_24 : i32
    %add3A_26 = arith.constant 40 : i32
    %add3A_27 = arith.addi %mul3A_25, %add3A_26 : i32
    "tpu.region"() ({
      %run_scoped3A = tpu.sem_alloc : memref<!tpu.dma_semaphore, #tpu.memory_space<semaphore_mem>>
      %dma_start3A_41 = arith.constant 0 : i32
      %dma_start3A_42 = tpu.memref_slice %arg3[%add3A_27, %dma_start3A_41] : memref<2560x125xi32, #tpu.memory_space<hbm>> -> memref<40x125xi32, #tpu.memory_space<hbm>>
      %dma_start3A_43 = arith.constant 0 : i32
      %dma_start3A_44 = tpu.memref_slice %arg3[%add3A_27, %dma_start3A_43] : memref<2560x125xi32, #tpu.memory_space<hbm>> -> memref<40x125xi32, #tpu.memory_space<hbm>>
      tpu.enqueue_dma source(%dma_start3A_44 : memref<40x125xi32, #tpu.memory_space<hbm>>) target(%arg7 : memref<40x125xi32, #tpu.memory_space<vmem>>) target_semaphore(%run_scoped3A : memref<!tpu.dma_semaphore, #tpu.memory_space<semaphore_mem>>)
      %dma_wait3A_45 = arith.constant 0 : i32
      %dma_wait3A_46 = tpu.memref_slice %arg3[%add3A_27, %dma_wait3A_45] : memref<2560x125xi32, #tpu.memory_space<hbm>> -> memref<40x125xi32, #tpu.memory_space<hbm>>
      %dma_wait3A_47 = arith.constant 0 : i32
      %dma_wait3A_48 = tpu.memref_slice %arg3[%add3A_27, %dma_wait3A_47] : memref<2560x125xi32, #tpu.memory_space<hbm>> -> memref<40x125xi32, #tpu.memory_space<hbm>>
      tpu.wait_dma2 semaphore(%run_scoped3A : memref<!tpu.dma_semaphore, #tpu.memory_space<semaphore_mem>>) src(%dma_wait3A_48 : memref<40x125xi32, #tpu.memory_space<hbm>>) dst(%arg7 : memref<40x125xi32, #tpu.memory_space<vmem>>)
      tpu.yield
    }) : () -> ()
    "tpu.region"() ({
      %run_scoped3A = tpu.sem_alloc : memref<!tpu.dma_semaphore, #tpu.memory_space<semaphore_mem>>
      %dma_start3A_41 = arith.constant 0 : i32
      %dma_start3A_42 = tpu.memref_slice %arg4[%add3A_27, %dma_start3A_41] : memref<2560x125xi32, #tpu.memory_space<hbm>> -> memref<40x125xi32, #tpu.memory_space<hbm>>
      %dma_start3A_43 = arith.constant 0 : i32
      %dma_start3A_44 = tpu.memref_slice %arg4[%add3A_27, %dma_start3A_43] : memref<2560x125xi32, #tpu.memory_space<hbm>> -> memref<40x125xi32, #tpu.memory_space<hbm>>
      tpu.enqueue_dma source(%dma_start3A_44 : memref<40x125xi32, #tpu.memory_space<hbm>>) target(%arg8 : memref<40x125xi32, #tpu.memory_space<vmem>>) target_semaphore(%run_scoped3A : memref<!tpu.dma_semaphore, #tpu.memory_space<semaphore_mem>>)
      %dma_wait3A_45 = arith.constant 0 : i32
      %dma_wait3A_46 = tpu.memref_slice %arg4[%add3A_27, %dma_wait3A_45] : memref<2560x125xi32, #tpu.memory_space<hbm>> -> memref<40x125xi32, #tpu.memory_space<hbm>>
      %dma_wait3A_47 = arith.constant 0 : i32
      %dma_wait3A_48 = tpu.memref_slice %arg4[%add3A_27, %dma_wait3A_47] : memref<2560x125xi32, #tpu.memory_space<hbm>> -> memref<40x125xi32, #tpu.memory_space<hbm>>
      tpu.wait_dma2 semaphore(%run_scoped3A : memref<!tpu.dma_semaphore, #tpu.memory_space<semaphore_mem>>) src(%dma_wait3A_48 : memref<40x125xi32, #tpu.memory_space<hbm>>) dst(%arg8 : memref<40x125xi32, #tpu.memory_space<vmem>>)
      tpu.yield
    }) : () -> ()
    %dma_start3A_28 = arith.constant 0 : i32
    %dma_start3A_29 = arith.constant 0 : i32
    %dma_start3A_30 = tpu.memref_slice %arg7[%dma_start3A_28, %dma_start3A_29] : memref<40x125xi32, #tpu.memory_space<vmem>> -> memref<1x125xi32, #tpu.memory_space<vmem>>
    %dma_start3A_31 = tpu.memref_squeeze %dma_start3A_30 : memref<1x125xi32, #tpu.memory_space<vmem>> -> memref<125xi32, #tpu.memory_space<vmem>>
    %dma_start3A_32 = arith.constant 0 : i32
    %dma_start3A_33 = arith.constant 0 : i32
    %dma_start3A_34 = tpu.memref_slice %arg2[%dma_start3A_32, %dma_start3A_33] : memref<10240x64xf32, #tpu.memory_space<hbm>> -> memref<10240x64xf32, #tpu.memory_space<hbm>>
    tpu.enqueue_indirect_dma source(%dma_start3A_34 : memref<10240x64xf32, #tpu.memory_space<hbm>>) target(%arg9 : memref<125x64xf32, #tpu.memory_space<vmem>>) offsets(%dma_start3A_31 : memref<125xi32, #tpu.memory_space<vmem>>) semaphore(%arg12 : memref<!tpu.dma_semaphore, #tpu.memory_space<semaphore_mem>>)
    %scan3A_35 = arith.constant 0 : i32
    %scan3A_36 = arith.constant 20 : i32
    %scan3A_37 = arith.addi %scan3A_35, %scan3A_36 : i32
    %scan3A_38 = arith.constant 1 : i32
    scf.for %scan3A_41 = %scan3A_35 to %scan3A_37 step %scan3A_38  : i32 {
      %mul3A_42 = arith.constant 1 : i32
      %mul3A_43 = arith.muli %scan3A_41, %mul3A_42 : i32
      %add3A_44 = arith.constant 0 : i32
      %add3A_45 = arith.addi %add3A_44, %mul3A_43 : i32
      %mul3A_46 = arith.constant 2 : i32
      %mul3A_47 = arith.muli %mul3A_46, %add3A_45 : i32
      %add3A_48 = arith.constant 1 : i32
      %add3A_49 = arith.addi %mul3A_47, %add3A_48 : i32
      %dma_start3A_50 = arith.constant 0 : i32
      %dma_start3A_51 = tpu.memref_slice %arg7[%add3A_49, %dma_start3A_50] : memref<40x125xi32, #tpu.memory_space<vmem>> -> memref<1x125xi32, #tpu.memory_space<vmem>>
      %dma_start3A_52 = tpu.memref_squeeze %dma_start3A_51 : memref<1x125xi32, #tpu.memory_space<vmem>> -> memref<125xi32, #tpu.memory_space<vmem>>
      %dma_start3A_53 = arith.constant 0 : i32
      %dma_start3A_54 = arith.constant 0 : i32
      %dma_start3A_55 = tpu.memref_slice %arg2[%dma_start3A_53, %dma_start3A_54] : memref<10240x64xf32, #tpu.memory_space<hbm>> -> memref<10240x64xf32, #tpu.memory_space<hbm>>
      tpu.enqueue_indirect_dma source(%dma_start3A_55 : memref<10240x64xf32, #tpu.memory_space<hbm>>) target(%arg10 : memref<125x64xf32, #tpu.memory_space<vmem>>) offsets(%dma_start3A_52 : memref<125xi32, #tpu.memory_space<vmem>>) semaphore(%arg13 : memref<!tpu.dma_semaphore, #tpu.memory_space<semaphore_mem>>)
      %dma_wait3A_56 = arith.constant 0 : i32
      %dma_wait3A_57 = tpu.memref_slice %arg7[%mul3A_47, %dma_wait3A_56] : memref<40x125xi32, #tpu.memory_space<vmem>> -> memref<1x125xi32, #tpu.memory_space<vmem>>
      %dma_wait3A_58 = tpu.memref_squeeze %dma_wait3A_57 : memref<1x125xi32, #tpu.memory_space<vmem>> -> memref<125xi32, #tpu.memory_space<vmem>>
      %dma_wait3A_59 = arith.constant 0 : i32
      %dma_wait3A_60 = arith.constant 0 : i32
      %dma_wait3A_61 = tpu.memref_slice %arg2[%dma_wait3A_59, %dma_wait3A_60] : memref<10240x64xf32, #tpu.memory_space<hbm>> -> memref<10240x64xf32, #tpu.memory_space<hbm>>
      tpu.wait_indirect_dma semaphore(%arg12 : memref<!tpu.dma_semaphore, #tpu.memory_space<semaphore_mem>>) src(%dma_wait3A_61 : memref<10240x64xf32, #tpu.memory_space<hbm>>) dst(%arg9 : memref<125x64xf32, #tpu.memory_space<vmem>>)
      "tpu.region"() ({
        %run_scoped3A = tpu.sem_alloc : memref<!tpu.dma_semaphore, #tpu.memory_space<semaphore_mem>>
        %dma_start3A_76 = arith.constant 0 : i32
        %dma_start3A_77 = tpu.memref_slice %arg8[%mul3A_47, %dma_start3A_76] : memref<40x125xi32, #tpu.memory_space<vmem>> -> memref<1x125xi32, #tpu.memory_space<vmem>>
        %dma_start3A_78 = tpu.memref_squeeze %dma_start3A_77 : memref<1x125xi32, #tpu.memory_space<vmem>> -> memref<125xi32, #tpu.memory_space<vmem>>
        %dma_start3A_79 = arith.constant 0 : i32
        %dma_start3A_80 = arith.constant 0 : i32
        %dma_start3A_81 = tpu.memref_slice %arg11[%dma_start3A_79, %dma_start3A_80] : memref<10240x64xf32, #tpu.memory_space<vmem_shared>> -> memref<10240x64xf32, #tpu.memory_space<vmem_shared>>
        tpu.enqueue_indirect_dma source(%arg9 : memref<125x64xf32, #tpu.memory_space<vmem>>) target(%dma_start3A_81 : memref<10240x64xf32, #tpu.memory_space<vmem_shared>>) offsets(%dma_start3A_78 : memref<125xi32, #tpu.memory_space<vmem>>) semaphore(%run_scoped3A : memref<!tpu.dma_semaphore, #tpu.memory_space<semaphore_mem>>) {add = true}
        %dma_wait3A_82 = arith.constant 0 : i32
        %dma_wait3A_83 = tpu.memref_slice %arg8[%mul3A_47, %dma_wait3A_82] : memref<40x125xi32, #tpu.memory_space<vmem>> -> memref<1x125xi32, #tpu.memory_space<vmem>>
        %dma_wait3A_84 = tpu.memref_squeeze %dma_wait3A_83 : memref<1x125xi32, #tpu.memory_space<vmem>> -> memref<125xi32, #tpu.memory_space<vmem>>
        %dma_wait3A_85 = arith.constant 0 : i32
        %dma_wait3A_86 = arith.constant 0 : i32
        %dma_wait3A_87 = tpu.memref_slice %arg11[%dma_wait3A_85, %dma_wait3A_86] : memref<10240x64xf32, #tpu.memory_space<vmem_shared>> -> memref<10240x64xf32, #tpu.memory_space<vmem_shared>>
        tpu.wait_indirect_dma semaphore(%run_scoped3A : memref<!tpu.dma_semaphore, #tpu.memory_space<semaphore_mem>>) src(%arg9 : memref<125x64xf32, #tpu.memory_space<vmem>>) dst(%dma_wait3A_87 : memref<10240x64xf32, #tpu.memory_space<vmem_shared>>)
        tpu.yield
      }) : () -> ()
      %add3A_62 = arith.constant 2 : i32
      %add3A_63 = arith.addi %mul3A_47, %add3A_62 : i32
      %lt3A = arith.constant 40 : i32
      %lt3A_64 = arith.cmpi slt, %add3A_63, %lt3A : i32
      %convert_element_type3A = arith.extui %lt3A_64 : i1 to i32
      %cond3A = arith.constant 0 : i32
      %cond3A_65 = arith.cmpi ne, %convert_element_type3A, %cond3A : i32
      scf.if %cond3A_65 {
        %add3A_76 = arith.constant 2 : i32
        %add3A_77 = arith.addi %mul3A_47, %add3A_76 : i32
        %dma_start3A_78 = arith.constant 0 : i32
        %dma_start3A_79 = tpu.memref_slice %arg7[%add3A_77, %dma_start3A_78] : memref<40x125xi32, #tpu.memory_space<vmem>> -> memref<1x125xi32, #tpu.memory_space<vmem>>
        %dma_start3A_80 = tpu.memref_squeeze %dma_start3A_79 : memref<1x125xi32, #tpu.memory_space<vmem>> -> memref<125xi32, #tpu.memory_space<vmem>>
        %dma_start3A_81 = arith.constant 0 : i32
        %dma_start3A_82 = arith.constant 0 : i32
        %dma_start3A_83 = tpu.memref_slice %arg2[%dma_start3A_81, %dma_start3A_82] : memref<10240x64xf32, #tpu.memory_space<hbm>> -> memref<10240x64xf32, #tpu.memory_space<hbm>>
        tpu.enqueue_indirect_dma source(%dma_start3A_83 : memref<10240x64xf32, #tpu.memory_space<hbm>>) target(%arg9 : memref<125x64xf32, #tpu.memory_space<vmem>>) offsets(%dma_start3A_80 : memref<125xi32, #tpu.memory_space<vmem>>) semaphore(%arg12 : memref<!tpu.dma_semaphore, #tpu.memory_space<semaphore_mem>>)
      } else {
      }
      %add3A_66 = arith.constant 1 : i32
      %add3A_67 = arith.addi %mul3A_47, %add3A_66 : i32
      %dma_wait3A_68 = arith.constant 0 : i32
      %dma_wait3A_69 = tpu.memref_slice %arg7[%add3A_67, %dma_wait3A_68] : memref<40x125xi32, #tpu.memory_space<vmem>> -> memref<1x125xi32, #tpu.memory_space<vmem>>
      %dma_wait3A_70 = tpu.memref_squeeze %dma_wait3A_69 : memref<1x125xi32, #tpu.memory_space<vmem>> -> memref<125xi32, #tpu.memory_space<vmem>>
      %dma_wait3A_71 = arith.constant 0 : i32
      %dma_wait3A_72 = arith.constant 0 : i32
      %dma_wait3A_73 = tpu.memref_slice %arg2[%dma_wait3A_71, %dma_wait3A_72] : memref<10240x64xf32, #tpu.memory_space<hbm>> -> memref<10240x64xf32, #tpu.memory_space<hbm>>
      tpu.wait_indirect_dma semaphore(%arg13 : memref<!tpu.dma_semaphore, #tpu.memory_space<semaphore_mem>>) src(%dma_wait3A_73 : memref<10240x64xf32, #tpu.memory_space<hbm>>) dst(%arg10 : memref<125x64xf32, #tpu.memory_space<vmem>>)
      %add3A_74 = arith.constant 1 : i32
      %add3A_75 = arith.addi %mul3A_47, %add3A_74 : i32
      "tpu.region"() ({
        %run_scoped3A = tpu.sem_alloc : memref<!tpu.dma_semaphore, #tpu.memory_space<semaphore_mem>>
        %dma_start3A_76 = arith.constant 0 : i32
        %dma_start3A_77 = tpu.memref_slice %arg8[%add3A_75, %dma_start3A_76] : memref<40x125xi32, #tpu.memory_space<vmem>> -> memref<1x125xi32, #tpu.memory_space<vmem>>
        %dma_start3A_78 = tpu.memref_squeeze %dma_start3A_77 : memref<1x125xi32, #tpu.memory_space<vmem>> -> memref<125xi32, #tpu.memory_space<vmem>>
        %dma_start3A_79 = arith.constant 0 : i32
        %dma_start3A_80 = arith.constant 0 : i32
        %dma_start3A_81 = tpu.memref_slice %arg11[%dma_start3A_79, %dma_start3A_80] : memref<10240x64xf32, #tpu.memory_space<vmem_shared>> -> memref<10240x64xf32, #tpu.memory_space<vmem_shared>>
        tpu.enqueue_indirect_dma source(%arg10 : memref<125x64xf32, #tpu.memory_space<vmem>>) target(%dma_start3A_81 : memref<10240x64xf32, #tpu.memory_space<vmem_shared>>) offsets(%dma_start3A_78 : memref<125xi32, #tpu.memory_space<vmem>>) semaphore(%run_scoped3A : memref<!tpu.dma_semaphore, #tpu.memory_space<semaphore_mem>>) {add = true}
        %dma_wait3A_82 = arith.constant 0 : i32
        %dma_wait3A_83 = tpu.memref_slice %arg8[%add3A_75, %dma_wait3A_82] : memref<40x125xi32, #tpu.memory_space<vmem>> -> memref<1x125xi32, #tpu.memory_space<vmem>>
        %dma_wait3A_84 = tpu.memref_squeeze %dma_wait3A_83 : memref<1x125xi32, #tpu.memory_space<vmem>> -> memref<125xi32, #tpu.memory_space<vmem>>
        %dma_wait3A_85 = arith.constant 0 : i32
        %dma_wait3A_86 = arith.constant 0 : i32
        %dma_wait3A_87 = tpu.memref_slice %arg11[%dma_wait3A_85, %dma_wait3A_86] : memref<10240x64xf32, #tpu.memory_space<vmem_shared>> -> memref<10240x64xf32, #tpu.memory_space<vmem_shared>>
        tpu.wait_indirect_dma semaphore(%run_scoped3A : memref<!tpu.dma_semaphore, #tpu.memory_space<semaphore_mem>>) src(%arg10 : memref<125x64xf32, #tpu.memory_space<vmem>>) dst(%dma_wait3A_87 : memref<10240x64xf32, #tpu.memory_space<vmem_shared>>)
        tpu.yield
      }) : () -> ()
    }
    %scan3A_39 = arith.constant 20 : i32
    %barrier3A_40 = arith.constant 0 : index
    tpu.barrier barrier_id(%barrier3A_40)
    "tpu.region"() ({
      %run_scoped3A = tpu.sem_alloc : memref<!tpu.dma_semaphore, #tpu.memory_space<semaphore_mem>>
      %dma_start3A_41 = arith.constant 0 : i32
      %dma_start3A_42 = tpu.memref_slice %arg6[%arg0, %mul3A_2, %dma_start3A_41] : memref<2x10240x64xf32, #tpu.memory_space<hbm>> -> memref<1x640x64xf32, #tpu.memory_space<hbm>>
      %dma_start3A_43 = tpu.memref_squeeze %dma_start3A_42 : memref<1x640x64xf32, #tpu.memory_space<hbm>> -> memref<640x64xf32, #tpu.memory_space<hbm>>
      %dma_start3A_44 = arith.constant 0 : i32
      %dma_start3A_45 = tpu.memref_slice %arg11[%mul3A_2, %dma_start3A_44] : memref<10240x64xf32, #tpu.memory_space<vmem_shared>> -> memref<640x64xf32, #tpu.memory_space<vmem_shared>>
      tpu.enqueue_dma source(%dma_start3A_45 : memref<640x64xf32, #tpu.memory_space<vmem_shared>>) target(%dma_start3A_43 : memref<640x64xf32, #tpu.memory_space<hbm>>) target_semaphore(%run_scoped3A : memref<!tpu.dma_semaphore, #tpu.memory_space<semaphore_mem>>)
      %dma_wait3A_46 = arith.constant 0 : i32
      %dma_wait3A_47 = tpu.memref_slice %arg6[%arg0, %mul3A_2, %dma_wait3A_46] : memref<2x10240x64xf32, #tpu.memory_space<hbm>> -> memref<1x640x64xf32, #tpu.memory_space<hbm>>
      %dma_wait3A_48 = tpu.memref_squeeze %dma_wait3A_47 : memref<1x640x64xf32, #tpu.memory_space<hbm>> -> memref<640x64xf32, #tpu.memory_space<hbm>>
      %dma_wait3A_49 = arith.constant 0 : i32
      %dma_wait3A_50 = tpu.memref_slice %arg11[%mul3A_2, %dma_wait3A_49] : memref<10240x64xf32, #tpu.memory_space<vmem_shared>> -> memref<640x64xf32, #tpu.memory_space<vmem_shared>>
      tpu.wait_dma2 semaphore(%run_scoped3A : memref<!tpu.dma_semaphore, #tpu.memory_space<semaphore_mem>>) src(%dma_wait3A_50 : memref<640x64xf32, #tpu.memory_space<vmem_shared>>) dst(%dma_wait3A_48 : memref<640x64xf32, #tpu.memory_space<hbm>>)
      tpu.yield
    }) : () -> ()
    return
  }
}

module attributes {stable_mosaic.version = 14 : i64} {
  func.func @_mm_body(%arg0: memref<10000x128xf32, #tpu.memory_space<vmem>>, %arg1: memref<128x128xf32, #tpu.memory_space<vmem>>, %arg2: memref<10000x128xf32, #tpu.memory_space<vmem>>) attributes {dimension_semantics = [], scalar_prefetch = 0 : i64, scratch_operands = 0 : i64, tpu.core_type = #tpu.core_type<tc>} {
    %get3A = arith.constant 0 : index
    %get3A_0 = arith.constant 0 : index
    %get3A_1 = vector.load %arg0[%get3A, %get3A_0] : memref<10000x128xf32, #tpu.memory_space<vmem>>, vector<10000x128xf32>
    %get3A_2 = arith.constant 0 : index
    %get3A_3 = arith.constant 0 : index
    %get3A_4 = vector.load %arg1[%get3A_2, %get3A_3] : memref<128x128xf32, #tpu.memory_space<vmem>>, vector<128x128xf32>
    %dot_general3A = arith.constant dense<0.000000e+00> : vector<10000x128xf32>
    %dot_general3A_5 = tpu.matmul %get3A_1, %get3A_4, %dot_general3A {dimension_numbers = #tpu.dot_dimension_numbers<[1], [0], [0], [1], [0, 0, 1, 1], [], []>, transpose_lhs_hint = false} : vector<10000x128xf32>, vector<128x128xf32>, vector<10000x128xf32> -> vector<10000x128xf32>
    %swap3A = arith.constant 0 : index
    %swap3A_6 = arith.constant 0 : index
    %swap3A_7 = vector.load %arg2[%swap3A, %swap3A_6] : memref<10000x128xf32, #tpu.memory_space<vmem>>, vector<10000x128xf32>
    tpu.vector_store %arg2[%swap3A, %swap3A_6], %dot_general3A_5 {strides = array<i32>} : memref<10000x128xf32, #tpu.memory_space<vmem>>, vector<10000x128xf32>,
    return
  }
}

module attributes {stable_mosaic.version = 14 : i64} {
  func.func @_combine_body(%arg0: memref<2x10240x128xf32, #tpu.memory_space<vmem>>, %arg1: memref<2x10240x8xf32, #tpu.memory_space<vmem>>, %arg2: memref<10240x128xf32, #tpu.memory_space<vmem>>) attributes {dimension_semantics = [], scalar_prefetch = 0 : i64, scratch_operands = 0 : i64, tpu.core_type = #tpu.core_type<tc>} {
    %get3A = arith.constant 0 : index
    %get3A_0 = arith.constant 0 : index
    %get3A_1 = arith.constant 0 : index
    %get3A_2 = vector.load %arg0[%get3A, %get3A_0, %get3A_1] : memref<2x10240x128xf32, #tpu.memory_space<vmem>>, vector<1x10240x128xf32>
    %get3A_3 = vector.shape_cast %get3A_2 : vector<1x10240x128xf32> to vector<10240x128xf32>
    %get3A_4 = arith.constant 1 : index
    %get3A_5 = arith.constant 0 : index
    %get3A_6 = arith.constant 0 : index
    %get3A_7 = vector.load %arg0[%get3A_4, %get3A_5, %get3A_6] : memref<2x10240x128xf32, #tpu.memory_space<vmem>>, vector<1x10240x128xf32>
    %get3A_8 = vector.shape_cast %get3A_7 : vector<1x10240x128xf32> to vector<10240x128xf32>
    %add3A = arith.addf %get3A_3, %get3A_8 : vector<10240x128xf32>
    %get3A_9 = arith.constant 0 : index
    %get3A_10 = arith.constant 0 : index
    %get3A_11 = arith.constant 0 : index
    %get3A_12 = vector.load %arg1[%get3A_9, %get3A_10, %get3A_11] : memref<2x10240x8xf32, #tpu.memory_space<vmem>>, vector<1x10240x1xf32>
    %get3A_13 = vector.shape_cast %get3A_12 : vector<1x10240x1xf32> to vector<10240x1xf32>
    %get3A_14 = arith.constant 1 : index
    %get3A_15 = arith.constant 0 : index
    %get3A_16 = arith.constant 0 : index
    %get3A_17 = vector.load %arg1[%get3A_14, %get3A_15, %get3A_16] : memref<2x10240x8xf32, #tpu.memory_space<vmem>>, vector<1x10240x1xf32>
    %get3A_18 = vector.shape_cast %get3A_17 : vector<1x10240x1xf32> to vector<10240x1xf32>
    %add3A_19 = arith.addf %get3A_13, %get3A_18 : vector<10240x1xf32>
    %gt3A = arith.constant 0.000000e+00 : f32
    %gt3A_20 = vector.broadcast %gt3A : f32 to vector<10240x1xf32>
    %gt3A_21 = arith.cmpf ogt, %add3A_19, %gt3A_20 : vector<10240x1xf32>
    %gt3A_22 = arith.constant 0.000000e+00 : f32
    %gt3A_23 = vector.broadcast %gt3A_22 : f32 to vector<10240x1xf32>
    %gt3A_24 = arith.cmpf ogt, %add3A_19, %gt3A_23 : vector<10240x1xf32>
    %jit3A = arith.constant 1.000000e+00 : f32
    %broadcast_in_dim3A = vector.broadcast %jit3A : f32 to vector<10240x1xf32>
    %select_n3A = arith.select %gt3A_24, %add3A_19, %broadcast_in_dim3A : vector<10240x1xi1>, vector<10240x1xf32>
    %div3A = arith.constant 1.000000e+00 : f32
    %div3A_25 = vector.broadcast %div3A : f32 to vector<10240x1xf32>
    %div3A_26 = arith.divf %div3A_25, %select_n3A : vector<10240x1xf32>
    %jit3A_27 = arith.constant 0.000000e+00 : f32
    %broadcast_in_dim3A_28 = vector.broadcast %jit3A_27 : f32 to vector<10240x1xf32>
    %select_n3A_29 = arith.select %gt3A_21, %div3A_26, %broadcast_in_dim3A_28 : vector<10240x1xi1>, vector<10240x1xf32>
    %mul3A = vector.broadcast %select_n3A_29 : vector<10240x1xf32> to vector<10240x128xf32>
    %mul3A_30 = arith.mulf %add3A, %mul3A : vector<10240x128xf32>
    %swap3A = arith.constant 0 : index
    %swap3A_31 = arith.constant 0 : index
    %swap3A_32 = vector.load %arg2[%swap3A, %swap3A_31] : memref<10240x128xf32, #tpu.memory_space<vmem>>, vector<10240x128xf32>
    tpu.vector_store %arg2[%swap3A, %swap3A_31], %mul3A_30 {strides = array<i32>} : memref<10240x128xf32, #tpu.memory_space<vmem>>, vector<10240x128xf32>,
    return
  }
}

module attributes {stable_mosaic.version = 14 : i64} {
  func.func @_layer_body(%arg0: memref<2x10240x128xf32, #tpu.memory_space<vmem>>, %arg1: memref<2x10240x8xf32, #tpu.memory_space<vmem>>, %arg2: memref<1x128xf32, #tpu.memory_space<vmem>>, %arg3: memref<128x64xf32, #tpu.memory_space<vmem>>, %arg4: memref<10000x128xf32, #tpu.memory_space<vmem>>, %arg5: memref<10000x64xf32, #tpu.memory_space<vmem>>) attributes {dimension_semantics = [], scalar_prefetch = 0 : i64, scratch_operands = 0 : i64, tpu.core_type = #tpu.core_type<tc>} {
    %get3A = arith.constant 0 : index
    %get3A_0 = arith.constant 0 : index
    %get3A_1 = arith.constant 0 : index
    %get3A_2 = vector.load %arg0[%get3A, %get3A_0, %get3A_1] : memref<2x10240x128xf32, #tpu.memory_space<vmem>>, vector<1x10240x128xf32>
    %get3A_3 = vector.shape_cast %get3A_2 : vector<1x10240x128xf32> to vector<10240x128xf32>
    %get3A_4 = arith.constant 1 : index
    %get3A_5 = arith.constant 0 : index
    %get3A_6 = arith.constant 0 : index
    %get3A_7 = vector.load %arg0[%get3A_4, %get3A_5, %get3A_6] : memref<2x10240x128xf32, #tpu.memory_space<vmem>>, vector<1x10240x128xf32>
    %get3A_8 = vector.shape_cast %get3A_7 : vector<1x10240x128xf32> to vector<10240x128xf32>
    %add3A = arith.addf %get3A_3, %get3A_8 : vector<10240x128xf32>
    %get3A_9 = arith.constant 0 : index
    %get3A_10 = arith.constant 0 : index
    %get3A_11 = arith.constant 0 : index
    %get3A_12 = vector.load %arg1[%get3A_9, %get3A_10, %get3A_11] : memref<2x10240x8xf32, #tpu.memory_space<vmem>>, vector<1x10240x1xf32>
    %get3A_13 = vector.shape_cast %get3A_12 : vector<1x10240x1xf32> to vector<10240x1xf32>
    %get3A_14 = arith.constant 1 : index
    %get3A_15 = arith.constant 0 : index
    %get3A_16 = arith.constant 0 : index
    %get3A_17 = vector.load %arg1[%get3A_14, %get3A_15, %get3A_16] : memref<2x10240x8xf32, #tpu.memory_space<vmem>>, vector<1x10240x1xf32>
    %get3A_18 = vector.shape_cast %get3A_17 : vector<1x10240x1xf32> to vector<10240x1xf32>
    %add3A_19 = arith.addf %get3A_13, %get3A_18 : vector<10240x1xf32>
    %gt3A = arith.constant 0.000000e+00 : f32
    %gt3A_20 = vector.broadcast %gt3A : f32 to vector<10240x1xf32>
    %gt3A_21 = arith.cmpf ogt, %add3A_19, %gt3A_20 : vector<10240x1xf32>
    %gt3A_22 = arith.constant 0.000000e+00 : f32
    %gt3A_23 = vector.broadcast %gt3A_22 : f32 to vector<10240x1xf32>
    %gt3A_24 = arith.cmpf ogt, %add3A_19, %gt3A_23 : vector<10240x1xf32>
    %jit3A = arith.constant 1.000000e+00 : f32
    %broadcast_in_dim3A = vector.broadcast %jit3A : f32 to vector<10240x1xf32>
    %select_n3A = arith.select %gt3A_24, %add3A_19, %broadcast_in_dim3A : vector<10240x1xi1>, vector<10240x1xf32>
    %div3A = arith.constant 1.000000e+00 : f32
    %div3A_25 = vector.broadcast %div3A : f32 to vector<10240x1xf32>
    %div3A_26 = arith.divf %div3A_25, %select_n3A : vector<10240x1xf32>
    %jit3A_27 = arith.constant 0.000000e+00 : f32
    %broadcast_in_dim3A_28 = vector.broadcast %jit3A_27 : f32 to vector<10240x1xf32>
    %select_n3A_29 = arith.select %gt3A_21, %div3A_26, %broadcast_in_dim3A_28 : vector<10240x1xi1>, vector<10240x1xf32>
    %mul3A = vector.broadcast %select_n3A_29 : vector<10240x1xf32> to vector<10240x128xf32>
    %mul3A_30 = arith.mulf %add3A, %mul3A : vector<10240x128xf32>
    %get3A_31 = arith.constant 0 : index
    %get3A_32 = arith.constant 0 : index
    %get3A_33 = vector.load %arg2[%get3A_31, %get3A_32] : memref<1x128xf32, #tpu.memory_space<vmem>>, vector<1x128xf32>
    %add3A_34 = vector.broadcast %get3A_33 : vector<1x128xf32> to vector<10240x128xf32>
    %add3A_35 = arith.addf %mul3A_30, %add3A_34 : vector<10240x128xf32>
    %max3A = arith.constant 0.000000e+00 : f32
    %max3A_36 = vector.broadcast %max3A : f32 to vector<10240x128xf32>
    %max3A_37 = arith.maximumf %add3A_35, %max3A_36 : vector<10240x128xf32>
    %slice3A = vector.extract_strided_slice %max3A_37 {offsets = [0, 0], sizes = [10000, 128], strides = [1, 1]} : vector<10240x128xf32> to vector<10000x128xf32>
    %swap3A = arith.constant 0 : index
    %swap3A_38 = arith.constant 0 : index
    %swap3A_39 = vector.load %arg4[%swap3A, %swap3A_38] : memref<10000x128xf32, #tpu.memory_space<vmem>>, vector<10000x128xf32>
    tpu.vector_store %arg4[%swap3A, %swap3A_38], %slice3A {strides = array<i32>} : memref<10000x128xf32, #tpu.memory_space<vmem>>, vector<10000x128xf32>,
    %get3A_40 = arith.constant 0 : index
    %get3A_41 = arith.constant 0 : index
    %get3A_42 = vector.load %arg3[%get3A_40, %get3A_41] : memref<128x64xf32, #tpu.memory_space<vmem>>, vector<128x64xf32>
    %dot_general3A = arith.constant dense<0.000000e+00> : vector<10000x64xf32>
    %dot_general3A_43 = tpu.matmul %slice3A, %get3A_42, %dot_general3A {dimension_numbers = #tpu.dot_dimension_numbers<[1], [0], [0], [1], [0, 0, 1, 1], [], []>, transpose_lhs_hint = false} : vector<10000x128xf32>, vector<128x64xf32>, vector<10000x64xf32> -> vector<10000x64xf32>
    %swap3A_44 = arith.constant 0 : index
    %swap3A_45 = arith.constant 0 : index
    %swap3A_46 = vector.load %arg5[%swap3A_44, %swap3A_45] : memref<10000x64xf32, #tpu.memory_space<vmem>>, vector<10000x64xf32>
    tpu.vector_store %arg5[%swap3A_44, %swap3A_45], %dot_general3A_43 {strides = array<i32>} : memref<10000x64xf32, #tpu.memory_space<vmem>>, vector<10000x64xf32>,
    return
  }
}

module attributes {stable_mosaic.version = 14 : i64} {
  func.func @_combine_body(%arg0: memref<2x10240x64xf32, #tpu.memory_space<vmem>>, %arg1: memref<2x10240x8xf32, #tpu.memory_space<vmem>>, %arg2: memref<10240x64xf32, #tpu.memory_space<vmem>>) attributes {dimension_semantics = [], scalar_prefetch = 0 : i64, scratch_operands = 0 : i64, tpu.core_type = #tpu.core_type<tc>} {
    %get3A = arith.constant 0 : index
    %get3A_0 = arith.constant 0 : index
    %get3A_1 = arith.constant 0 : index
    %get3A_2 = vector.load %arg0[%get3A, %get3A_0, %get3A_1] : memref<2x10240x64xf32, #tpu.memory_space<vmem>>, vector<1x10240x64xf32>
    %get3A_3 = vector.shape_cast %get3A_2 : vector<1x10240x64xf32> to vector<10240x64xf32>
    %get3A_4 = arith.constant 1 : index
    %get3A_5 = arith.constant 0 : index
    %get3A_6 = arith.constant 0 : index
    %get3A_7 = vector.load %arg0[%get3A_4, %get3A_5, %get3A_6] : memref<2x10240x64xf32, #tpu.memory_space<vmem>>, vector<1x10240x64xf32>
    %get3A_8 = vector.shape_cast %get3A_7 : vector<1x10240x64xf32> to vector<10240x64xf32>
    %add3A = arith.addf %get3A_3, %get3A_8 : vector<10240x64xf32>
    %get3A_9 = arith.constant 0 : index
    %get3A_10 = arith.constant 0 : index
    %get3A_11 = arith.constant 0 : index
    %get3A_12 = vector.load %arg1[%get3A_9, %get3A_10, %get3A_11] : memref<2x10240x8xf32, #tpu.memory_space<vmem>>, vector<1x10240x1xf32>
    %get3A_13 = vector.shape_cast %get3A_12 : vector<1x10240x1xf32> to vector<10240x1xf32>
    %get3A_14 = arith.constant 1 : index
    %get3A_15 = arith.constant 0 : index
    %get3A_16 = arith.constant 0 : index
    %get3A_17 = vector.load %arg1[%get3A_14, %get3A_15, %get3A_16] : memref<2x10240x8xf32, #tpu.memory_space<vmem>>, vector<1x10240x1xf32>
    %get3A_18 = vector.shape_cast %get3A_17 : vector<1x10240x1xf32> to vector<10240x1xf32>
    %add3A_19 = arith.addf %get3A_13, %get3A_18 : vector<10240x1xf32>
    %gt3A = arith.constant 0.000000e+00 : f32
    %gt3A_20 = vector.broadcast %gt3A : f32 to vector<10240x1xf32>
    %gt3A_21 = arith.cmpf ogt, %add3A_19, %gt3A_20 : vector<10240x1xf32>
    %gt3A_22 = arith.constant 0.000000e+00 : f32
    %gt3A_23 = vector.broadcast %gt3A_22 : f32 to vector<10240x1xf32>
    %gt3A_24 = arith.cmpf ogt, %add3A_19, %gt3A_23 : vector<10240x1xf32>
    %jit3A = arith.constant 1.000000e+00 : f32
    %broadcast_in_dim3A = vector.broadcast %jit3A : f32 to vector<10240x1xf32>
    %select_n3A = arith.select %gt3A_24, %add3A_19, %broadcast_in_dim3A : vector<10240x1xi1>, vector<10240x1xf32>
    %div3A = arith.constant 1.000000e+00 : f32
    %div3A_25 = vector.broadcast %div3A : f32 to vector<10240x1xf32>
    %div3A_26 = arith.divf %div3A_25, %select_n3A : vector<10240x1xf32>
    %jit3A_27 = arith.constant 0.000000e+00 : f32
    %broadcast_in_dim3A_28 = vector.broadcast %jit3A_27 : f32 to vector<10240x1xf32>
    %select_n3A_29 = arith.select %gt3A_21, %div3A_26, %broadcast_in_dim3A_28 : vector<10240x1xi1>, vector<10240x1xf32>
    %mul3A = vector.broadcast %select_n3A_29 : vector<10240x1xf32> to vector<10240x64xf32>
    %mul3A_30 = arith.mulf %add3A, %mul3A : vector<10240x64xf32>
    %swap3A = arith.constant 0 : index
    %swap3A_31 = arith.constant 0 : index
    %swap3A_32 = vector.load %arg2[%swap3A, %swap3A_31] : memref<10240x64xf32, #tpu.memory_space<vmem>>, vector<10240x64xf32>
    tpu.vector_store %arg2[%swap3A, %swap3A_31], %mul3A_30 {strides = array<i32>} : memref<10240x64xf32, #tpu.memory_space<vmem>>, vector<10240x64xf32>,
    return
  }
}

module attributes {stable_mosaic.version = 14 : i64} {
  func.func @_final_body(%arg0: memref<2x10240x64xf32, #tpu.memory_space<vmem>>, %arg1: memref<2x10240x8xf32, #tpu.memory_space<vmem>>, %arg2: memref<1x64xf32, #tpu.memory_space<vmem>>, %arg3: memref<64x64xf32, #tpu.memory_space<vmem>>, %arg4: memref<1x64xf32, #tpu.memory_space<vmem>>, %arg5: memref<10000x64xf32, #tpu.memory_space<vmem>>, %arg6: memref<10000x64xf32, #tpu.memory_space<vmem>>) attributes {dimension_semantics = [], scalar_prefetch = 0 : i64, scratch_operands = 0 : i64, tpu.core_type = #tpu.core_type<tc>} {
    %get3A = arith.constant 0 : index
    %get3A_0 = arith.constant 0 : index
    %get3A_1 = arith.constant 0 : index
    %get3A_2 = vector.load %arg0[%get3A, %get3A_0, %get3A_1] : memref<2x10240x64xf32, #tpu.memory_space<vmem>>, vector<1x10240x64xf32>
    %get3A_3 = vector.shape_cast %get3A_2 : vector<1x10240x64xf32> to vector<10240x64xf32>
    %get3A_4 = arith.constant 1 : index
    %get3A_5 = arith.constant 0 : index
    %get3A_6 = arith.constant 0 : index
    %get3A_7 = vector.load %arg0[%get3A_4, %get3A_5, %get3A_6] : memref<2x10240x64xf32, #tpu.memory_space<vmem>>, vector<1x10240x64xf32>
    %get3A_8 = vector.shape_cast %get3A_7 : vector<1x10240x64xf32> to vector<10240x64xf32>
    %add3A = arith.addf %get3A_3, %get3A_8 : vector<10240x64xf32>
    %get3A_9 = arith.constant 0 : index
    %get3A_10 = arith.constant 0 : index
    %get3A_11 = arith.constant 0 : index
    %get3A_12 = vector.load %arg1[%get3A_9, %get3A_10, %get3A_11] : memref<2x10240x8xf32, #tpu.memory_space<vmem>>, vector<1x10240x1xf32>
    %get3A_13 = vector.shape_cast %get3A_12 : vector<1x10240x1xf32> to vector<10240x1xf32>
    %get3A_14 = arith.constant 1 : index
    %get3A_15 = arith.constant 0 : index
    %get3A_16 = arith.constant 0 : index
    %get3A_17 = vector.load %arg1[%get3A_14, %get3A_15, %get3A_16] : memref<2x10240x8xf32, #tpu.memory_space<vmem>>, vector<1x10240x1xf32>
    %get3A_18 = vector.shape_cast %get3A_17 : vector<1x10240x1xf32> to vector<10240x1xf32>
    %add3A_19 = arith.addf %get3A_13, %get3A_18 : vector<10240x1xf32>
    %gt3A = arith.constant 0.000000e+00 : f32
    %gt3A_20 = vector.broadcast %gt3A : f32 to vector<10240x1xf32>
    %gt3A_21 = arith.cmpf ogt, %add3A_19, %gt3A_20 : vector<10240x1xf32>
    %gt3A_22 = arith.constant 0.000000e+00 : f32
    %gt3A_23 = vector.broadcast %gt3A_22 : f32 to vector<10240x1xf32>
    %gt3A_24 = arith.cmpf ogt, %add3A_19, %gt3A_23 : vector<10240x1xf32>
    %jit3A = arith.constant 1.000000e+00 : f32
    %broadcast_in_dim3A = vector.broadcast %jit3A : f32 to vector<10240x1xf32>
    %select_n3A = arith.select %gt3A_24, %add3A_19, %broadcast_in_dim3A : vector<10240x1xi1>, vector<10240x1xf32>
    %div3A = arith.constant 1.000000e+00 : f32
    %div3A_25 = vector.broadcast %div3A : f32 to vector<10240x1xf32>
    %div3A_26 = arith.divf %div3A_25, %select_n3A : vector<10240x1xf32>
    %jit3A_27 = arith.constant 0.000000e+00 : f32
    %broadcast_in_dim3A_28 = vector.broadcast %jit3A_27 : f32 to vector<10240x1xf32>
    %select_n3A_29 = arith.select %gt3A_21, %div3A_26, %broadcast_in_dim3A_28 : vector<10240x1xi1>, vector<10240x1xf32>
    %mul3A = vector.broadcast %select_n3A_29 : vector<10240x1xf32> to vector<10240x64xf32>
    %mul3A_30 = arith.mulf %add3A, %mul3A : vector<10240x64xf32>
    %get3A_31 = arith.constant 0 : index
    %get3A_32 = arith.constant 0 : index
    %get3A_33 = vector.load %arg2[%get3A_31, %get3A_32] : memref<1x64xf32, #tpu.memory_space<vmem>>, vector<1x64xf32>
    %add3A_34 = vector.broadcast %get3A_33 : vector<1x64xf32> to vector<10240x64xf32>
    %add3A_35 = arith.addf %mul3A_30, %add3A_34 : vector<10240x64xf32>
    %max3A = arith.constant 0.000000e+00 : f32
    %max3A_36 = vector.broadcast %max3A : f32 to vector<10240x64xf32>
    %max3A_37 = arith.maximumf %add3A_35, %max3A_36 : vector<10240x64xf32>
    %slice3A = vector.extract_strided_slice %max3A_37 {offsets = [0, 0], sizes = [10000, 64], strides = [1, 1]} : vector<10240x64xf32> to vector<10000x64xf32>
    %swap3A = arith.constant 0 : index
    %swap3A_38 = arith.constant 0 : index
    %swap3A_39 = vector.load %arg5[%swap3A, %swap3A_38] : memref<10000x64xf32, #tpu.memory_space<vmem>>, vector<10000x64xf32>
    tpu.vector_store %arg5[%swap3A, %swap3A_38], %slice3A {strides = array<i32>} : memref<10000x64xf32, #tpu.memory_space<vmem>>, vector<10000x64xf32>,
    %get3A_40 = arith.constant 0 : index
    %get3A_41 = arith.constant 0 : index
    %get3A_42 = vector.load %arg3[%get3A_40, %get3A_41] : memref<64x64xf32, #tpu.memory_space<vmem>>, vector<64x64xf32>
    %dot_general3A = arith.constant dense<0.000000e+00> : vector<10000x64xf32>
    %dot_general3A_43 = tpu.matmul %slice3A, %get3A_42, %dot_general3A {dimension_numbers = #tpu.dot_dimension_numbers<[1], [0], [0], [1], [0, 0, 1, 1], [], []>, transpose_lhs_hint = false} : vector<10000x64xf32>, vector<64x64xf32>, vector<10000x64xf32> -> vector<10000x64xf32>
    %get3A_44 = arith.constant 0 : index
    %get3A_45 = arith.constant 0 : index
    %get3A_46 = vector.load %arg4[%get3A_44, %get3A_45] : memref<1x64xf32, #tpu.memory_space<vmem>>, vector<1x64xf32>
    %add3A_47 = vector.broadcast %get3A_46 : vector<1x64xf32> to vector<10000x64xf32>
    %add3A_48 = arith.addf %dot_general3A_43, %add3A_47 : vector<10000x64xf32>
    %swap3A_49 = arith.constant 0 : index
    %swap3A_50 = arith.constant 0 : index
    %swap3A_51 = vector.load %arg6[%swap3A_49, %swap3A_50] : memref<10000x64xf32, #tpu.memory_space<vmem>>, vector<10000x64xf32>
    tpu.vector_store %arg6[%swap3A_49, %swap3A_50], %add3A_48 {strides = array<i32>} : memref<10000x64xf32, #tpu.memory_space<vmem>>, vector<10000x64xf32>,
    return
  }
}

</mosaic_0001>

<sc_bundles>
// kernel: kernel.12.cloned.1.call-start
scs
__scs_entry_jumppad:
0x0: {  	(pc) =	sbr.rel $0x88, $3  }
0x1: {  	(tag) =	ssettag $0x0;
	lr =	simm.s32 $0x1  }
0x2: {  	[smem:$0x3F99] =	sst lr;
	_ =	strace $0xD0000000  }
0x3: {  	_ = 	snop  }
0x4: {  	_ = 	snop  }
0x5: {  	_ = 	snop  }
0x6: {  	_ = 	snop  }
0x7: {  	_ = 	snop  }
__scs_overlays_trampoline_lowered:
0x8: {  	[smem:$0x3FA8] =	sst s0  }
0x9: {  	[smem:$0x3FA9] =	sst s1  }
0xa: {  	[smem:$0x3FAA] =	sst s2  }
0xb: {  	[smem:$0x3FAB] =	sst s3  }
0xc: {  	[smem:$0x3FAC] =	sst s4  }
0xd: {  	[smem:$0x3FAD] =	sst s5  }
0xe: {  	[smem:$0x3FAE] =	sst s6  }
0xf: {  	[smem:$0x3FAF] =	sst s7  }
0x10: {  	[smem:$0x3FB0] =	sst s8  }
0x11: {  	[smem:$0x3FB1] =	sst s9;
	s0 =	simm.s32 @!p0 $0x0  }
0x12: {  	s1 =	sld [smem:$0x3F97];
	s0 =	simm.s32 @p0 $0x1  }
0x13: {  	[smem:$0x3FB2] =	sst s0;
	s0 =	simm.s32 @!p1 $0x0  }
0x14: {  	s2 =	sld [smem:$0x3F96];
	s0 =	simm.s32 @p1 $0x1  }
0x15: {  	[smem:$0x3FB3] =	sst s0;
	s0 =	simm.s32 @!p2 $0x0  }
0x16: {  	s3 =	sld [smem:$0x3FDB];
	s0 =	simm.s32 @p2 $0x1  }
0x17: {  	s4 =	simm.s32 $0x1BF5;
	[smem:$0x3FB5] =	sst s0  }
0x18: {  	s0 =	sld [smem:$0x3F98];
	_ =	swait.ge [sflag:s4], $0x0  }
0x19: {  	s7 =	sld [smem:$0x3F99]  }
0x1a: {  	s8 =	sadd.s32 $0xFFFFE003, lr  }
0x1b: {  	s9 =	sadd.s32 $0xFFFFFEF7, lr;
	s5 =	simm.s32 $0xFFFFFFFF;
	p2 =	slt.u32 s8, $0xFFFFF086  }
0x1c: {  	p1 =	slt.u32 s9, $0xF7A;
	s5 =	simm.s32 @!p2 $0x0  }
0x1d: {  	s5 =	simm.s32 @p1 $0x1;
	p0 =	seq.s32 s7, s2  }
0x1e: {  	s7 =	smul.u32 @!p0 $0xF7A, s2;
	p2 =	seq.s32 @!p0 s5, $0x0  }
0x1f: {  	s9 =	smul.u32 $0xF7A, s1;
	s8 =	simm.s32 @!p0 $0x1BF5;
	p2 =	por !p2, p0  }
0x20: {  	[sflag:s8] =	ssyncset.s32 @!p0 $0xFFFFF086;
	s6 =	sadd.s32 @!p0 s3, s7;
	s7 =	simm.s32 @!p0 $0x108  }
0x21: {  	s3 =	sadd.s32 s3, s9;
	s6 =	sadd.s32 @!p0 $0x88, s6;
	s7 =	simm.s32 @p2 $0x1082  }
0x22: {  	[simem:s7], [sflag:s8] =	dma.local @!p0 [hbm:s6], $0xF7A  }
0x23: {  	s9 =	sor.u32 $0xD0000000, s2;
	s6 =	simm.s32 $0x108;
	_ =	swait.ge @!p0 [sflag:s8], $0x0  }
0x24: {  	s3 =	sadd.s32 $0x88, s3;
	s6 =	simm.s32 @!p1 $0x1082;
	[sflag:s4] =	ssyncset.s32 $0xFFFFF086  }
0x25: {  	[simem:s6], [sflag:s4] =	dma.local [hbm:s3], $0xF7A  }
0x26: {  	[smem:$0x3F99] =	sst s1;
	(tag) =	ssettag s2;
	_ =	strace s9  }
0x27: {  	s1 =	sld [smem:$0x3FA9]  }
0x28: {  	s2 =	sld [smem:$0x3FAA]  }
0x29: {  	s4 =	sld [smem:$0x3FAC]  }
0x2a: {  	p0 =	seq.s32 s5, $0x0;
	s5 =	sld [smem:$0x3FAD]  }
0x2b: {  	s6 =	sld [smem:$0x3FAE]  }
0x2c: {  	s7 =	sld [smem:$0x3FAF]  }
0x2d: {  	s3 =	simm.s32 $0x108;
	s8 =	sld [smem:$0x3FB0]  }
0x2e: {  	s3 =	simm.s32 @!p0 $0x1082;
	s9 =	sld [smem:$0x3FB1]  }
0x2f: {  	lr =	sadd.s32 s0, s3;
	s0 =	sld [smem:$0x3FA8]  }
0x30: {  	s3 =	sld [smem:$0x3FAB]  }
0x31: {  	[smem:$0x3FB4] =	sst s10  }
0x32: {  	s10 =	sld [smem:$0x3FB2];
	_ =	sdelay $0x3  }
0x33: {  	p0 =	seq.s32 s10, $0x1;
	s10 =	sld [smem:$0x3FB4];
	_ =	sdelay $0x3  }
0x34: {  	[smem:$0x3FB4] =	sst s10  }
0x35: {  	s10 =	sld [smem:$0x3FB3];
	_ =	sdelay $0x3  }
0x36: {  	p1 =	seq.s32 s10, $0x1;
	s10 =	sld [smem:$0x3FB4];
	_ =	sdelay $0x3  }
0x37: {  	[smem:$0x3FB4] =	sst s10  }
0x38: {  	s10 =	sld [smem:$0x3FB5]  }
0x39: {  	_ = 	snop;
	(pc) =	sbr.ind lr, $3  }
0x3a: {  	_ = 	snop  }
0x3b: {  	_ = 	snop  }
0x3c: {  	p2 =	seq.s32 s10, $0x1;
	s10 =	sld [smem:$0x3FB4]  }
0x3d: {  	_ =	shalt  }
0x3e: {  	_ =	shalt  }
0x3f: {  	_ =	shalt  }
0x40: {  	_ =	shalt  }
0x41: {  	_ =	shalt  }
0x42: {  	_ =	shalt  }
0x43: {  	_ =	shalt  }
0x44: {  	_ =	shalt  }
0x45: {  	_ =	shalt  }
0x46: {  	_ =	shalt  }
0x47: {  	_ =	shalt  }
0x48: {  	_ =	shalt  }
0x49: {  	_ =	shalt  }
0x4a: {  	_ =	shalt  }
0x4b: {  	_ =	shalt  }
0x4c: {  	_ =	shalt  }
0x4d: {  	_ =	shalt  }
0x4e: {  	_ =	shalt  }
0x4f: {  	_ =	shalt  }
0x50: {  	_ =	shalt  }
0x51: {  	_ =	shalt  }
0x52: {  	_ =	shalt  }
0x53: {  	_ =	shalt  }
0x54: {  	_ =	shalt  }
0x55: {  	_ =	shalt  }
0x56: {  	_ =	shalt  }
0x57: {  	_ =	shalt  }
0x58: {  	_ =	shalt  }
0x59: {  	_ =	shalt  }
0x5a: {  	_ =	shalt  }
0x5b: {  	_ =	shalt  }
0x5c: {  	_ =	shalt  }
0x5d: {  	_ =	shalt  }
0x5e: {  	_ =	shalt  }
0x5f: {  	_ =	shalt  }
0x60: {  	_ =	shalt  }
0x61: {  	_ =	shalt  }
0x62: {  	_ =	shalt  }
0x63: {  	_ =	shalt  }
0x64: {  	_ =	shalt  }
0x65: {  	_ =	shalt  }
0x66: {  	_ =	shalt  }
0x67: {  	_ =	shalt  }
0x68: {  	_ =	shalt  }
0x69: {  	_ =	shalt  }
0x6a: {  	_ =	shalt  }
0x6b: {  	_ =	shalt  }
0x6c: {  	_ =	shalt  }
0x6d: {  	_ =	shalt  }
0x6e: {  	_ =	shalt  }
0x6f: {  	_ =	shalt  }
0x70: {  	_ =	shalt  }
0x71: {  	_ =	shalt  }
0x72: {  	_ =	shalt  }
0x73: {  	_ =	shalt  }
0x74: {  	_ =	shalt  }
0x75: {  	_ =	shalt  }
0x76: {  	_ =	shalt  }
0x77: {  	_ =	shalt  }
0x78: {  	_ =	shalt  }
0x79: {  	_ =	shalt  }
0x7a: {  	_ =	shalt  }
0x7b: {  	_ =	shalt  }
0x7c: {  	_ =	shalt  }
0x7d: {  	_ =	shalt  }
0x7e: {  	_ =	shalt  }
0x7f: {  	_ =	shalt  }
0x80: {  	_ =	shalt  }
0x81: {  	_ =	shalt  }
0x82: {  	_ =	shalt  }
0x83: {  	_ =	shalt  }
0x84: {  	_ =	shalt  }
0x85: {  	_ =	shalt  }
0x86: {  	_ =	shalt  }
0x87: {  	_ =	shalt  }
.Lfunc_end0:
.L_simem_size_0:
called_computation_lowered:
.L_overlay_start_0:
0x88: {  	s2 =	sld [smem:$0x3FD9]  }
0x89: {  	s3 =	sld [smem:$0x3FFE];
	_ =	sdelay $0x1  }
0x8a: {  	s1 =	srdreg.scid  }
0x8b: {  	s0 =	sand.u32 $0x1, s1  }
0x8c: {  	s16 =	sshll.u32 s0, $0xA;
	s2 =	sadd.s32 s3, s2  }
0x8d: {  	s2 =	sadd.s32 s2, s16  }
0x8e: {  	[smem:$0x3FC0] =	sst s2  }
0x8f: {  	_ = 	snop  }
0x90: {  	(tm) =	ssettm $0x1  }
0x91: {  	s17 =	sld [smem:$0x3FFB];
	_ =	sdelay $0x3  }
0x92: {  	_ =	strace s17  }
0x93: {  	s2 =	sld [smem:$0x3FFC];
	_ =	sdelay $0x3  }
0x94: {  	_ =	strace s2  }
0x95: {  	s2 =	sld [smem:$0x3FFD];
	_ =	sdelay $0x3  }
0x96: {  	_ =	strace s2  }
0x97: {  	_ =	strace $0x8FFFFFFF  }
0x98: {  	s18 =	sld [smem:$0x3FDB];
	_ =	sdelay $0x1  }
0x99: {  	s19 =	simm.s32 $_scs_section_size  }
0x9a: {  	s4 =	simm.s32 $_size__tile_overlayer_lowered;
	s5 =	simm.s32 $_tile_overlayer_lowered  }
0x9b: {  	s22 =	simm.s32 $0x1BFF;
	s21 =	sshll.u32 s5, $0x1;
	s2 =	sadd.s32 s19, s18  }
0x9c: {  	s6 =	simm.s32 $0x0;
	s20 =	sshll.u32 s4, $0x1;
	s4 =	sadd.s32 s21, s2  }
0x9d: {  	[timem:s6], [sflag:s22] =	dma.local [hbm:s4], s20  }
0x9e: {  	_ =	swait.ge [sflag:s22], s20  }
0x9f: {  	s3 =	ssub.s32 $0x0, s20;
	[sflag:s22] =	ssyncset.done $0x0  }
0xa0: {  	[sflag:s22] =	ssyncadd.s32 s3;
	_ =	sdelay $0x1  }
0xa1: {  	s23 =	simm.s32 $0x1B8B  }
0xa2: {  	_ =	swait.ge [sflag:s23], $0x1  }
0xa3: {  	[sflag:s23] =	ssyncset.done $0x0  }
0xa4: {  	s25 =	simm.s32 $0x1B8E;
	s24 =	sld [smem:$0x3FFE];
	[sflag:s23] =	ssyncadd.s32 $0xFFFFFFFF  }
0xa5: {  	s26 =	simm.s32 $execute0_lowered;
	[smem:$0x3FD2] =	sst s25  }
0xa6: {  	s4 =	sshll.u32 s26, $0x1;
	_ =	strace $0x80000046;
	[dreg:$0x1] =	wrdreg $0xFFFFFFFF  }
0xa7: {  	s28 =	simm.s32 $_size_execute0_lowered;
	s2 =	sadd.s32 s2, s4;
	[dreg:$0x0] =	wrdreg $0x0  }
0xa8: {  	s4 =	sshll.u32 s28, $0x1;
	[dreg:$0x2] =	wrdreg s2  }
0xa9: {  	[dreg:$0x3] =	wrdreg s4  }
0xaa: {  	[dreg:$0x4] =	wrdreg $0xC0  }
0xab: {  	_ =	task [dreg:s6], $0x5FFFF  }
0xac: {  	[dreg:$0x1] =	wrdreg $0xFFFFFFFF  }
0xad: {  	[dreg:$0x0] =	wrdreg $0x60  }
0xae: {  	[dreg:$0x2] =	wrdreg s24  }
0xaf: {  	[dreg:$0x3] =	wrdreg $0x53E80  }
0xb0: {  	[dreg:$0x4] =	wrdreg $0x67E80  }
0xb1: {  	[dreg:$0x5] =	wrdreg $0x9  }
0xb2: {  	_ =	task.clear_ibuf [dreg:s6], $0x6FFFF;
	_ =	strace $0x90000046  }
0xb3: {  	s29 =	simm.s32 $0x9;
	_ =	strace $0x80000048  }
0xb4: {  	_ =	swait.ge [sflag:s29], $0x1  }
0xb5: {  	[sflag:s29] =	ssyncadd.s32 $0xFFFFFFFF  }
0xb6: {  	_ =	strace $0x90000048  }
0xb7: {  	_ =	sfence  }
0xb8: {  	s30 =	sld [smem:$0x0];
	_ =	sdelay $0x2  }
0xb9: {  	s31 =	sshll.u32 s1, $0xD;
	s1 =	sshrl.u32 s1, $0x2  }
0xba: {  	s3 =	sand.u32 $0x4000, s31;
	s1 =	sadd.s32 s1, s30  }
0xbb: {  	s0 =	sor.u32 s3, s0;
	s1 =	sshll.u32 s1, $0x11  }
0xbc: {  	s0 =	sor.u32 s1, s0  }
0xbd: {  	s0 =	sadd.s32 $0x8F2B, s0  }
0xbe: {  	[sflag:s0] =	ssyncadd.remote.s32 $0x1  }
0xbf: {  	_ =	sfence.sel $0xFFFF  }
0xc0: {  	[dreg:$0x0] =	wrdreg $0xFFFFFFFF;
	(pc) =	sbr.abs _section_cstart, $3  }
0xc1: {  	[dreg:$0x1] =	wrdreg $0xFFFFFFFF  }
0xc2: {  	_ =	task.clear_ibuf [dreg:s6], $0x2FFFF;
	_ =	strace $0x9FFFFFFF  }
0xc3: {  	(tm) =	ssettm $0x7FFFFFFF  }
tec
execute0_lowered:
.L_overlay_start_1:
0x0: {  	(tag) =	ssettag $0x1  }
0x1: {  	s7 =	rddreg [dreg:$0x0]  }
0x2: {  	s0 =	srdreg.scid;
	s2 =	rddreg [dreg:$0x1]  }
0x3: {  	s3 =	rddreg [dreg:$0x2];
	s4 =	simm.s32 $0x0;
	s16 =	simm.s32 $0x5000  }
0x4: {  	s17 =	simm.s32 $0x2800;
	s6 =	sand.u32 $0x1, s0;
	s0 =	stileid.u32  }
0x5: {  	s18 =	simm.s32 $0x7D;
	s19 =	simm.s32 $0x0;
	s8 =	smul.u32 $0x1400, s0  }
0x6: {  	[smem:$0x7FF] =	sst s4;
	s1 =	sshll.u32 s6, $0x4;
	s9 =	smul.u32 $0x14000, s6  }
0x7: {  	s6 =	ssub.s32 $0x2, s6;
	s31 =	sshll.u32 s0, $0x6;
	s1 =	sor.u32 s0, s1  }
0x8: {  	s30 =	sshrl.u32 s6, $0x1;
	s5 =	smul.u32 $0x500, s1;
	s1 =	rddreg [dreg:$0x3]  }
0x9: {  	_ =	strace $0x80000047;
	s9 =	sadd.s32 s8, s9;
	s11 =	sshrl.u32 s8, $0x3  }
0xa: {  	s13 =	ssub.s32 s6, s30;
	s14 =	sadd.s32 s8, s2;
	s15 =	sadd.s32 s8, s3  }
0xb: {  	s9 =	sshrl.u32 s9, $0x3;
	s11 =	sadd.s32 s11, s7;
	s15 =	sshrl.u32 s15, $0x3  }
0xc: {  	s10 =	sadd.s32 s5, s7;
	s5 =	sadd.s32 $0x19E00, s7;
	s12 =	sadd.s32 s9, s7  }
0xd: {  	s6 =	sadd.s32 $0x17600, s11;
	s7 =	sor.u32 $0x1C01, s31;
	s8 =	sadd.s32 $0xD600, s10  }
0xe: {  	s9 =	sadd.s32 $0x3600, s10;
	s10 =	sadd.s32 $0x1F000, s12;
	s11 =	sadd.s32 $0x1A000, s12  }
0xf: {  	s12 =	smax.u32 s13, $0x1;
	s13 =	sshrl.u32 s14, $0x3;
	s14 =	simm.s32 $0x1  }
.LBB2_1:
0x10: {  	[spmem:s13], [sflag:s7] =	dma.local [hbm:s6], $0x280  }
0x11: {  	_ =	swait.ge [sflag:s14], $0x280  }
0x12: {  	[sflag:s14] =	ssyncset.done $0x0  }
0x13: {  	[sflag:s14] =	ssyncadd.s32 $0xFFFFFD80  }
0x14: {  	[spmem:s15], [sflag:s7] =	dma.local [hbm:s6], $0x280  }
0x15: {  	_ =	swait.ge [sflag:s14], $0x280  }
0x16: {  	[sflag:s14] =	ssyncset.done $0x0  }
0x17: {  	[sflag:s14] =	ssyncadd.s32 $0xFFFFFD80  }
0x18: {  	[tilespmem:s16], [sflag:$0x1] =	stream.linear.gather [hbm4b:s5+s4], $0x3E8, $0x38;
	[tilespmem:$0x7BE8] =	vst v63  }
0x19: {  	_ =	swait.ge [sflag:s14], $0x3E8  }
0x1a: {  	[sflag:s14] =	ssyncset.done $0x0  }
0x1b: {  	[sflag:s14] =	ssyncadd.s32 $0xFFFFFC18  }
0x1c: {  	[tilespmem:s4], [sflag:$0x1] =	stream.linear.gather [hbm4b:s8+s4], $0x2800, $0x38;
	[tilespmem:$0x7BE8] =	vst v63  }
0x1d: {  	_ =	swait.ge [sflag:s14], $0x2800  }
0x1e: {  	[sflag:s14] =	ssyncset.done $0x0  }
0x1f: {  	[sflag:s14] =	ssyncadd.s32 $0xFFFFD800  }
0x20: {  	[tilespmem:s17], [sflag:$0x1] =	stream.linear.gather [hbm4b:s9+s4], $0x2800, $0x38;
	[tilespmem:$0x7BE8] =	vst v63  }
0x21: {  	_ =	swait.ge [sflag:s14], $0x2800  }
0x22: {  	[sflag:s14] =	ssyncset.done $0x0  }
0x23: {  	[sflag:s14] =	ssyncadd.s32 $0xFFFFD800  }
0x24: {  	s20 =	simm.s32 $0x0;
	[bflag:$0x0] =	sbarrier.arrive $0xFFFF  }
0x25: {  	[spmem:s2] =	stream.indirect.scatter.add.f32 [tilespmem:s16], [sflag:$0x1], $0x8, s20, s18, $0xb8;
	[tilespmem:$0x7BE8] =	vst v63  }
0x26: {  	_ =	swait.ge [sflag:s14], $0x3E8  }
0x27: {  	[sflag:s14] =	ssyncset.done $0x0  }
0x28: {  	s31 =	simm.s32 $0x2800;
	[sflag:s14] =	ssyncadd.s32 $0xFFFFFC18  }
0x29: {  	[spmem:s3] =	stream.indirect.scatter.add.f32 [tilespmem:s16], [sflag:$0x1], $0x8, s31, s18, $0xb8;
	[tilespmem:$0x7BE8] =	vst v63  }
0x2a: {  	_ =	swait.ge [sflag:s14], $0x3E8  }
0x2b: {  	s21 =	simm.s32 $0x400;
	s20 =	simm.s32 $0x200;
	[sflag:s14] =	ssyncset.done $0x0  }
.LBB2_2:
0x2c: {  	s22 =	sshra.s32 s20, $0x2  }
0x2d: {  	[sflag:s14] =	ssyncadd.s32 $0xFFFFFC18;
	s20 =	smov.u32 s21;
	s23 =	sadd.s32 $0x200, s21  }
0x2e: {  	[spmem:s2] =	stream.indirect.scatter.add.f32 [tilespmem:s16], [sflag:$0x1], $0x8, s22, s18, $0xb8;
	[tilespmem:$0x7BE8] =	vst v63  }
0x2f: {  	p0 =	sne.s32 s21, $0x9E00;
	_ =	swait.ge [sflag:s14], $0x3E8  }
.Ltmp0:
0x30: {  	[sflag:s14] =	ssyncset.done $0x0;
	(pc) =	sbr.rel @p0 .LBB2_2-.Ltmp0, $4  }
0x31: {  	s21 =	sadd.s32 $0x2800, s22;
	[sflag:s14] =	ssyncadd.s32 $0xFFFFFC18  }
0x32: {  	[spmem:s3] =	stream.indirect.scatter.add.f32 [tilespmem:s16], [sflag:$0x1], $0x8, s21, s18, $0xb8;
	[tilespmem:$0x7BE8] =	vst v63  }
0x33: {  	_ =	swait.ge [sflag:s14], $0x3E8  }
0x34: {  	s21 =	smov.u32 s23;
	[sflag:s14] =	ssyncset.done $0x0  }
0x35: {  	s20 =	sshra.s32 s20, $0x2;
	[sflag:s14] =	ssyncadd.s32 $0xFFFFFC18  }
0x36: {  	[spmem:s2] =	stream.indirect.scatter.add.f32 [tilespmem:s16], [sflag:$0x1], $0x8, s20, s18, $0xb8;
	[tilespmem:$0x7BE8] =	vst v63  }
0x37: {  	_ =	swait.ge [sflag:s14], $0x3E8  }
0x38: {  	[sflag:s14] =	ssyncset.done $0x0  }
0x39: {  	s20 =	sadd.s32 $0x2800, s20;
	[sflag:s14] =	ssyncadd.s32 $0xFFFFFC18  }
0x3a: {  	[spmem:s3] =	stream.indirect.scatter.add.f32 [tilespmem:s16], [sflag:$0x1], $0x8, s20, s18, $0xb8;
	[tilespmem:$0x7BE8] =	vst v63  }
0x3b: {  	_ =	swait.ge [sflag:s14], $0x3E8  }
0x3c: {  	[sflag:s14] =	ssyncset.done $0x0  }
0x3d: {  	[sflag:s14] =	ssyncadd.s32 $0xFFFFFC18  }
0x3e: {  	[bflag:$0x0] =	sbarrier.arrive $0xFFFF  }
0x3f: {  	[hbm:s10], [sflag:s7] =	dma.local [spmem:s13], $0x280  }
0x40: {  	s19 =	sadd.s32 $0x1, s19;
	_ =	swait.ge [sflag:s14], $0x280  }
0x41: {  	p0 =	sne.s32 s19, s12;
	[sflag:s14] =	ssyncset.done $0x0  }
.Ltmp1:
0x42: {  	[sflag:s14] =	ssyncadd.s32 $0xFFFFFD80;
	(pc) =	sbr.rel @p0 .LBB2_1-.Ltmp1, $4  }
0x43: {  	[hbm:s11], [sflag:s7] =	dma.local [spmem:s15], $0x280  }
0x44: {  	_ =	swait.ge [sflag:s14], $0x280  }
0x45: {  	[sflag:s14] =	ssyncset.done $0x0  }
0x46: {  	[sflag:s14] =	ssyncadd.s32 $0xFFFFFD80  }
0x47: {  	_ =	sfence.sel $0x180000  }
0x48: {  	[bflag:$0x0] =	sbarrier.arrive $0xFFFF  }
0x49: {  	p0 =	sne.s32 s0, $0x0;
	_ =	strace $0x90000047  }
0x4a: {  	s0 =	sadd.s32 @!p0 $0x100000, s1;
	[bflag:$0x2] =	sbarrier.arrive $0xFFFF  }
0x4b: {  	[sflag:s0] =	ssyncadd.tile.s32 @!p0 $0x1;
	_ =	shalt  }
.Lfunc_end2:
_tile_overlayer_lowered:
.L_overlay_start_2:
0x4c: {  	(tag) =	ssettag $0x2  }
0x4d: {  	s0 =	rddreg [dreg:$0x0];
	s2 =	stileid.u32  }
0x4e: {  	s1 =	rddreg [dreg:$0x1];
	p0 =	sne.s32 s2, $0x0  }
0x4f: {  	s3 =	rddreg [dreg:$0x2];
	[bflag:$0x3] =	sbarrier.arrive $0xFFFF;
	s2 =	simm.s32 @!p0 $0x1C01  }
0x50: {  	[timem:s3], [sflag:s2] =	dma.local @!p0 [hbm:s0], s1  }
0x51: {  	s0 =	simm.s32 @!p0 $0x1  }
0x52: {  	_ =	swait.ge @!p0 [sflag:s0], s1  }
0x53: {  	s1 =	ssub.s32 @!p0 $0x0, s1;
	[sflag:s0] =	ssyncset.done @!p0 $0x0  }
0x54: {  	[sflag:s0] =	ssyncadd.s32 @!p0 s1  }
0x55: {  	[bflag:$0x3] =	sbarrier.arrive $0xFFFF  }
0x56: {  	_ =	shalt  }

// kernel: kernel.15.cloned.1.call-start
scs
__scs_entry_jumppad:
0x0: {  	(pc) =	sbr.rel $0x88, $3  }
0x1: {  	(tag) =	ssettag $0x0;
	lr =	simm.s32 $0x1  }
0x2: {  	[smem:$0x3F99] =	sst lr;
	_ =	strace $0xD0000000  }
0x3: {  	_ = 	snop  }
0x4: {  	_ = 	snop  }
0x5: {  	_ = 	snop  }
0x6: {  	_ = 	snop  }
0x7: {  	_ = 	snop  }
__scs_overlays_trampoline_lowered:
0x8: {  	[smem:$0x3FA8] =	sst s0  }
0x9: {  	[smem:$0x3FA9] =	sst s1  }
0xa: {  	[smem:$0x3FAA] =	sst s2  }
0xb: {  	[smem:$0x3FAB] =	sst s3  }
0xc: {  	[smem:$0x3FAC] =	sst s4  }
0xd: {  	[smem:$0x3FAD] =	sst s5  }
0xe: {  	[smem:$0x3FAE] =	sst s6  }
0xf: {  	[smem:$0x3FAF] =	sst s7  }
0x10: {  	[smem:$0x3FB0] =	sst s8  }
0x11: {  	[smem:$0x3FB1] =	sst s9;
	s0 =	simm.s32 @!p0 $0x0  }
0x12: {  	s1 =	sld [smem:$0x3F97];
	s0 =	simm.s32 @p0 $0x1  }
0x13: {  	[smem:$0x3FB2] =	sst s0;
	s0 =	simm.s32 @!p1 $0x0  }
0x14: {  	s2 =	sld [smem:$0x3F96];
	s0 =	simm.s32 @p1 $0x1  }
0x15: {  	[smem:$0x3FB3] =	sst s0;
	s0 =	simm.s32 @!p2 $0x0  }
0x16: {  	s3 =	sld [smem:$0x3FDB];
	s0 =	simm.s32 @p2 $0x1  }
0x17: {  	s4 =	simm.s32 $0x1BF5;
	[smem:$0x3FB5] =	sst s0  }
0x18: {  	s0 =	sld [smem:$0x3F98];
	_ =	swait.ge [sflag:s4], $0x0  }
0x19: {  	s7 =	sld [smem:$0x3F99]  }
0x1a: {  	s8 =	sadd.s32 $0xFFFFE003, lr  }
0x1b: {  	s9 =	sadd.s32 $0xFFFFFEF7, lr;
	s5 =	simm.s32 $0xFFFFFFFF;
	p2 =	slt.u32 s8, $0xFFFFF086  }
0x1c: {  	p1 =	slt.u32 s9, $0xF7A;
	s5 =	simm.s32 @!p2 $0x0  }
0x1d: {  	s5 =	simm.s32 @p1 $0x1;
	p0 =	seq.s32 s7, s2  }
0x1e: {  	s7 =	smul.u32 @!p0 $0xF7A, s2;
	p2 =	seq.s32 @!p0 s5, $0x0  }
0x1f: {  	s9 =	smul.u32 $0xF7A, s1;
	s8 =	simm.s32 @!p0 $0x1BF5;
	p2 =	por !p2, p0  }
0x20: {  	[sflag:s8] =	ssyncset.s32 @!p0 $0xFFFFF086;
	s6 =	sadd.s32 @!p0 s3, s7;
	s7 =	simm.s32 @!p0 $0x108  }
0x21: {  	s3 =	sadd.s32 s3, s9;
	s6 =	sadd.s32 @!p0 $0x88, s6;
	s7 =	simm.s32 @p2 $0x1082  }
0x22: {  	[simem:s7], [sflag:s8] =	dma.local @!p0 [hbm:s6], $0xF7A  }
0x23: {  	s9 =	sor.u32 $0xD0000000, s2;
	s6 =	simm.s32 $0x108;
	_ =	swait.ge @!p0 [sflag:s8], $0x0  }
0x24: {  	s3 =	sadd.s32 $0x88, s3;
	s6 =	simm.s32 @!p1 $0x1082;
	[sflag:s4] =	ssyncset.s32 $0xFFFFF086  }
0x25: {  	[simem:s6], [sflag:s4] =	dma.local [hbm:s3], $0xF7A  }
0x26: {  	[smem:$0x3F99] =	sst s1;
	(tag) =	ssettag s2;
	_ =	strace s9  }
0x27: {  	s1 =	sld [smem:$0x3FA9]  }
0x28: {  	s2 =	sld [smem:$0x3FAA]  }
0x29: {  	s4 =	sld [smem:$0x3FAC]  }
0x2a: {  	p0 =	seq.s32 s5, $0x0;
	s5 =	sld [smem:$0x3FAD]  }
0x2b: {  	s6 =	sld [smem:$0x3FAE]  }
0x2c: {  	s7 =	sld [smem:$0x3FAF]  }
0x2d: {  	s3 =	simm.s32 $0x108;
	s8 =	sld [smem:$0x3FB0]  }
0x2e: {  	s3 =	simm.s32 @!p0 $0x1082;
	s9 =	sld [smem:$0x3FB1]  }
0x2f: {  	lr =	sadd.s32 s0, s3;
	s0 =	sld [smem:$0x3FA8]  }
0x30: {  	s3 =	sld [smem:$0x3FAB]  }
0x31: {  	[smem:$0x3FB4] =	sst s10  }
0x32: {  	s10 =	sld [smem:$0x3FB2];
	_ =	sdelay $0x3  }
0x33: {  	p0 =	seq.s32 s10, $0x1;
	s10 =	sld [smem:$0x3FB4];
	_ =	sdelay $0x3  }
0x34: {  	[smem:$0x3FB4] =	sst s10  }
0x35: {  	s10 =	sld [smem:$0x3FB3];
	_ =	sdelay $0x3  }
0x36: {  	p1 =	seq.s32 s10, $0x1;
	s10 =	sld [smem:$0x3FB4];
	_ =	sdelay $0x3  }
0x37: {  	[smem:$0x3FB4] =	sst s10  }
0x38: {  	s10 =	sld [smem:$0x3FB5]  }
0x39: {  	_ = 	snop;
	(pc) =	sbr.ind lr, $3  }
0x3a: {  	_ = 	snop  }
0x3b: {  	_ = 	snop  }
0x3c: {  	p2 =	seq.s32 s10, $0x1;
	s10 =	sld [smem:$0x3FB4]  }
0x3d: {  	_ =	shalt  }
0x3e: {  	_ =	shalt  }
0x3f: {  	_ =	shalt  }
0x40: {  	_ =	shalt  }
0x41: {  	_ =	shalt  }
0x42: {  	_ =	shalt  }
0x43: {  	_ =	shalt  }
0x44: {  	_ =	shalt  }
0x45: {  	_ =	shalt  }
0x46: {  	_ =	shalt  }
0x47: {  	_ =	shalt  }
0x48: {  	_ =	shalt  }
0x49: {  	_ =	shalt  }
0x4a: {  	_ =	shalt  }
0x4b: {  	_ =	shalt  }
0x4c: {  	_ =	shalt  }
0x4d: {  	_ =	shalt  }
0x4e: {  	_ =	shalt  }
0x4f: {  	_ =	shalt  }
0x50: {  	_ =	shalt  }
0x51: {  	_ =	shalt  }
0x52: {  	_ =	shalt  }
0x53: {  	_ =	shalt  }
0x54: {  	_ =	shalt  }
0x55: {  	_ =	shalt  }
0x56: {  	_ =	shalt  }
0x57: {  	_ =	shalt  }
0x58: {  	_ =	shalt  }
0x59: {  	_ =	shalt  }
0x5a: {  	_ =	shalt  }
0x5b: {  	_ =	shalt  }
0x5c: {  	_ =	shalt  }
0x5d: {  	_ =	shalt  }
0x5e: {  	_ =	shalt  }
0x5f: {  	_ =	shalt  }
0x60: {  	_ =	shalt  }
0x61: {  	_ =	shalt  }
0x62: {  	_ =	shalt  }
0x63: {  	_ =	shalt  }
0x64: {  	_ =	shalt  }
0x65: {  	_ =	shalt  }
0x66: {  	_ =	shalt  }
0x67: {  	_ =	shalt  }
0x68: {  	_ =	shalt  }
0x69: {  	_ =	shalt  }
0x6a: {  	_ =	shalt  }
0x6b: {  	_ =	shalt  }
0x6c: {  	_ =	shalt  }
0x6d: {  	_ =	shalt  }
0x6e: {  	_ =	shalt  }
0x6f: {  	_ =	shalt  }
0x70: {  	_ =	shalt  }
0x71: {  	_ =	shalt  }
0x72: {  	_ =	shalt  }
0x73: {  	_ =	shalt  }
0x74: {  	_ =	shalt  }
0x75: {  	_ =	shalt  }
0x76: {  	_ =	shalt  }
0x77: {  	_ =	shalt  }
0x78: {  	_ =	shalt  }
0x79: {  	_ =	shalt  }
0x7a: {  	_ =	shalt  }
0x7b: {  	_ =	shalt  }
0x7c: {  	_ =	shalt  }
0x7d: {  	_ =	shalt  }
0x7e: {  	_ =	shalt  }
0x7f: {  	_ =	shalt  }
0x80: {  	_ =	shalt  }
0x81: {  	_ =	shalt  }
0x82: {  	_ =	shalt  }
0x83: {  	_ =	shalt  }
0x84: {  	_ =	shalt  }
0x85: {  	_ =	shalt  }
0x86: {  	_ =	shalt  }
0x87: {  	_ =	shalt  }
.Lfunc_end0:
.L_simem_size_0:
called_computation.1_lowered:
.L_overlay_start_0:
0x88: {  	s2 =	sld [smem:$0x3FD9]  }
0x89: {  	s3 =	sld [smem:$0x3FFE];
	_ =	sdelay $0x1  }
0x8a: {  	s1 =	srdreg.scid  }
0x8b: {  	s0 =	sand.u32 $0x1, s1  }
0x8c: {  	s15 =	sshll.u32 s0, $0xA;
	s2 =	sadd.s32 s3, s2  }
0x8d: {  	s2 =	sadd.s32 s2, s15  }
0x8e: {  	[smem:$0x3FC0] =	sst s2  }
0x8f: {  	_ = 	snop  }
0x90: {  	s2 =	sld [smem:$0x3FD0];
	_ =	sdelay $0x2  }
0x91: {  	s5 =	simm.s32 $0xB;
	s16 =	simm.s32 $0x10  }
0x92: {  	[smem:s16], [sflag:s5] =	dma.local [hbm:s2], $0x1  }
0x93: {  	_ =	swait.eq [sflag:s5], $0x1  }
0x94: {  	s17 =	sld [smem:$0x10];
	[sflag:s5] =	ssyncset.done $0x0  }
0x95: {  	s4 =	sld [smem:$0x11];
	[sflag:s5] =	ssyncadd.s32 $0xFFFFFFFF  }
0x96: {  	s18 =	sld [smem:$0x12];
	(tm) =	ssettm $0x1  }
0x97: {  	s19 =	sld [smem:$0x3FFB];
	_ =	sdelay $0x3  }
0x98: {  	_ =	strace s19  }
0x99: {  	s2 =	sld [smem:$0x3FFC];
	_ =	sdelay $0x3  }
0x9a: {  	_ =	strace s2  }
0x9b: {  	s2 =	sld [smem:$0x3FFD];
	_ =	sdelay $0x3  }
0x9c: {  	_ =	strace s2  }
0x9d: {  	_ =	strace $0x8FFFFFFF  }
0x9e: {  	s20 =	sld [smem:$0x3FDB];
	_ =	sdelay $0x1  }
0x9f: {  	s6 =	simm.s32 $_scs_section_size  }
0xa0: {  	s7 =	simm.s32 $_size__tile_overlayer_lowered;
	s8 =	simm.s32 $_tile_overlayer_lowered  }
0xa1: {  	s9 =	simm.s32 $0x1BFF;
	s21 =	sshll.u32 s8, $0x1;
	s6 =	sadd.s32 s6, s20  }
0xa2: {  	s22 =	simm.s32 $0x0;
	s7 =	sshll.u32 s7, $0x1;
	s8 =	sadd.s32 s21, s6  }
0xa3: {  	[timem:s22], [sflag:s9] =	dma.local [hbm:s8], s7  }
0xa4: {  	_ =	swait.ge [sflag:s9], s7  }
0xa5: {  	s7 =	ssub.s32 $0x0, s7;
	[sflag:s9] =	ssyncset.done $0x0  }
0xa6: {  	[sflag:s9] =	ssyncadd.s32 s7;
	_ =	sdelay $0x1  }
0xa7: {  	s23 =	simm.s32 $0x1B8B  }
0xa8: {  	_ =	swait.ge [sflag:s23], $0x1  }
0xa9: {  	[sflag:s23] =	ssyncset.done $0x0  }
0xaa: {  	[sflag:s23] =	ssyncadd.s32 $0xFFFFFFFF  }
0xab: {  	s7 =	sld [smem:$0x0]  }
0xac: {  	s8 =	sand.u32 $0xFFFFFFFE, s1  }
0xad: {  	p0 =	sne.s32 s1, s8  }
0xae: {  	s8 =	sshll.u32 @p0 s8, $0xE  }
0xaf: {  	s8 =	sadd.s32 @p0 $0x11B8D, s8;
	s9 =	sshll.u32 @p0 s7, $0x11  }
0xb0: {  	s8 =	sor.u32 @p0 s9, s8  }
0xb1: {  	[sflag:s8] =	ssyncadd.remote.s32 @p0 $0x1;
	_ =	sdelay $0x1  }
0xb2: {  	s8 =	simm.s32 @p0 $0x1B8D  }
0xb3: {  	_ =	swait.eq @p0 [sflag:s8], $0x1  }
0xb4: {  	[sflag:s8] =	ssyncadd.s32 @p0 $0xFFFFFFFF  }
0xb5: {  	s9 =	sshll.u32 @!p0 s1, $0xE  }
0xb6: {  	s9 =	sor.u32 @!p0 $0x4000, s9;
	s8 =	simm.s32 @!p0 $0x1B8D  }
0xb7: {  	s7 =	sshll.u32 @!p0 s7, $0x11;
	s9 =	sadd.s32 @!p0 $0x11B8D, s9;
	_ =	swait.eq @!p0 [sflag:s8], $0x1  }
0xb8: {  	s7 =	sor.u32 @!p0 s7, s9;
	[sflag:s8] =	ssyncadd.s32 @!p0 $0xFFFFFFFF  }
0xb9: {  	s25 =	simm.s32 $0x1B8E;
	s24 =	sld [smem:$0x3FFE];
	[sflag:s7] =	ssyncadd.remote.s32 @!p0 $0x1  }
0xba: {  	s26 =	simm.s32 $execute0_lowered;
	[smem:$0x3FD2] =	sst s25  }
0xbb: {  	s8 =	sshll.u32 s26, $0x1;
	_ =	strace $0x80000049;
	[dreg:$0x1] =	wrdreg $0xFFFFFFFF  }
0xbc: {  	s28 =	simm.s32 $_size_execute0_lowered;
	s6 =	sadd.s32 s6, s8;
	[dreg:$0x0] =	wrdreg $0x0  }
0xbd: {  	s8 =	sshll.u32 s28, $0x1;
	[dreg:$0x2] =	wrdreg s6  }
0xbe: {  	[dreg:$0x3] =	wrdreg s8  }
0xbf: {  	[dreg:$0x4] =	wrdreg $0xC0  }
0xc0: {  	_ =	task [dreg:s22], $0x5FFFF  }
0xc1: {  	[dreg:$0x1] =	wrdreg $0xFFFFFFFF  }
0xc2: {  	[dreg:$0x0] =	wrdreg $0x60  }
0xc3: {  	[dreg:$0x2] =	wrdreg s4  }
0xc4: {  	[dreg:$0x3] =	wrdreg s18  }
0xc5: {  	[dreg:$0x4] =	wrdreg s17  }
0xc6: {  	[dreg:$0x5] =	wrdreg s24  }
0xc7: {  	[dreg:$0x6] =	wrdreg $0xA8000  }
0xc8: {  	[dreg:$0x7] =	wrdreg $0xA  }
0xc9: {  	_ =	task.clear_ibuf [dreg:s22], $0x8FFFF;
	_ =	strace $0x90000049  }
0xca: {  	s29 =	simm.s32 $0xA;
	_ =	strace $0x8000004B  }
0xcb: {  	_ =	swait.ge [sflag:s29], $0x1  }
0xcc: {  	[sflag:s29] =	ssyncadd.s32 $0xFFFFFFFF  }
0xcd: {  	_ =	strace $0x9000004B  }
0xce: {  	_ =	sfence  }
0xcf: {  	s30 =	sld [smem:$0x0];
	_ =	sdelay $0x2  }
0xd0: {  	s31 =	sshll.u32 s1, $0xD;
	s1 =	sshrl.u32 s1, $0x2  }
0xd1: {  	s4 =	sand.u32 $0x4000, s31;
	s1 =	sadd.s32 s1, s30  }
0xd2: {  	s0 =	sor.u32 s4, s0;
	s1 =	sshll.u32 s1, $0x11  }
0xd3: {  	s0 =	sor.u32 s1, s0  }
0xd4: {  	s0 =	sadd.s32 $0x8F2B, s0  }
0xd5: {  	[sflag:s0] =	ssyncadd.remote.s32 $0x1  }
0xd6: {  	_ =	sfence.sel $0xFFFF  }
0xd7: {  	[dreg:$0x0] =	wrdreg $0xFFFFFFFF;
	(pc) =	sbr.abs _section_cstart, $3  }
0xd8: {  	[dreg:$0x1] =	wrdreg $0xFFFFFFFF  }
0xd9: {  	_ =	task.clear_ibuf [dreg:s22], $0x2FFFF;
	_ =	strace $0x9FFFFFFF  }
0xda: {  	(tm) =	ssettm $0x7FFFFFFF  }
0xdb: {  	_ =	shalt  }
tec
execute0_lowered:
.L_overlay_start_1:
0x0: {  	(tag) =	ssettag $0x1  }
0x1: {  	s1 =	rddreg [dreg:$0x0]  }
0x2: {  	s10 =	rddreg [dreg:$0x1]  }
0x3: {  	s11 =	rddreg [dreg:$0x2]  }
0x4: {  	s5 =	rddreg [dreg:$0x3];
	s0 =	stileid.u32  }
0x5: {  	s2 =	srdreg.scid;
	s3 =	rddreg [dreg:$0x4]  }
0x6: {  	s4 =	simm.s32 $0x0;
	s17 =	simm.s32 $0x1400;
	s18 =	simm.s32 $0x7D  }
0x7: {  	s19 =	simm.s32 $0x2800;
	s20 =	simm.s32 $0x6800;
	s21 =	simm.s32 $0x1  }
0x8: {  	s22 =	simm.s32 $0x2;
	s23 =	simm.s32 $0x1380;
	s6 =	smul.u32 $0x14000, s0  }
0x9: {  	s7 =	sand.u32 $0x1, s2;
	[smem:$0x7FF] =	sst s4;
	s12 =	smul.u32 $0x50000, s0  }
0xa: {  	s24 =	simm.s32 $0x2700;
	s8 =	smul.u32 $0x140000, s7;
	_ =	strace $0x8000004A  }
0xb: {  	s25 =	sshll.u32 s7, $0x4;
	s26 =	ssub.s32 $0x2, s7;
	s9 =	sshrl.u32 s6, $0x3  }
0xc: {  	s28 =	sor.u32 s0, s25;
	s7 =	sshrl.u32 s26, $0x1;
	s29 =	sshrl.u32 s12, $0x2  }
0xd: {  	s25 =	simm.s32 $0x2780;
	s9 =	sadd.s32 s9, s5;
	s6 =	sadd.s32 s6, s8  }
0xe: {  	s30 =	smul.u32 $0x2800, s28;
	s14 =	ssub.s32 s26, s7;
	s15 =	sadd.s32 s29, s3  }
0xf: {  	s16 =	smul.u32 $0x500, s28;
	s26 =	simm.s32 $0x0;
	s6 =	sshrl.u32 s6, $0x3  }
0x10: {  	s13 =	sadd.s32 s6, s5;
	s5 =	sadd.s32 $0x24000, s9;
	s6 =	sshll.u32 s0, $0x6  }
0x11: {  	s31 =	sshrl.u32 s30, $0x3;
	s8 =	sadd.s32 s10, s16;
	s9 =	sadd.s32 s11, s16  }
0x12: {  	s16 =	simm.s32 $0x4;
	s7 =	sor.u32 $0x1C03, s6;
	s12 =	sadd.s32 $0x280, s31  }
0x13: {  	s10 =	sadd.s32 s10, s12;
	s11 =	sadd.s32 s11, s12;
	s12 =	sadd.s32 $0x4C000, s13  }
0x14: {  	s13 =	smax.u32 s14, $0x1;
	s14 =	sshrl.u32 s15, $0x3;
	s15 =	simm.s32 $0x3  }
.LBB2_1:
0x15: {  	[spmem:s14], [sflag:s7] =	dma.local [hbm:s5], $0x2800  }
0x16: {  	_ =	swait.ge [sflag:s15], $0x2800  }
0x17: {  	[sflag:s15] =	ssyncset.done $0x0  }
0x18: {  	[sflag:s15] =	ssyncadd.s32 $0xFFFFD800  }
0x19: {  	[bflag:$0x0] =	sbarrier.arrive $0xFFFF  }
0x1a: {  	[tilespmem:s4], [sflag:$0x4] =	stream.linear.gather [hbm4b:s8+s4], $0x1400, $0x38;
	[tilespmem:$0x1E800] =	vst v63  }
0x1b: {  	_ =	swait.ge [sflag:s16], $0x1400  }
0x1c: {  	[sflag:s16] =	ssyncset.done $0x0  }
0x1d: {  	[sflag:s16] =	ssyncadd.s32 $0xFFFFEC00  }
0x1e: {  	[tilespmem:s17], [sflag:$0x4] =	stream.linear.gather [hbm4b:s9+s4], $0x1400, $0x38;
	[tilespmem:$0x1E800] =	vst v63  }
0x1f: {  	_ =	swait.ge [sflag:s16], $0x1400  }
0x20: {  	[sflag:s16] =	ssyncset.done $0x0  }
0x21: {  	[sflag:s16] =	ssyncadd.s32 $0xFFFFEC00  }
0x22: {  	[tilespmem:s19], [sflag:$0x1] =	stream.indirect.gather [hbm4b:s1+s18], $0x80, s4, s18, $0xb8;
	[tilespmem:$0x1E800] =	vst v63  }
0x23: {  	s28 =	simm.s32 $0x80  }
0x24: {  	[tilespmem:s20], [sflag:$0x2] =	stream.indirect.gather [hbm4b:s1+s18], $0x80, s28, s18, $0xb8;
	[tilespmem:$0x1E800] =	vst v63  }
0x25: {  	_ =	swait.ge [sflag:s21], $0x3E80  }
0x26: {  	[sflag:s21] =	ssyncset.done $0x0  }
0x27: {  	s28 =	simm.s32 $0x1400;
	[sflag:s21] =	ssyncadd.s32 $0xFFFFC180  }
0x28: {  	[spmem:s3] =	stream.indirect.scatter.add.f32 [tilespmem:s19], [sflag:$0x4], $0x80, s28, s18, $0xb8;
	[tilespmem:$0x1E800] =	vst v63  }
0x29: {  	_ =	swait.ge [sflag:s16], $0x3E80  }
0x2a: {  	[sflag:s16] =	ssyncset.done $0x0  }
0x2b: {  	s28 =	simm.s32 $0x100;
	[sflag:s16] =	ssyncadd.s32 $0xFFFFC180  }
0x2c: {  	[tilespmem:s19], [sflag:$0x1] =	stream.indirect.gather [hbm4b:s1+s18], $0x80, s28, s18, $0xb8;
	[tilespmem:$0x1E800] =	vst v63  }
0x2d: {  	_ =	swait.ge [sflag:s22], $0x3E80  }
0x2e: {  	[sflag:s22] =	ssyncset.done $0x0  }
0x2f: {  	s28 =	simm.s32 $0x1480;
	[sflag:s22] =	ssyncadd.s32 $0xFFFFC180  }
0x30: {  	[spmem:s3] =	stream.indirect.scatter.add.f32 [tilespmem:s20], [sflag:$0x4], $0x80, s28, s18, $0xb8;
	[tilespmem:$0x1E800] =	vst v63  }
0x31: {  	_ =	swait.ge [sflag:s16], $0x3E80  }
0x32: {  	s29 =	simm.s32 $0x800;
	s28 =	simm.s32 $0x100;
	[sflag:s16] =	ssyncset.done $0x0  }
.LBB2_2:
0x33: {  	s30 =	sadd.s32 $0x80, s28  }
0x34: {  	[sflag:s16] =	ssyncadd.s32 $0xFFFFC180;
	s31 =	smov.u32 s29;
	s2 =	sadd.s32 $0x400, s29  }
0x35: {  	[tilespmem:s20], [sflag:$0x2] =	stream.indirect.gather [hbm4b:s1+s18], $0x80, s30, s18, $0xb8;
	[tilespmem:$0x1E800] =	vst v63  }
0x36: {  	p0 =	sne.s32 s29, $0x4800;
	_ =	swait.ge [sflag:s21], $0x3E80  }
0x37: {  	[sflag:s21] =	ssyncset.done $0x0  }
0x38: {  	s29 =	sadd.s32 $0x1400, s28;
	[sflag:s21] =	ssyncadd.s32 $0xFFFFC180  }
0x39: {  	[spmem:s3] =	stream.indirect.scatter.add.f32 [tilespmem:s19], [sflag:$0x4], $0x80, s29, s18, $0xb8;
	[tilespmem:$0x1E800] =	vst v63  }
0x3a: {  	_ =	swait.ge [sflag:s16], $0x3E80  }
0x3b: {  	[sflag:s16] =	ssyncset.done $0x0  }
0x3c: {  	s29 =	sadd.s32 $0x100, s28;
	[sflag:s16] =	ssyncadd.s32 $0xFFFFC180  }
0x3d: {  	[tilespmem:s19], [sflag:$0x1] =	stream.indirect.gather [hbm4b:s1+s18], $0x80, s29, s18, $0xb8;
	[tilespmem:$0x1E800] =	vst v63  }
0x3e: {  	_ =	swait.ge [sflag:s22], $0x3E80  }
.Ltmp0:
0x3f: {  	[sflag:s22] =	ssyncset.done $0x0;
	(pc) =	sbr.rel @p0 .LBB2_2-.Ltmp0, $4  }
0x40: {  	s28 =	sadd.s32 $0x1480, s28;
	[sflag:s22] =	ssyncadd.s32 $0xFFFFC180  }
0x41: {  	[spmem:s3] =	stream.indirect.scatter.add.f32 [tilespmem:s20], [sflag:$0x4], $0x80, s28, s18, $0xb8;
	[tilespmem:$0x1E800] =	vst v63  }
0x42: {  	_ =	swait.ge [sflag:s16], $0x3E80  }
0x43: {  	s29 =	smov.u32 s2;
	s28 =	sshra.s32 s31, $0x2;
	[sflag:s16] =	ssyncset.done $0x0  }
0x44: {  	s2 =	sadd.s32 $0x80, s28;
	[sflag:s16] =	ssyncadd.s32 $0xFFFFC180  }
0x45: {  	[tilespmem:s20], [sflag:$0x2] =	stream.indirect.gather [hbm4b:s1+s18], $0x80, s2, s18, $0xb8;
	[tilespmem:$0x1E800] =	vst v63  }
0x46: {  	_ =	swait.ge [sflag:s21], $0x3E80  }
0x47: {  	[sflag:s21] =	ssyncset.done $0x0  }
0x48: {  	s30 =	sadd.s32 $0x1400, s28;
	[sflag:s21] =	ssyncadd.s32 $0xFFFFC180  }
0x49: {  	[spmem:s3] =	stream.indirect.scatter.add.f32 [tilespmem:s19], [sflag:$0x4], $0x80, s30, s18, $0xb8;
	[tilespmem:$0x1E800] =	vst v63  }
0x4a: {  	_ =	swait.ge [sflag:s16], $0x3E80  }
0x4b: {  	[sflag:s16] =	ssyncset.done $0x0  }
0x4c: {  	s31 =	sadd.s32 $0x100, s28;
	[sflag:s16] =	ssyncadd.s32 $0xFFFFC180  }
0x4d: {  	[tilespmem:s19], [sflag:$0x1] =	stream.indirect.gather [hbm4b:s1+s18], $0x80, s31, s18, $0xb8;
	[tilespmem:$0x1E800] =	vst v63  }
0x4e: {  	_ =	swait.ge [sflag:s22], $0x3E80  }
0x4f: {  	[sflag:s22] =	ssyncset.done $0x0  }
0x50: {  	s30 =	sadd.s32 $0x1480, s28;
	[sflag:s22] =	ssyncadd.s32 $0xFFFFC180  }
0x51: {  	[spmem:s3] =	stream.indirect.scatter.add.f32 [tilespmem:s20], [sflag:$0x4], $0x80, s30, s18, $0xb8;
	[tilespmem:$0x1E800] =	vst v63  }
0x52: {  	_ =	swait.ge [sflag:s16], $0x3E80  }
0x53: {  	[sflag:s16] =	ssyncset.done $0x0  }
0x54: {  	[sflag:s16] =	ssyncadd.s32 $0xFFFFC180  }
0x55: {  	[tilespmem:s20], [sflag:$0x2] =	stream.indirect.gather [hbm4b:s1+s18], $0x80, s23, s18, $0xb8;
	[tilespmem:$0x1E800] =	vst v63  }
0x56: {  	_ =	swait.ge [sflag:s21], $0x3E80  }
0x57: {  	[sflag:s21] =	ssyncset.done $0x0  }
0x58: {  	[sflag:s21] =	ssyncadd.s32 $0xFFFFC180  }
0x59: {  	[spmem:s3] =	stream.indirect.scatter.add.f32 [tilespmem:s19], [sflag:$0x4], $0x80, s24, s18, $0xb8;
	[tilespmem:$0x1E800] =	vst v63  }
0x5a: {  	_ =	swait.ge [sflag:s16], $0x3E80  }
0x5b: {  	[sflag:s16] =	ssyncset.done $0x0  }
0x5c: {  	[sflag:s16] =	ssyncadd.s32 $0xFFFFC180  }
0x5d: {  	_ =	swait.ge [sflag:s22], $0x3E80  }
0x5e: {  	[sflag:s22] =	ssyncset.done $0x0  }
0x5f: {  	[sflag:s22] =	ssyncadd.s32 $0xFFFFC180  }
0x60: {  	[spmem:s3] =	stream.indirect.scatter.add.f32 [tilespmem:s20], [sflag:$0x4], $0x80, s25, s18, $0xb8;
	[tilespmem:$0x1E800] =	vst v63  }
0x61: {  	_ =	swait.ge [sflag:s16], $0x3E80  }
0x62: {  	[sflag:s16] =	ssyncset.done $0x0  }
0x63: {  	s31 =	simm.s32 $0x0;
	[sflag:s16] =	ssyncadd.s32 $0xFFFFC180  }
0x64: {  	[tilespmem:s31], [sflag:$0x4] =	stream.linear.gather [hbm4b:s10+s31], $0x1400, $0x38;
	[tilespmem:$0x1E800] =	vst v63  }
0x65: {  	_ =	swait.ge [sflag:s16], $0x1400  }
0x66: {  	[sflag:s16] =	ssyncset.done $0x0  }
0x67: {  	[sflag:s16] =	ssyncadd.s32 $0xFFFFEC00  }
0x68: {  	[tilespmem:s17], [sflag:$0x4] =	stream.linear.gather [hbm4b:s11+s31], $0x1400, $0x38;
	[tilespmem:$0x1E800] =	vst v63  }
0x69: {  	_ =	swait.ge [sflag:s16], $0x1400  }
0x6a: {  	[sflag:s16] =	ssyncset.done $0x0  }
0x6b: {  	[sflag:s16] =	ssyncadd.s32 $0xFFFFEC00  }
0x6c: {  	[tilespmem:s19], [sflag:$0x1] =	stream.indirect.gather [hbm4b:s1+s18], $0x80, s31, s18, $0xb8;
	[tilespmem:$0x1E800] =	vst v63  }
0x6d: {  	s30 =	simm.s32 $0x80  }
0x6e: {  	[tilespmem:s20], [sflag:$0x2] =	stream.indirect.gather [hbm4b:s1+s18], $0x80, s30, s18, $0xb8;
	[tilespmem:$0x1E800] =	vst v63  }
0x6f: {  	_ =	swait.ge [sflag:s21], $0x3E80  }
0x70: {  	[sflag:s21] =	ssyncset.done $0x0  }
0x71: {  	s31 =	simm.s32 $0x1400;
	[sflag:s21] =	ssyncadd.s32 $0xFFFFC180  }
0x72: {  	[spmem:s3] =	stream.indirect.scatter.add.f32 [tilespmem:s19], [sflag:$0x4], $0x80, s31, s18, $0xb8;
	[tilespmem:$0x1E800] =	vst v63  }
0x73: {  	_ =	swait.ge [sflag:s16], $0x3E80  }
0x74: {  	[sflag:s16] =	ssyncset.done $0x0  }
0x75: {  	s30 =	simm.s32 $0x100;
	[sflag:s16] =	ssyncadd.s32 $0xFFFFC180  }
0x76: {  	[tilespmem:s19], [sflag:$0x1] =	stream.indirect.gather [hbm4b:s1+s18], $0x80, s30, s18, $0xb8;
	[tilespmem:$0x1E800] =	vst v63  }
0x77: {  	_ =	swait.ge [sflag:s22], $0x3E80  }
0x78: {  	[sflag:s22] =	ssyncset.done $0x0  }
0x79: {  	s31 =	simm.s32 $0x1480;
	[sflag:s22] =	ssyncadd.s32 $0xFFFFC180  }
0x7a: {  	[spmem:s3] =	stream.indirect.scatter.add.f32 [tilespmem:s20], [sflag:$0x4], $0x80, s31, s18, $0xb8;
	[tilespmem:$0x1E800] =	vst v63  }
0x7b: {  	_ =	swait.ge [sflag:s16], $0x3E80  }
0x7c: {  	s29 =	simm.s32 $0x800;
	s28 =	simm.s32 $0x100;
	[sflag:s16] =	ssyncset.done $0x0  }
.LBB2_4:
0x7d: {  	s2 =	sadd.s32 $0x80, s28  }
0x7e: {  	[sflag:s16] =	ssyncadd.s32 $0xFFFFC180;
	s30 =	smov.u32 s29;
	s31 =	sadd.s32 $0x400, s29  }
0x7f: {  	[tilespmem:s20], [sflag:$0x2] =	stream.indirect.gather [hbm4b:s1+s18], $0x80, s2, s18, $0xb8;
	[tilespmem:$0x1E800] =	vst v63  }
0x80: {  	p0 =	sne.s32 s29, $0x4800;
	_ =	swait.ge [sflag:s21], $0x3E80  }
0x81: {  	[sflag:s21] =	ssyncset.done $0x0  }
0x82: {  	s2 =	sadd.s32 $0x1400, s28;
	[sflag:s21] =	ssyncadd.s32 $0xFFFFC180  }
0x83: {  	[spmem:s3] =	stream.indirect.scatter.add.f32 [tilespmem:s19], [sflag:$0x4], $0x80, s2, s18, $0xb8;
	[tilespmem:$0x1E800] =	vst v63  }
0x84: {  	_ =	swait.ge [sflag:s16], $0x3E80  }
0x85: {  	[sflag:s16] =	ssyncset.done $0x0  }
0x86: {  	s2 =	sadd.s32 $0x100, s28;
	[sflag:s16] =	ssyncadd.s32 $0xFFFFC180  }
0x87: {  	[tilespmem:s19], [sflag:$0x1] =	stream.indirect.gather [hbm4b:s1+s18], $0x80, s2, s18, $0xb8;
	[tilespmem:$0x1E800] =	vst v63  }
0x88: {  	_ =	swait.ge [sflag:s22], $0x3E80  }
.Ltmp1:
0x89: {  	[sflag:s22] =	ssyncset.done $0x0;
	(pc) =	sbr.rel @p0 .LBB2_4-.Ltmp1, $4  }
0x8a: {  	s2 =	sadd.s32 $0x1480, s28;
	[sflag:s22] =	ssyncadd.s32 $0xFFFFC180  }
0x8b: {  	[spmem:s3] =	stream.indirect.scatter.add.f32 [tilespmem:s20], [sflag:$0x4], $0x80, s2, s18, $0xb8;
	[tilespmem:$0x1E800] =	vst v63  }
0x8c: {  	_ =	swait.ge [sflag:s16], $0x3E80  }
0x8d: {  	s29 =	smov.u32 s31;
	s28 =	sshra.s32 s30, $0x2;
	[sflag:s16] =	ssyncset.done $0x0  }
0x8e: {  	s2 =	sadd.s32 $0x80, s28;
	[sflag:s16] =	ssyncadd.s32 $0xFFFFC180  }
0x8f: {  	[tilespmem:s20], [sflag:$0x2] =	stream.indirect.gather [hbm4b:s1+s18], $0x80, s2, s18, $0xb8;
	[tilespmem:$0x1E800] =	vst v63  }
0x90: {  	_ =	swait.ge [sflag:s21], $0x3E80  }
0x91: {  	[sflag:s21] =	ssyncset.done $0x0  }
0x92: {  	s31 =	sadd.s32 $0x1400, s28;
	[sflag:s21] =	ssyncadd.s32 $0xFFFFC180  }
0x93: {  	[spmem:s3] =	stream.indirect.scatter.add.f32 [tilespmem:s19], [sflag:$0x4], $0x80, s31, s18, $0xb8;
	[tilespmem:$0x1E800] =	vst v63  }
0x94: {  	_ =	swait.ge [sflag:s16], $0x3E80  }
0x95: {  	[sflag:s16] =	ssyncset.done $0x0  }
0x96: {  	s29 =	sadd.s32 $0x100, s28;
	[sflag:s16] =	ssyncadd.s32 $0xFFFFC180  }
0x97: {  	[tilespmem:s19], [sflag:$0x1] =	stream.indirect.gather [hbm4b:s1+s18], $0x80, s29, s18, $0xb8;
	[tilespmem:$0x1E800] =	vst v63  }
0x98: {  	_ =	swait.ge [sflag:s22], $0x3E80  }
0x99: {  	[sflag:s22] =	ssyncset.done $0x0  }
0x9a: {  	s30 =	sadd.s32 $0x1480, s28;
	[sflag:s22] =	ssyncadd.s32 $0xFFFFC180  }
0x9b: {  	[spmem:s3] =	stream.indirect.scatter.add.f32 [tilespmem:s20], [sflag:$0x4], $0x80, s30, s18, $0xb8;
	[tilespmem:$0x1E800] =	vst v63  }
0x9c: {  	_ =	swait.ge [sflag:s16], $0x3E80  }
0x9d: {  	[sflag:s16] =	ssyncset.done $0x0  }
0x9e: {  	[sflag:s16] =	ssyncadd.s32 $0xFFFFC180  }
0x9f: {  	[tilespmem:s20], [sflag:$0x2] =	stream.indirect.gather [hbm4b:s1+s18], $0x80, s23, s18, $0xb8;
	[tilespmem:$0x1E800] =	vst v63  }
0xa0: {  	_ =	swait.ge [sflag:s21], $0x3E80  }
0xa1: {  	[sflag:s21] =	ssyncset.done $0x0  }
0xa2: {  	[sflag:s21] =	ssyncadd.s32 $0xFFFFC180  }
0xa3: {  	[spmem:s3] =	stream.indirect.scatter.add.f32 [tilespmem:s19], [sflag:$0x4], $0x80, s24, s18, $0xb8;
	[tilespmem:$0x1E800] =	vst v63  }
0xa4: {  	_ =	swait.ge [sflag:s16], $0x3E80  }
0xa5: {  	[sflag:s16] =	ssyncset.done $0x0  }
0xa6: {  	[sflag:s16] =	ssyncadd.s32 $0xFFFFC180  }
0xa7: {  	_ =	swait.ge [sflag:s22], $0x3E80  }
0xa8: {  	[sflag:s22] =	ssyncset.done $0x0  }
0xa9: {  	[sflag:s22] =	ssyncadd.s32 $0xFFFFC180  }
0xaa: {  	[spmem:s3] =	stream.indirect.scatter.add.f32 [tilespmem:s20], [sflag:$0x4], $0x80, s25, s18, $0xb8;
	[tilespmem:$0x1E800] =	vst v63  }
0xab: {  	_ =	swait.ge [sflag:s16], $0x3E80  }
0xac: {  	s26 =	sadd.s32 $0x1, s26;
	[sflag:s16] =	ssyncset.done $0x0  }
0xad: {  	p0 =	sne.s32 s26, s13;
	[sflag:s16] =	ssyncadd.s32 $0xFFFFC180  }
.Ltmp2:
0xae: {  	s31 =	sor.u32 $0x1C04, s6;
	[bflag:$0x0] =	sbarrier.arrive $0xFFFF;
	(pc) =	sbr.rel @p0 .LBB2_1-.Ltmp2, $4  }
0xaf: {  	[hbm:s12], [sflag:s31] =	dma.local [spmem:s14], $0x2800  }
0xb0: {  	_ =	swait.ge [sflag:s16], $0x2800  }
0xb1: {  	[sflag:s16] =	ssyncset.done $0x0  }
0xb2: {  	[sflag:s16] =	ssyncadd.s32 $0xFFFFD800  }
0xb3: {  	_ =	sfence.sel $0x180000  }
0xb4: {  	[bflag:$0x0] =	sbarrier.arrive $0xFFFF  }
0xb5: {  	_ =	strace $0x9000004A  }
0xb6: {  	[bflag:$0x2] =	sbarrier.arrive $0xFFFF  }
0xb7: {  	p0 =	sne.s32 s0, $0x0;
	s0 =	rddreg [dreg:$0x5]  }
0xb8: {  	s0 =	sadd.s32 @!p0 $0x100000, s0  }
0xb9: {  	[sflag:s0] =	ssyncadd.tile.s32 @!p0 $0x1;
	_ =	shalt  }
.Lfunc_end2:
_tile_overlayer_lowered:
.L_overlay_start_2:
0xba: {  	(tag) =	ssettag $0x2  }
0xbb: {  	s0 =	rddreg [dreg:$0x0];
	s2 =	stileid.u32  }
0xbc: {  	s1 =	rddreg [dreg:$0x1];
	p0 =	sne.s32 s2, $0x0  }
0xbd: {  	s3 =	rddreg [dreg:$0x2];
	[bflag:$0x3] =	sbarrier.arrive $0xFFFF;
	s2 =	simm.s32 @!p0 $0x1C04  }
0xbe: {  	[timem:s3], [sflag:s2] =	dma.local @!p0 [hbm:s0], s1  }
0xbf: {  	s0 =	simm.s32 @!p0 $0x4  }
0xc0: {  	_ =	swait.ge @!p0 [sflag:s0], s1  }
0xc1: {  	s1 =	ssub.s32 @!p0 $0x0, s1;
	[sflag:s0] =	ssyncset.done @!p0 $0x0  }
0xc2: {  	[sflag:s0] =	ssyncadd.s32 @!p0 s1  }
0xc3: {  	[bflag:$0x3] =	sbarrier.arrive $0xFFFF  }
0xc4: {  	_ =	shalt  }

// kernel: kernel.18.cloned.1.call-start
scs
__scs_entry_jumppad:
0x0: {  	(pc) =	sbr.rel $0x88, $3  }
0x1: {  	(tag) =	ssettag $0x0;
	lr =	simm.s32 $0x1  }
0x2: {  	[smem:$0x3F99] =	sst lr;
	_ =	strace $0xD0000000  }
0x3: {  	_ = 	snop  }
0x4: {  	_ = 	snop  }
0x5: {  	_ = 	snop  }
0x6: {  	_ = 	snop  }
0x7: {  	_ = 	snop  }
__scs_overlays_trampoline_lowered:
0x8: {  	[smem:$0x3FA8] =	sst s0  }
0x9: {  	[smem:$0x3FA9] =	sst s1  }
0xa: {  	[smem:$0x3FAA] =	sst s2  }
0xb: {  	[smem:$0x3FAB] =	sst s3  }
0xc: {  	[smem:$0x3FAC] =	sst s4  }
0xd: {  	[smem:$0x3FAD] =	sst s5  }
0xe: {  	[smem:$0x3FAE] =	sst s6  }
0xf: {  	[smem:$0x3FAF] =	sst s7  }
0x10: {  	[smem:$0x3FB0] =	sst s8  }
0x11: {  	[smem:$0x3FB1] =	sst s9;
	s0 =	simm.s32 @!p0 $0x0  }
0x12: {  	s1 =	sld [smem:$0x3F97];
	s0 =	simm.s32 @p0 $0x1  }
0x13: {  	[smem:$0x3FB2] =	sst s0;
	s0 =	simm.s32 @!p1 $0x0  }
0x14: {  	s2 =	sld [smem:$0x3F96];
	s0 =	simm.s32 @p1 $0x1  }
0x15: {  	[smem:$0x3FB3] =	sst s0;
	s0 =	simm.s32 @!p2 $0x0  }
0x16: {  	s3 =	sld [smem:$0x3FDB];
	s0 =	simm.s32 @p2 $0x1  }
0x17: {  	s4 =	simm.s32 $0x1BF5;
	[smem:$0x3FB5] =	sst s0  }
0x18: {  	s0 =	sld [smem:$0x3F98];
	_ =	swait.ge [sflag:s4], $0x0  }
0x19: {  	s7 =	sld [smem:$0x3F99]  }
0x1a: {  	s8 =	sadd.s32 $0xFFFFE003, lr  }
0x1b: {  	s9 =	sadd.s32 $0xFFFFFEF7, lr;
	s5 =	simm.s32 $0xFFFFFFFF;
	p2 =	slt.u32 s8, $0xFFFFF086  }
0x1c: {  	p1 =	slt.u32 s9, $0xF7A;
	s5 =	simm.s32 @!p2 $0x0  }
0x1d: {  	s5 =	simm.s32 @p1 $0x1;
	p0 =	seq.s32 s7, s2  }
0x1e: {  	s7 =	smul.u32 @!p0 $0xF7A, s2;
	p2 =	seq.s32 @!p0 s5, $0x0  }
0x1f: {  	s9 =	smul.u32 $0xF7A, s1;
	s8 =	simm.s32 @!p0 $0x1BF5;
	p2 =	por !p2, p0  }
0x20: {  	[sflag:s8] =	ssyncset.s32 @!p0 $0xFFFFF086;
	s6 =	sadd.s32 @!p0 s3, s7;
	s7 =	simm.s32 @!p0 $0x108  }
0x21: {  	s3 =	sadd.s32 s3, s9;
	s6 =	sadd.s32 @!p0 $0x88, s6;
	s7 =	simm.s32 @p2 $0x1082  }
0x22: {  	[simem:s7], [sflag:s8] =	dma.local @!p0 [hbm:s6], $0xF7A  }
0x23: {  	s9 =	sor.u32 $0xD0000000, s2;
	s6 =	simm.s32 $0x108;
	_ =	swait.ge @!p0 [sflag:s8], $0x0  }
0x24: {  	s3 =	sadd.s32 $0x88, s3;
	s6 =	simm.s32 @!p1 $0x1082;
	[sflag:s4] =	ssyncset.s32 $0xFFFFF086  }
0x25: {  	[simem:s6], [sflag:s4] =	dma.local [hbm:s3], $0xF7A  }
0x26: {  	[smem:$0x3F99] =	sst s1;
	(tag) =	ssettag s2;
	_ =	strace s9  }
0x27: {  	s1 =	sld [smem:$0x3FA9]  }
0x28: {  	s2 =	sld [smem:$0x3FAA]  }
0x29: {  	s4 =	sld [smem:$0x3FAC]  }
0x2a: {  	p0 =	seq.s32 s5, $0x0;
	s5 =	sld [smem:$0x3FAD]  }
0x2b: {  	s6 =	sld [smem:$0x3FAE]  }
0x2c: {  	s7 =	sld [smem:$0x3FAF]  }
0x2d: {  	s3 =	simm.s32 $0x108;
	s8 =	sld [smem:$0x3FB0]  }
0x2e: {  	s3 =	simm.s32 @!p0 $0x1082;
	s9 =	sld [smem:$0x3FB1]  }
0x2f: {  	lr =	sadd.s32 s0, s3;
	s0 =	sld [smem:$0x3FA8]  }
0x30: {  	s3 =	sld [smem:$0x3FAB]  }
0x31: {  	[smem:$0x3FB4] =	sst s10  }
0x32: {  	s10 =	sld [smem:$0x3FB2];
	_ =	sdelay $0x3  }
0x33: {  	p0 =	seq.s32 s10, $0x1;
	s10 =	sld [smem:$0x3FB4];
	_ =	sdelay $0x3  }
0x34: {  	[smem:$0x3FB4] =	sst s10  }
0x35: {  	s10 =	sld [smem:$0x3FB3];
	_ =	sdelay $0x3  }
0x36: {  	p1 =	seq.s32 s10, $0x1;
	s10 =	sld [smem:$0x3FB4];
	_ =	sdelay $0x3  }
0x37: {  	[smem:$0x3FB4] =	sst s10  }
0x38: {  	s10 =	sld [smem:$0x3FB5]  }
0x39: {  	_ = 	snop;
	(pc) =	sbr.ind lr, $3  }
0x3a: {  	_ = 	snop  }
0x3b: {  	_ = 	snop  }
0x3c: {  	p2 =	seq.s32 s10, $0x1;
	s10 =	sld [smem:$0x3FB4]  }
0x3d: {  	_ =	shalt  }
0x3e: {  	_ =	shalt  }
0x3f: {  	_ =	shalt  }
0x40: {  	_ =	shalt  }
0x41: {  	_ =	shalt  }
0x42: {  	_ =	shalt  }
0x43: {  	_ =	shalt  }
0x44: {  	_ =	shalt  }
0x45: {  	_ =	shalt  }
0x46: {  	_ =	shalt  }
0x47: {  	_ =	shalt  }
0x48: {  	_ =	shalt  }
0x49: {  	_ =	shalt  }
0x4a: {  	_ =	shalt  }
0x4b: {  	_ =	shalt  }
0x4c: {  	_ =	shalt  }
0x4d: {  	_ =	shalt  }
0x4e: {  	_ =	shalt  }
0x4f: {  	_ =	shalt  }
0x50: {  	_ =	shalt  }
0x51: {  	_ =	shalt  }
0x52: {  	_ =	shalt  }
0x53: {  	_ =	shalt  }
0x54: {  	_ =	shalt  }
0x55: {  	_ =	shalt  }
0x56: {  	_ =	shalt  }
0x57: {  	_ =	shalt  }
0x58: {  	_ =	shalt  }
0x59: {  	_ =	shalt  }
0x5a: {  	_ =	shalt  }
0x5b: {  	_ =	shalt  }
0x5c: {  	_ =	shalt  }
0x5d: {  	_ =	shalt  }
0x5e: {  	_ =	shalt  }
0x5f: {  	_ =	shalt  }
0x60: {  	_ =	shalt  }
0x61: {  	_ =	shalt  }
0x62: {  	_ =	shalt  }
0x63: {  	_ =	shalt  }
0x64: {  	_ =	shalt  }
0x65: {  	_ =	shalt  }
0x66: {  	_ =	shalt  }
0x67: {  	_ =	shalt  }
0x68: {  	_ =	shalt  }
0x69: {  	_ =	shalt  }
0x6a: {  	_ =	shalt  }
0x6b: {  	_ =	shalt  }
0x6c: {  	_ =	shalt  }
0x6d: {  	_ =	shalt  }
0x6e: {  	_ =	shalt  }
0x6f: {  	_ =	shalt  }
0x70: {  	_ =	shalt  }
0x71: {  	_ =	shalt  }
0x72: {  	_ =	shalt  }
0x73: {  	_ =	shalt  }
0x74: {  	_ =	shalt  }
0x75: {  	_ =	shalt  }
0x76: {  	_ =	shalt  }
0x77: {  	_ =	shalt  }
0x78: {  	_ =	shalt  }
0x79: {  	_ =	shalt  }
0x7a: {  	_ =	shalt  }
0x7b: {  	_ =	shalt  }
0x7c: {  	_ =	shalt  }
0x7d: {  	_ =	shalt  }
0x7e: {  	_ =	shalt  }
0x7f: {  	_ =	shalt  }
0x80: {  	_ =	shalt  }
0x81: {  	_ =	shalt  }
0x82: {  	_ =	shalt  }
0x83: {  	_ =	shalt  }
0x84: {  	_ =	shalt  }
0x85: {  	_ =	shalt  }
0x86: {  	_ =	shalt  }
0x87: {  	_ =	shalt  }
.Lfunc_end0:
.L_simem_size_0:
called_computation.2_lowered:
.L_overlay_start_0:
0x88: {  	s2 =	sld [smem:$0x3FD9]  }
0x89: {  	s3 =	sld [smem:$0x3FFE];
	_ =	sdelay $0x1  }
0x8a: {  	s1 =	srdreg.scid  }
0x8b: {  	s0 =	sand.u32 $0x1, s1  }
0x8c: {  	s14 =	sshll.u32 s0, $0xA;
	s2 =	sadd.s32 s3, s2  }
0x8d: {  	s2 =	sadd.s32 s2, s14  }
0x8e: {  	[smem:$0x3FC0] =	sst s2  }
0x8f: {  	_ = 	snop  }
0x90: {  	s2 =	sld [smem:$0x3FD0];
	_ =	sdelay $0x2  }
0x91: {  	s15 =	simm.s32 $0xB;
	s4 =	simm.s32 $0x10  }
0x92: {  	[smem:s4], [sflag:s15] =	dma.local [hbm:s2], $0x1  }
0x93: {  	_ =	swait.eq [sflag:s15], $0x1  }
0x94: {  	[sflag:s15] =	ssyncset.done $0x0  }
0x95: {  	s16 =	sld [smem:$0x10];
	[sflag:s15] =	ssyncadd.s32 $0xFFFFFFFF  }
0x96: {  	s17 =	sld [smem:$0x12];
	(tm) =	ssettm $0x1  }
0x97: {  	s18 =	sld [smem:$0x3FFB];
	_ =	sdelay $0x3  }
0x98: {  	_ =	strace s18  }
0x99: {  	s4 =	sld [smem:$0x3FFC];
	_ =	sdelay $0x3  }
0x9a: {  	_ =	strace s4  }
0x9b: {  	s4 =	sld [smem:$0x3FFD];
	_ =	sdelay $0x3  }
0x9c: {  	_ =	strace s4  }
0x9d: {  	_ =	strace $0x8FFFFFFF  }
0x9e: {  	s19 =	sld [smem:$0x3FDB];
	_ =	sdelay $0x1  }
0x9f: {  	s5 =	simm.s32 $_scs_section_size  }
0xa0: {  	s6 =	simm.s32 $_size__tile_overlayer_lowered;
	s7 =	simm.s32 $_tile_overlayer_lowered  }
0xa1: {  	s22 =	simm.s32 $0x1BFF;
	s21 =	sshll.u32 s7, $0x1;
	s4 =	sadd.s32 s5, s19  }
0xa2: {  	s8 =	simm.s32 $0x0;
	s20 =	sshll.u32 s6, $0x1;
	s6 =	sadd.s32 s21, s4  }
0xa3: {  	[timem:s8], [sflag:s22] =	dma.local [hbm:s6], s20  }
0xa4: {  	_ =	swait.ge [sflag:s22], s20  }
0xa5: {  	s5 =	ssub.s32 $0x0, s20;
	[sflag:s22] =	ssyncset.done $0x0  }
0xa6: {  	[sflag:s22] =	ssyncadd.s32 s5;
	_ =	sdelay $0x1  }
0xa7: {  	s23 =	simm.s32 $0x1B8B  }
0xa8: {  	_ =	swait.ge [sflag:s23], $0x1  }
0xa9: {  	[sflag:s23] =	ssyncset.done $0x0  }
0xaa: {  	s25 =	simm.s32 $0x1B8E;
	s24 =	sld [smem:$0x3FFE];
	[sflag:s23] =	ssyncadd.s32 $0xFFFFFFFF  }
0xab: {  	s26 =	simm.s32 $execute0_lowered;
	[smem:$0x3FD2] =	sst s25  }
0xac: {  	s6 =	sshll.u32 s26, $0x1;
	_ =	strace $0x8000004C;
	[dreg:$0x1] =	wrdreg $0xFFFFFFFF  }
0xad: {  	s28 =	simm.s32 $_size_execute0_lowered;
	s4 =	sadd.s32 s4, s6;
	[dreg:$0x0] =	wrdreg $0x0  }
0xae: {  	s6 =	sshll.u32 s28, $0x1;
	[dreg:$0x2] =	wrdreg s4  }
0xaf: {  	[dreg:$0x3] =	wrdreg s6  }
0xb0: {  	[dreg:$0x4] =	wrdreg $0xC0  }
0xb1: {  	_ =	task [dreg:s8], $0x5FFFF  }
0xb2: {  	[dreg:$0x1] =	wrdreg $0xFFFFFFFF  }
0xb3: {  	[dreg:$0x0] =	wrdreg $0x60  }
0xb4: {  	[dreg:$0x2] =	wrdreg s24  }
0xb5: {  	[dreg:$0x3] =	wrdreg s16  }
0xb6: {  	[dreg:$0x4] =	wrdreg s17  }
0xb7: {  	[dreg:$0x5] =	wrdreg $0xA8000  }
0xb8: {  	[dreg:$0x6] =	wrdreg $0x9  }
0xb9: {  	_ =	task.clear_ibuf [dreg:s8], $0x7FFFF;
	_ =	strace $0x9000004C  }
0xba: {  	s29 =	simm.s32 $0x9;
	_ =	strace $0x8000004E  }
0xbb: {  	_ =	swait.ge [sflag:s29], $0x1  }
0xbc: {  	[sflag:s29] =	ssyncadd.s32 $0xFFFFFFFF  }
0xbd: {  	_ =	strace $0x9000004E  }
0xbe: {  	_ =	sfence  }
0xbf: {  	s30 =	sld [smem:$0x0];
	_ =	sdelay $0x2  }
0xc0: {  	s31 =	sshll.u32 s1, $0xD;
	s1 =	sshrl.u32 s1, $0x2  }
0xc1: {  	s3 =	sand.u32 $0x4000, s31;
	s1 =	sadd.s32 s1, s30  }
0xc2: {  	s0 =	sor.u32 s3, s0;
	s1 =	sshll.u32 s1, $0x11  }
0xc3: {  	s0 =	sor.u32 s1, s0  }
0xc4: {  	s0 =	sadd.s32 $0x8F2B, s0  }
0xc5: {  	[sflag:s0] =	ssyncadd.remote.s32 $0x1  }
0xc6: {  	_ =	sfence.sel $0xFFFF  }
0xc7: {  	[dreg:$0x0] =	wrdreg $0xFFFFFFFF;
	(pc) =	sbr.abs _section_cstart, $3  }
0xc8: {  	[dreg:$0x1] =	wrdreg $0xFFFFFFFF  }
0xc9: {  	_ =	task.clear_ibuf [dreg:s8], $0x2FFFF;
	_ =	strace $0x9FFFFFFF  }
0xca: {  	(tm) =	ssettm $0x7FFFFFFF  }
0xcb: {  	_ =	shalt  }
tec
execute0_lowered:
.L_overlay_start_1:
0x0: {  	(tag) =	ssettag $0x1  }
0x1: {  	s5 =	rddreg [dreg:$0x0]  }
0x2: {  	s10 =	rddreg [dreg:$0x1]  }
0x3: {  	s11 =	rddreg [dreg:$0x2]  }
0x4: {  	s2 =	rddreg [dreg:$0x3]  }
0x5: {  	s1 =	stileid.u32;
	s4 =	srdreg.scid;
	s3 =	simm.s32 $0x0  }
0x6: {  	s17 =	simm.s32 $0x1400;
	s18 =	simm.s32 $0x7D;
	s19 =	simm.s32 $0x2800  }
0x7: {  	s20 =	simm.s32 $0x6800;
	s21 =	simm.s32 $0x1;
	s22 =	simm.s32 $0x2  }
0x8: {  	s23 =	simm.s32 $0x1380;
	s24 =	simm.s32 $0x2700;
	s6 =	smul.u32 $0x14000, s1  }
0x9: {  	s7 =	sand.u32 $0x1, s4;
	[smem:$0x7FF] =	sst s3;
	s12 =	smul.u32 $0x50000, s1  }
0xa: {  	s4 =	sadd.s32 $0x4C000, s5;
	s8 =	smul.u32 $0x140000, s7;
	_ =	strace $0x8000004D  }
0xb: {  	s25 =	sshll.u32 s7, $0x4;
	s26 =	ssub.s32 $0x2, s7;
	s9 =	sshrl.u32 s6, $0x3  }
0xc: {  	s28 =	sor.u32 s1, s25;
	s7 =	sshrl.u32 s26, $0x1;
	s29 =	sshrl.u32 s12, $0x2  }
0xd: {  	s25 =	simm.s32 $0x2780;
	s9 =	sadd.s32 s9, s5;
	s6 =	sadd.s32 s6, s8  }
0xe: {  	s30 =	smul.u32 $0x2800, s28;
	s14 =	ssub.s32 s26, s7;
	s15 =	sadd.s32 s29, s2  }
0xf: {  	s16 =	smul.u32 $0x500, s28;
	s26 =	simm.s32 $0x0;
	s6 =	sshrl.u32 s6, $0x3  }
0x10: {  	s13 =	sadd.s32 s6, s5;
	s5 =	sadd.s32 $0x24000, s9;
	s6 =	sshll.u32 s1, $0x6  }
0x11: {  	s31 =	sshrl.u32 s30, $0x3;
	s8 =	sadd.s32 s10, s16;
	s9 =	sadd.s32 s11, s16  }
0x12: {  	s16 =	simm.s32 $0x4;
	s7 =	sor.u32 $0x1C03, s6;
	s12 =	sadd.s32 $0x280, s31  }
0x13: {  	s10 =	sadd.s32 s10, s12;
	s11 =	sadd.s32 s11, s12;
	s12 =	sadd.s32 $0xEC000, s13  }
0x14: {  	s13 =	smax.u32 s14, $0x1;
	s14 =	sshrl.u32 s15, $0x3;
	s15 =	simm.s32 $0x3  }
.LBB2_1:
0x15: {  	[spmem:s14], [sflag:s7] =	dma.local [hbm:s5], $0x2800  }
0x16: {  	_ =	swait.ge [sflag:s15], $0x2800  }
0x17: {  	[sflag:s15] =	ssyncset.done $0x0  }
0x18: {  	[sflag:s15] =	ssyncadd.s32 $0xFFFFD800  }
0x19: {  	[bflag:$0x0] =	sbarrier.arrive $0xFFFF  }
0x1a: {  	[tilespmem:s3], [sflag:$0x4] =	stream.linear.gather [hbm4b:s8+s3], $0x1400, $0x38;
	[tilespmem:$0x1E800] =	vst v63  }
0x1b: {  	_ =	swait.ge [sflag:s16], $0x1400  }
0x1c: {  	[sflag:s16] =	ssyncset.done $0x0  }
0x1d: {  	[sflag:s16] =	ssyncadd.s32 $0xFFFFEC00  }
0x1e: {  	[tilespmem:s17], [sflag:$0x4] =	stream.linear.gather [hbm4b:s9+s3], $0x1400, $0x38;
	[tilespmem:$0x1E800] =	vst v63  }
0x1f: {  	_ =	swait.ge [sflag:s16], $0x1400  }
0x20: {  	[sflag:s16] =	ssyncset.done $0x0  }
0x21: {  	[sflag:s16] =	ssyncadd.s32 $0xFFFFEC00  }
0x22: {  	[tilespmem:s19], [sflag:$0x1] =	stream.indirect.gather [hbm4b:s4+s18], $0x80, s3, s18, $0xb8;
	[tilespmem:$0x1E800] =	vst v63  }
0x23: {  	s28 =	simm.s32 $0x80  }
0x24: {  	[tilespmem:s20], [sflag:$0x2] =	stream.indirect.gather [hbm4b:s4+s18], $0x80, s28, s18, $0xb8;
	[tilespmem:$0x1E800] =	vst v63  }
0x25: {  	_ =	swait.ge [sflag:s21], $0x3E80  }
0x26: {  	[sflag:s21] =	ssyncset.done $0x0  }
0x27: {  	s28 =	simm.s32 $0x1400;
	[sflag:s21] =	ssyncadd.s32 $0xFFFFC180  }
0x28: {  	[spmem:s2] =	stream.indirect.scatter.add.f32 [tilespmem:s19], [sflag:$0x4], $0x80, s28, s18, $0xb8;
	[tilespmem:$0x1E800] =	vst v63  }
0x29: {  	_ =	swait.ge [sflag:s16], $0x3E80  }
0x2a: {  	[sflag:s16] =	ssyncset.done $0x0  }
0x2b: {  	s28 =	simm.s32 $0x100;
	[sflag:s16] =	ssyncadd.s32 $0xFFFFC180  }
0x2c: {  	[tilespmem:s19], [sflag:$0x1] =	stream.indirect.gather [hbm4b:s4+s18], $0x80, s28, s18, $0xb8;
	[tilespmem:$0x1E800] =	vst v63  }
0x2d: {  	_ =	swait.ge [sflag:s22], $0x3E80  }
0x2e: {  	[sflag:s22] =	ssyncset.done $0x0  }
0x2f: {  	s28 =	simm.s32 $0x1480;
	[sflag:s22] =	ssyncadd.s32 $0xFFFFC180  }
0x30: {  	[spmem:s2] =	stream.indirect.scatter.add.f32 [tilespmem:s20], [sflag:$0x4], $0x80, s28, s18, $0xb8;
	[tilespmem:$0x1E800] =	vst v63  }
0x31: {  	_ =	swait.ge [sflag:s16], $0x3E80  }
0x32: {  	s29 =	simm.s32 $0x800;
	s28 =	simm.s32 $0x100;
	[sflag:s16] =	ssyncset.done $0x0  }
.LBB2_2:
0x33: {  	s30 =	sadd.s32 $0x80, s28  }
0x34: {  	[sflag:s16] =	ssyncadd.s32 $0xFFFFC180;
	s31 =	smov.u32 s29;
	s0 =	sadd.s32 $0x400, s29  }
0x35: {  	[tilespmem:s20], [sflag:$0x2] =	stream.indirect.gather [hbm4b:s4+s18], $0x80, s30, s18, $0xb8;
	[tilespmem:$0x1E800] =	vst v63  }
0x36: {  	p0 =	sne.s32 s29, $0x4800;
	_ =	swait.ge [sflag:s21], $0x3E80  }
0x37: {  	[sflag:s21] =	ssyncset.done $0x0  }
0x38: {  	s29 =	sadd.s32 $0x1400, s28;
	[sflag:s21] =	ssyncadd.s32 $0xFFFFC180  }
0x39: {  	[spmem:s2] =	stream.indirect.scatter.add.f32 [tilespmem:s19], [sflag:$0x4], $0x80, s29, s18, $0xb8;
	[tilespmem:$0x1E800] =	vst v63  }
0x3a: {  	_ =	swait.ge [sflag:s16], $0x3E80  }
0x3b: {  	[sflag:s16] =	ssyncset.done $0x0  }
0x3c: {  	s29 =	sadd.s32 $0x100, s28;
	[sflag:s16] =	ssyncadd.s32 $0xFFFFC180  }
0x3d: {  	[tilespmem:s19], [sflag:$0x1] =	stream.indirect.gather [hbm4b:s4+s18], $0x80, s29, s18, $0xb8;
	[tilespmem:$0x1E800] =	vst v63  }
0x3e: {  	_ =	swait.ge [sflag:s22], $0x3E80  }
.Ltmp0:
0x3f: {  	[sflag:s22] =	ssyncset.done $0x0;
	(pc) =	sbr.rel @p0 .LBB2_2-.Ltmp0, $4  }
0x40: {  	s28 =	sadd.s32 $0x1480, s28;
	[sflag:s22] =	ssyncadd.s32 $0xFFFFC180  }
0x41: {  	[spmem:s2] =	stream.indirect.scatter.add.f32 [tilespmem:s20], [sflag:$0x4], $0x80, s28, s18, $0xb8;
	[tilespmem:$0x1E800] =	vst v63  }
0x42: {  	_ =	swait.ge [sflag:s16], $0x3E80  }
0x43: {  	s29 =	smov.u32 s0;
	s28 =	sshra.s32 s31, $0x2;
	[sflag:s16] =	ssyncset.done $0x0  }
0x44: {  	s0 =	sadd.s32 $0x80, s28;
	[sflag:s16] =	ssyncadd.s32 $0xFFFFC180  }
0x45: {  	[tilespmem:s20], [sflag:$0x2] =	stream.indirect.gather [hbm4b:s4+s18], $0x80, s0, s18, $0xb8;
	[tilespmem:$0x1E800] =	vst v63  }
0x46: {  	_ =	swait.ge [sflag:s21], $0x3E80  }
0x47: {  	[sflag:s21] =	ssyncset.done $0x0  }
0x48: {  	s30 =	sadd.s32 $0x1400, s28;
	[sflag:s21] =	ssyncadd.s32 $0xFFFFC180  }
0x49: {  	[spmem:s2] =	stream.indirect.scatter.add.f32 [tilespmem:s19], [sflag:$0x4], $0x80, s30, s18, $0xb8;
	[tilespmem:$0x1E800] =	vst v63  }
0x4a: {  	_ =	swait.ge [sflag:s16], $0x3E80  }
0x4b: {  	[sflag:s16] =	ssyncset.done $0x0  }
0x4c: {  	s31 =	sadd.s32 $0x100, s28;
	[sflag:s16] =	ssyncadd.s32 $0xFFFFC180  }
0x4d: {  	[tilespmem:s19], [sflag:$0x1] =	stream.indirect.gather [hbm4b:s4+s18], $0x80, s31, s18, $0xb8;
	[tilespmem:$0x1E800] =	vst v63  }
0x4e: {  	_ =	swait.ge [sflag:s22], $0x3E80  }
0x4f: {  	[sflag:s22] =	ssyncset.done $0x0  }
0x50: {  	s30 =	sadd.s32 $0x1480, s28;
	[sflag:s22] =	ssyncadd.s32 $0xFFFFC180  }
0x51: {  	[spmem:s2] =	stream.indirect.scatter.add.f32 [tilespmem:s20], [sflag:$0x4], $0x80, s30, s18, $0xb8;
	[tilespmem:$0x1E800] =	vst v63  }
0x52: {  	_ =	swait.ge [sflag:s16], $0x3E80  }
0x53: {  	[sflag:s16] =	ssyncset.done $0x0  }
0x54: {  	[sflag:s16] =	ssyncadd.s32 $0xFFFFC180  }
0x55: {  	[tilespmem:s20], [sflag:$0x2] =	stream.indirect.gather [hbm4b:s4+s18], $0x80, s23, s18, $0xb8;
	[tilespmem:$0x1E800] =	vst v63  }
0x56: {  	_ =	swait.ge [sflag:s21], $0x3E80  }
0x57: {  	[sflag:s21] =	ssyncset.done $0x0  }
0x58: {  	[sflag:s21] =	ssyncadd.s32 $0xFFFFC180  }
0x59: {  	[spmem:s2] =	stream.indirect.scatter.add.f32 [tilespmem:s19], [sflag:$0x4], $0x80, s24, s18, $0xb8;
	[tilespmem:$0x1E800] =	vst v63  }
0x5a: {  	_ =	swait.ge [sflag:s16], $0x3E80  }
0x5b: {  	[sflag:s16] =	ssyncset.done $0x0  }
0x5c: {  	[sflag:s16] =	ssyncadd.s32 $0xFFFFC180  }
0x5d: {  	_ =	swait.ge [sflag:s22], $0x3E80  }
0x5e: {  	[sflag:s22] =	ssyncset.done $0x0  }
0x5f: {  	[sflag:s22] =	ssyncadd.s32 $0xFFFFC180  }
0x60: {  	[spmem:s2] =	stream.indirect.scatter.add.f32 [tilespmem:s20], [sflag:$0x4], $0x80, s25, s18, $0xb8;
	[tilespmem:$0x1E800] =	vst v63  }
0x61: {  	_ =	swait.ge [sflag:s16], $0x3E80  }
0x62: {  	[sflag:s16] =	ssyncset.done $0x0  }
0x63: {  	s31 =	simm.s32 $0x0;
	[sflag:s16] =	ssyncadd.s32 $0xFFFFC180  }
0x64: {  	[tilespmem:s31], [sflag:$0x4] =	stream.linear.gather [hbm4b:s10+s31], $0x1400, $0x38;
	[tilespmem:$0x1E800] =	vst v63  }
0x65: {  	_ =	swait.ge [sflag:s16], $0x1400  }
0x66: {  	[sflag:s16] =	ssyncset.done $0x0  }
0x67: {  	[sflag:s16] =	ssyncadd.s32 $0xFFFFEC00  }
0x68: {  	[tilespmem:s17], [sflag:$0x4] =	stream.linear.gather [hbm4b:s11+s31], $0x1400, $0x38;
	[tilespmem:$0x1E800] =	vst v63  }
0x69: {  	_ =	swait.ge [sflag:s16], $0x1400  }
0x6a: {  	[sflag:s16] =	ssyncset.done $0x0  }
0x6b: {  	[sflag:s16] =	ssyncadd.s32 $0xFFFFEC00  }
0x6c: {  	[tilespmem:s19], [sflag:$0x1] =	stream.indirect.gather [hbm4b:s4+s18], $0x80, s31, s18, $0xb8;
	[tilespmem:$0x1E800] =	vst v63  }
0x6d: {  	s30 =	simm.s32 $0x80  }
0x6e: {  	[tilespmem:s20], [sflag:$0x2] =	stream.indirect.gather [hbm4b:s4+s18], $0x80, s30, s18, $0xb8;
	[tilespmem:$0x1E800] =	vst v63  }
0x6f: {  	_ =	swait.ge [sflag:s21], $0x3E80  }
0x70: {  	[sflag:s21] =	ssyncset.done $0x0  }
0x71: {  	s31 =	simm.s32 $0x1400;
	[sflag:s21] =	ssyncadd.s32 $0xFFFFC180  }
0x72: {  	[spmem:s2] =	stream.indirect.scatter.add.f32 [tilespmem:s19], [sflag:$0x4], $0x80, s31, s18, $0xb8;
	[tilespmem:$0x1E800] =	vst v63  }
0x73: {  	_ =	swait.ge [sflag:s16], $0x3E80  }
0x74: {  	[sflag:s16] =	ssyncset.done $0x0  }
0x75: {  	s30 =	simm.s32 $0x100;
	[sflag:s16] =	ssyncadd.s32 $0xFFFFC180  }
0x76: {  	[tilespmem:s19], [sflag:$0x1] =	stream.indirect.gather [hbm4b:s4+s18], $0x80, s30, s18, $0xb8;
	[tilespmem:$0x1E800] =	vst v63  }
0x77: {  	_ =	swait.ge [sflag:s22], $0x3E80  }
0x78: {  	[sflag:s22] =	ssyncset.done $0x0  }
0x79: {  	s31 =	simm.s32 $0x1480;
	[sflag:s22] =	ssyncadd.s32 $0xFFFFC180  }
0x7a: {  	[spmem:s2] =	stream.indirect.scatter.add.f32 [tilespmem:s20], [sflag:$0x4], $0x80, s31, s18, $0xb8;
	[tilespmem:$0x1E800] =	vst v63  }
0x7b: {  	_ =	swait.ge [sflag:s16], $0x3E80  }
0x7c: {  	s29 =	simm.s32 $0x800;
	s28 =	simm.s32 $0x100;
	[sflag:s16] =	ssyncset.done $0x0  }
.LBB2_4:
0x7d: {  	s0 =	sadd.s32 $0x80, s28  }
0x7e: {  	[sflag:s16] =	ssyncadd.s32 $0xFFFFC180;
	s30 =	smov.u32 s29;
	s31 =	sadd.s32 $0x400, s29  }
0x7f: {  	[tilespmem:s20], [sflag:$0x2] =	stream.indirect.gather [hbm4b:s4+s18], $0x80, s0, s18, $0xb8;
	[tilespmem:$0x1E800] =	vst v63  }
0x80: {  	p0 =	sne.s32 s29, $0x4800;
	_ =	swait.ge [sflag:s21], $0x3E80  }
0x81: {  	[sflag:s21] =	ssyncset.done $0x0  }
0x82: {  	s0 =	sadd.s32 $0x1400, s28;
	[sflag:s21] =	ssyncadd.s32 $0xFFFFC180  }
0x83: {  	[spmem:s2] =	stream.indirect.scatter.add.f32 [tilespmem:s19], [sflag:$0x4], $0x80, s0, s18, $0xb8;
	[tilespmem:$0x1E800] =	vst v63  }
0x84: {  	_ =	swait.ge [sflag:s16], $0x3E80  }
0x85: {  	[sflag:s16] =	ssyncset.done $0x0  }
0x86: {  	s0 =	sadd.s32 $0x100, s28;
	[sflag:s16] =	ssyncadd.s32 $0xFFFFC180  }
0x87: {  	[tilespmem:s19], [sflag:$0x1] =	stream.indirect.gather [hbm4b:s4+s18], $0x80, s0, s18, $0xb8;
	[tilespmem:$0x1E800] =	vst v63  }
0x88: {  	_ =	swait.ge [sflag:s22], $0x3E80  }
.Ltmp1:
0x89: {  	[sflag:s22] =	ssyncset.done $0x0;
	(pc) =	sbr.rel @p0 .LBB2_4-.Ltmp1, $4  }
0x8a: {  	s0 =	sadd.s32 $0x1480, s28;
	[sflag:s22] =	ssyncadd.s32 $0xFFFFC180  }
0x8b: {  	[spmem:s2] =	stream.indirect.scatter.add.f32 [tilespmem:s20], [sflag:$0x4], $0x80, s0, s18, $0xb8;
	[tilespmem:$0x1E800] =	vst v63  }
0x8c: {  	_ =	swait.ge [sflag:s16], $0x3E80  }
0x8d: {  	s29 =	smov.u32 s31;
	s28 =	sshra.s32 s30, $0x2;
	[sflag:s16] =	ssyncset.done $0x0  }
0x8e: {  	s0 =	sadd.s32 $0x80, s28;
	[sflag:s16] =	ssyncadd.s32 $0xFFFFC180  }
0x8f: {  	[tilespmem:s20], [sflag:$0x2] =	stream.indirect.gather [hbm4b:s4+s18], $0x80, s0, s18, $0xb8;
	[tilespmem:$0x1E800] =	vst v63  }
0x90: {  	_ =	swait.ge [sflag:s21], $0x3E80  }
0x91: {  	[sflag:s21] =	ssyncset.done $0x0  }
0x92: {  	s31 =	sadd.s32 $0x1400, s28;
	[sflag:s21] =	ssyncadd.s32 $0xFFFFC180  }
0x93: {  	[spmem:s2] =	stream.indirect.scatter.add.f32 [tilespmem:s19], [sflag:$0x4], $0x80, s31, s18, $0xb8;
	[tilespmem:$0x1E800] =	vst v63  }
0x94: {  	_ =	swait.ge [sflag:s16], $0x3E80  }
0x95: {  	[sflag:s16] =	ssyncset.done $0x0  }
0x96: {  	s29 =	sadd.s32 $0x100, s28;
	[sflag:s16] =	ssyncadd.s32 $0xFFFFC180  }
0x97: {  	[tilespmem:s19], [sflag:$0x1] =	stream.indirect.gather [hbm4b:s4+s18], $0x80, s29, s18, $0xb8;
	[tilespmem:$0x1E800] =	vst v63  }
0x98: {  	_ =	swait.ge [sflag:s22], $0x3E80  }
0x99: {  	[sflag:s22] =	ssyncset.done $0x0  }
0x9a: {  	s30 =	sadd.s32 $0x1480, s28;
	[sflag:s22] =	ssyncadd.s32 $0xFFFFC180  }
0x9b: {  	[spmem:s2] =	stream.indirect.scatter.add.f32 [tilespmem:s20], [sflag:$0x4], $0x80, s30, s18, $0xb8;
	[tilespmem:$0x1E800] =	vst v63  }
0x9c: {  	_ =	swait.ge [sflag:s16], $0x3E80  }
0x9d: {  	[sflag:s16] =	ssyncset.done $0x0  }
0x9e: {  	[sflag:s16] =	ssyncadd.s32 $0xFFFFC180  }
0x9f: {  	[tilespmem:s20], [sflag:$0x2] =	stream.indirect.gather [hbm4b:s4+s18], $0x80, s23, s18, $0xb8;
	[tilespmem:$0x1E800] =	vst v63  }
0xa0: {  	_ =	swait.ge [sflag:s21], $0x3E80  }
0xa1: {  	[sflag:s21] =	ssyncset.done $0x0  }
0xa2: {  	[sflag:s21] =	ssyncadd.s32 $0xFFFFC180  }
0xa3: {  	[spmem:s2] =	stream.indirect.scatter.add.f32 [tilespmem:s19], [sflag:$0x4], $0x80, s24, s18, $0xb8;
	[tilespmem:$0x1E800] =	vst v63  }
0xa4: {  	_ =	swait.ge [sflag:s16], $0x3E80  }
0xa5: {  	[sflag:s16] =	ssyncset.done $0x0  }
0xa6: {  	[sflag:s16] =	ssyncadd.s32 $0xFFFFC180  }
0xa7: {  	_ =	swait.ge [sflag:s22], $0x3E80  }
0xa8: {  	[sflag:s22] =	ssyncset.done $0x0  }
0xa9: {  	[sflag:s22] =	ssyncadd.s32 $0xFFFFC180  }
0xaa: {  	[spmem:s2] =	stream.indirect.scatter.add.f32 [tilespmem:s20], [sflag:$0x4], $0x80, s25, s18, $0xb8;
	[tilespmem:$0x1E800] =	vst v63  }
0xab: {  	_ =	swait.ge [sflag:s16], $0x3E80  }
0xac: {  	s26 =	sadd.s32 $0x1, s26;
	[sflag:s16] =	ssyncset.done $0x0  }
0xad: {  	p0 =	sne.s32 s26, s13;
	[sflag:s16] =	ssyncadd.s32 $0xFFFFC180  }
.Ltmp2:
0xae: {  	s31 =	sor.u32 $0x1C04, s6;
	[bflag:$0x0] =	sbarrier.arrive $0xFFFF;
	(pc) =	sbr.rel @p0 .LBB2_1-.Ltmp2, $4  }
0xaf: {  	[hbm:s12], [sflag:s31] =	dma.local [spmem:s14], $0x2800  }
0xb0: {  	_ =	swait.ge [sflag:s16], $0x2800  }
0xb1: {  	[sflag:s16] =	ssyncset.done $0x0  }
0xb2: {  	[sflag:s16] =	ssyncadd.s32 $0xFFFFD800  }
0xb3: {  	_ =	sfence.sel $0x180000  }
0xb4: {  	[bflag:$0x0] =	sbarrier.arrive $0xFFFF  }
0xb5: {  	_ =	strace $0x9000004D  }
0xb6: {  	[bflag:$0x2] =	sbarrier.arrive $0xFFFF  }
0xb7: {  	p0 =	sne.s32 s1, $0x0;
	s0 =	rddreg [dreg:$0x4]  }
0xb8: {  	s0 =	sadd.s32 @!p0 $0x100000, s0  }
0xb9: {  	[sflag:s0] =	ssyncadd.tile.s32 @!p0 $0x1;
	_ =	shalt  }
.Lfunc_end2:
_tile_overlayer_lowered:
.L_overlay_start_2:
0xba: {  	(tag) =	ssettag $0x2  }
0xbb: {  	s0 =	rddreg [dreg:$0x0];
	s2 =	stileid.u32  }
0xbc: {  	s1 =	rddreg [dreg:$0x1];
	p0 =	sne.s32 s2, $0x0  }
0xbd: {  	s3 =	rddreg [dreg:$0x2];
	[bflag:$0x3] =	sbarrier.arrive $0xFFFF;
	s2 =	simm.s32 @!p0 $0x1C04  }
0xbe: {  	[timem:s3], [sflag:s2] =	dma.local @!p0 [hbm:s0], s1  }
0xbf: {  	s0 =	simm.s32 @!p0 $0x4  }
0xc0: {  	_ =	swait.ge @!p0 [sflag:s0], s1  }
0xc1: {  	s1 =	ssub.s32 @!p0 $0x0, s1;
	[sflag:s0] =	ssyncset.done @!p0 $0x0  }
0xc2: {  	[sflag:s0] =	ssyncadd.s32 @!p0 s1  }
0xc3: {  	[bflag:$0x3] =	sbarrier.arrive $0xFFFF  }
0xc4: {  	_ =	shalt  }

// kernel: kernel.21.cloned.1.call-start
scs
__scs_entry_jumppad:
0x0: {  	(pc) =	sbr.rel $0x88, $3  }
0x1: {  	(tag) =	ssettag $0x0;
	lr =	simm.s32 $0x1  }
0x2: {  	[smem:$0x3F99] =	sst lr;
	_ =	strace $0xD0000000  }
0x3: {  	_ = 	snop  }
0x4: {  	_ = 	snop  }
0x5: {  	_ = 	snop  }
0x6: {  	_ = 	snop  }
0x7: {  	_ = 	snop  }
__scs_overlays_trampoline_lowered:
0x8: {  	[smem:$0x3FA8] =	sst s0  }
0x9: {  	[smem:$0x3FA9] =	sst s1  }
0xa: {  	[smem:$0x3FAA] =	sst s2  }
0xb: {  	[smem:$0x3FAB] =	sst s3  }
0xc: {  	[smem:$0x3FAC] =	sst s4  }
0xd: {  	[smem:$0x3FAD] =	sst s5  }
0xe: {  	[smem:$0x3FAE] =	sst s6  }
0xf: {  	[smem:$0x3FAF] =	sst s7  }
0x10: {  	[smem:$0x3FB0] =	sst s8  }
0x11: {  	[smem:$0x3FB1] =	sst s9;
	s0 =	simm.s32 @!p0 $0x0  }
0x12: {  	s1 =	sld [smem:$0x3F97];
	s0 =	simm.s32 @p0 $0x1  }
0x13: {  	[smem:$0x3FB2] =	sst s0;
	s0 =	simm.s32 @!p1 $0x0  }
0x14: {  	s2 =	sld [smem:$0x3F96];
	s0 =	simm.s32 @p1 $0x1  }
0x15: {  	[smem:$0x3FB3] =	sst s0;
	s0 =	simm.s32 @!p2 $0x0  }
0x16: {  	s3 =	sld [smem:$0x3FDB];
	s0 =	simm.s32 @p2 $0x1  }
0x17: {  	s4 =	simm.s32 $0x1BF5;
	[smem:$0x3FB5] =	sst s0  }
0x18: {  	s0 =	sld [smem:$0x3F98];
	_ =	swait.ge [sflag:s4], $0x0  }
0x19: {  	s7 =	sld [smem:$0x3F99]  }
0x1a: {  	s8 =	sadd.s32 $0xFFFFE003, lr  }
0x1b: {  	s9 =	sadd.s32 $0xFFFFFEF7, lr;
	s5 =	simm.s32 $0xFFFFFFFF;
	p2 =	slt.u32 s8, $0xFFFFF086  }
0x1c: {  	p1 =	slt.u32 s9, $0xF7A;
	s5 =	simm.s32 @!p2 $0x0  }
0x1d: {  	s5 =	simm.s32 @p1 $0x1;
	p0 =	seq.s32 s7, s2  }
0x1e: {  	s7 =	smul.u32 @!p0 $0xF7A, s2;
	p2 =	seq.s32 @!p0 s5, $0x0  }
0x1f: {  	s9 =	smul.u32 $0xF7A, s1;
	s8 =	simm.s32 @!p0 $0x1BF5;
	p2 =	por !p2, p0  }
0x20: {  	[sflag:s8] =	ssyncset.s32 @!p0 $0xFFFFF086;
	s6 =	sadd.s32 @!p0 s3, s7;
	s7 =	simm.s32 @!p0 $0x108  }
0x21: {  	s3 =	sadd.s32 s3, s9;
	s6 =	sadd.s32 @!p0 $0x88, s6;
	s7 =	simm.s32 @p2 $0x1082  }
0x22: {  	[simem:s7], [sflag:s8] =	dma.local @!p0 [hbm:s6], $0xF7A  }
0x23: {  	s9 =	sor.u32 $0xD0000000, s2;
	s6 =	simm.s32 $0x108;
	_ =	swait.ge @!p0 [sflag:s8], $0x0  }
0x24: {  	s3 =	sadd.s32 $0x88, s3;
	s6 =	simm.s32 @!p1 $0x1082;
	[sflag:s4] =	ssyncset.s32 $0xFFFFF086  }
0x25: {  	[simem:s6], [sflag:s4] =	dma.local [hbm:s3], $0xF7A  }
0x26: {  	[smem:$0x3F99] =	sst s1;
	(tag) =	ssettag s2;
	_ =	strace s9  }
0x27: {  	s1 =	sld [smem:$0x3FA9]  }
0x28: {  	s2 =	sld [smem:$0x3FAA]  }
0x29: {  	s4 =	sld [smem:$0x3FAC]  }
0x2a: {  	p0 =	seq.s32 s5, $0x0;
	s5 =	sld [smem:$0x3FAD]  }
0x2b: {  	s6 =	sld [smem:$0x3FAE]  }
0x2c: {  	s7 =	sld [smem:$0x3FAF]  }
0x2d: {  	s3 =	simm.s32 $0x108;
	s8 =	sld [smem:$0x3FB0]  }
0x2e: {  	s3 =	simm.s32 @!p0 $0x1082;
	s9 =	sld [smem:$0x3FB1]  }
0x2f: {  	lr =	sadd.s32 s0, s3;
	s0 =	sld [smem:$0x3FA8]  }
0x30: {  	s3 =	sld [smem:$0x3FAB]  }
0x31: {  	[smem:$0x3FB4] =	sst s10  }
0x32: {  	s10 =	sld [smem:$0x3FB2];
	_ =	sdelay $0x3  }
0x33: {  	p0 =	seq.s32 s10, $0x1;
	s10 =	sld [smem:$0x3FB4];
	_ =	sdelay $0x3  }
0x34: {  	[smem:$0x3FB4] =	sst s10  }
0x35: {  	s10 =	sld [smem:$0x3FB3];
	_ =	sdelay $0x3  }
0x36: {  	p1 =	seq.s32 s10, $0x1;
	s10 =	sld [smem:$0x3FB4];
	_ =	sdelay $0x3  }
0x37: {  	[smem:$0x3FB4] =	sst s10  }
0x38: {  	s10 =	sld [smem:$0x3FB5]  }
0x39: {  	_ = 	snop;
	(pc) =	sbr.ind lr, $3  }
0x3a: {  	_ = 	snop  }
0x3b: {  	_ = 	snop  }
0x3c: {  	p2 =	seq.s32 s10, $0x1;
	s10 =	sld [smem:$0x3FB4]  }
0x3d: {  	_ =	shalt  }
0x3e: {  	_ =	shalt  }
0x3f: {  	_ =	shalt  }
0x40: {  	_ =	shalt  }
0x41: {  	_ =	shalt  }
0x42: {  	_ =	shalt  }
0x43: {  	_ =	shalt  }
0x44: {  	_ =	shalt  }
0x45: {  	_ =	shalt  }
0x46: {  	_ =	shalt  }
0x47: {  	_ =	shalt  }
0x48: {  	_ =	shalt  }
0x49: {  	_ =	shalt  }
0x4a: {  	_ =	shalt  }
0x4b: {  	_ =	shalt  }
0x4c: {  	_ =	shalt  }
0x4d: {  	_ =	shalt  }
0x4e: {  	_ =	shalt  }
0x4f: {  	_ =	shalt  }
0x50: {  	_ =	shalt  }
0x51: {  	_ =	shalt  }
0x52: {  	_ =	shalt  }
0x53: {  	_ =	shalt  }
0x54: {  	_ =	shalt  }
0x55: {  	_ =	shalt  }
0x56: {  	_ =	shalt  }
0x57: {  	_ =	shalt  }
0x58: {  	_ =	shalt  }
0x59: {  	_ =	shalt  }
0x5a: {  	_ =	shalt  }
0x5b: {  	_ =	shalt  }
0x5c: {  	_ =	shalt  }
0x5d: {  	_ =	shalt  }
0x5e: {  	_ =	shalt  }
0x5f: {  	_ =	shalt  }
0x60: {  	_ =	shalt  }
0x61: {  	_ =	shalt  }
0x62: {  	_ =	shalt  }
0x63: {  	_ =	shalt  }
0x64: {  	_ =	shalt  }
0x65: {  	_ =	shalt  }
0x66: {  	_ =	shalt  }
0x67: {  	_ =	shalt  }
0x68: {  	_ =	shalt  }
0x69: {  	_ =	shalt  }
0x6a: {  	_ =	shalt  }
0x6b: {  	_ =	shalt  }
0x6c: {  	_ =	shalt  }
0x6d: {  	_ =	shalt  }
0x6e: {  	_ =	shalt  }
0x6f: {  	_ =	shalt  }
0x70: {  	_ =	shalt  }
0x71: {  	_ =	shalt  }
0x72: {  	_ =	shalt  }
0x73: {  	_ =	shalt  }
0x74: {  	_ =	shalt  }
0x75: {  	_ =	shalt  }
0x76: {  	_ =	shalt  }
0x77: {  	_ =	shalt  }
0x78: {  	_ =	shalt  }
0x79: {  	_ =	shalt  }
0x7a: {  	_ =	shalt  }
0x7b: {  	_ =	shalt  }
0x7c: {  	_ =	shalt  }
0x7d: {  	_ =	shalt  }
0x7e: {  	_ =	shalt  }
0x7f: {  	_ =	shalt  }
0x80: {  	_ =	shalt  }
0x81: {  	_ =	shalt  }
0x82: {  	_ =	shalt  }
0x83: {  	_ =	shalt  }
0x84: {  	_ =	shalt  }
0x85: {  	_ =	shalt  }
0x86: {  	_ =	shalt  }
0x87: {  	_ =	shalt  }
.Lfunc_end0:
.L_simem_size_0:
called_computation.3_lowered:
.L_overlay_start_0:
0x88: {  	s2 =	sld [smem:$0x3FD9]  }
0x89: {  	s3 =	sld [smem:$0x3FFE];
	_ =	sdelay $0x1  }
0x8a: {  	s1 =	srdreg.scid  }
0x8b: {  	s0 =	sand.u32 $0x1, s1  }
0x8c: {  	s14 =	sshll.u32 s0, $0xA;
	s2 =	sadd.s32 s3, s2  }
0x8d: {  	s2 =	sadd.s32 s2, s14  }
0x8e: {  	[smem:$0x3FC0] =	sst s2  }
0x8f: {  	_ = 	snop  }
0x90: {  	s2 =	sld [smem:$0x3FD0];
	_ =	sdelay $0x2  }
0x91: {  	s15 =	simm.s32 $0xB;
	s4 =	simm.s32 $0x10  }
0x92: {  	[smem:s4], [sflag:s15] =	dma.local [hbm:s2], $0x1  }
0x93: {  	_ =	swait.eq [sflag:s15], $0x1  }
0x94: {  	[sflag:s15] =	ssyncset.done $0x0  }
0x95: {  	[sflag:s15] =	ssyncadd.s32 $0xFFFFFFFF  }
0x96: {  	s16 =	sld [smem:$0x12];
	(tm) =	ssettm $0x1  }
0x97: {  	s17 =	sld [smem:$0x3FFB];
	_ =	sdelay $0x3  }
0x98: {  	_ =	strace s17  }
0x99: {  	s3 =	sld [smem:$0x3FFC];
	_ =	sdelay $0x3  }
0x9a: {  	_ =	strace s3  }
0x9b: {  	s3 =	sld [smem:$0x3FFD];
	_ =	sdelay $0x3  }
0x9c: {  	_ =	strace s3  }
0x9d: {  	_ =	strace $0x8FFFFFFF  }
0x9e: {  	s18 =	sld [smem:$0x3FDB];
	_ =	sdelay $0x1  }
0x9f: {  	s19 =	simm.s32 $_scs_section_size  }
0xa0: {  	s5 =	simm.s32 $_size__tile_overlayer_lowered;
	s6 =	simm.s32 $_tile_overlayer_lowered  }
0xa1: {  	s22 =	simm.s32 $0x1BFF;
	s21 =	sshll.u32 s6, $0x1;
	s3 =	sadd.s32 s19, s18  }
0xa2: {  	s7 =	simm.s32 $0x0;
	s20 =	sshll.u32 s5, $0x1;
	s5 =	sadd.s32 s21, s3  }
0xa3: {  	[timem:s7], [sflag:s22] =	dma.local [hbm:s5], s20  }
0xa4: {  	_ =	swait.ge [sflag:s22], s20  }
0xa5: {  	s4 =	ssub.s32 $0x0, s20;
	[sflag:s22] =	ssyncset.done $0x0  }
0xa6: {  	[sflag:s22] =	ssyncadd.s32 s4;
	_ =	sdelay $0x1  }
0xa7: {  	s23 =	simm.s32 $0x1B8B  }
0xa8: {  	_ =	swait.ge [sflag:s23], $0x1  }
0xa9: {  	[sflag:s23] =	ssyncset.done $0x0  }
0xaa: {  	s25 =	simm.s32 $0x1B8E;
	s24 =	sld [smem:$0x3FFE];
	[sflag:s23] =	ssyncadd.s32 $0xFFFFFFFF  }
0xab: {  	s26 =	simm.s32 $execute0_lowered;
	[smem:$0x3FD2] =	sst s25  }
0xac: {  	s5 =	sshll.u32 s26, $0x1;
	_ =	strace $0x8000004F;
	[dreg:$0x1] =	wrdreg $0xFFFFFFFF  }
0xad: {  	s28 =	simm.s32 $_size_execute0_lowered;
	s3 =	sadd.s32 s3, s5;
	[dreg:$0x0] =	wrdreg $0x0  }
0xae: {  	s5 =	sshll.u32 s28, $0x1;
	[dreg:$0x2] =	wrdreg s3  }
0xaf: {  	[dreg:$0x3] =	wrdreg s5  }
0xb0: {  	[dreg:$0x4] =	wrdreg $0xC0  }
0xb1: {  	_ =	task [dreg:s7], $0x5FFFF  }
0xb2: {  	[dreg:$0x1] =	wrdreg $0xFFFFFFFF  }
0xb3: {  	[dreg:$0x0] =	wrdreg $0x60  }
0xb4: {  	[dreg:$0x2] =	wrdreg s16  }
0xb5: {  	[dreg:$0x3] =	wrdreg s24  }
0xb6: {  	[dreg:$0x4] =	wrdreg $0x66800  }
0xb7: {  	[dreg:$0x5] =	wrdreg $0x9  }
0xb8: {  	_ =	task.clear_ibuf [dreg:s7], $0x6FFFF;
	_ =	strace $0x9000004F  }
0xb9: {  	s29 =	simm.s32 $0x9;
	_ =	strace $0x80000051  }
0xba: {  	_ =	swait.ge [sflag:s29], $0x1  }
0xbb: {  	[sflag:s29] =	ssyncadd.s32 $0xFFFFFFFF  }
0xbc: {  	_ =	strace $0x90000051  }
0xbd: {  	_ =	sfence  }
0xbe: {  	s30 =	sld [smem:$0x0];
	_ =	sdelay $0x2  }
0xbf: {  	s31 =	sshll.u32 s1, $0xD;
	s1 =	sshrl.u32 s1, $0x2  }
0xc0: {  	s3 =	sand.u32 $0x4000, s31;
	s1 =	sadd.s32 s1, s30  }
0xc1: {  	s0 =	sor.u32 s3, s0;
	s1 =	sshll.u32 s1, $0x11  }
0xc2: {  	s0 =	sor.u32 s1, s0  }
0xc3: {  	s0 =	sadd.s32 $0x8F2B, s0  }
0xc4: {  	[sflag:s0] =	ssyncadd.remote.s32 $0x1  }
0xc5: {  	_ =	sfence.sel $0xFFFF  }
0xc6: {  	[dreg:$0x0] =	wrdreg $0xFFFFFFFF;
	(pc) =	sbr.abs _section_cstart, $3  }
0xc7: {  	[dreg:$0x1] =	wrdreg $0xFFFFFFFF  }
0xc8: {  	_ =	task.clear_ibuf [dreg:s7], $0x2FFFF;
	_ =	strace $0x9FFFFFFF  }
0xc9: {  	(tm) =	ssettm $0x7FFFFFFF  }
tec
execute0_lowered:
.L_overlay_start_1:
0x0: {  	(tag) =	ssettag $0x1  }
0x1: {  	s1 =	rddreg [dreg:$0x0]  }
0x2: {  	s5 =	rddreg [dreg:$0x1]  }
0x3: {  	s3 =	rddreg [dreg:$0x2];
	s4 =	simm.s32 $0x0;
	s2 =	stileid.u32  }
0x4: {  	s6 =	srdreg.scid;
	s17 =	simm.s32 $0x1400;
	s18 =	simm.s32 $0x7D  }
0x5: {  	s19 =	simm.s32 $0x2800;
	s20 =	simm.s32 $0x4740;
	s21 =	simm.s32 $0x1  }
0x6: {  	s22 =	simm.s32 $0x2;
	s23 =	simm.s32 $0x1380;
	s24 =	simm.s32 $0x2700  }
0x7: {  	s25 =	simm.s32 $0x2780;
	s26 =	simm.s32 $0x0;
	[smem:$0x7FF] =	sst s4  }
0x8: {  	s7 =	smul.u32 $0xA000, s2;
	s6 =	sand.u32 $0x1, s6;
	s10 =	sadd.s32 $0xD600, s5  }
0x9: {  	s11 =	sadd.s32 $0x3600, s5;
	_ =	strace $0x80000050;
	s8 =	smul.u32 $0xA0000, s6  }
0xa: {  	s12 =	sshll.u32 s6, $0x4;
	s6 =	ssub.s32 $0x2, s6;
	s9 =	sshrl.u32 s7, $0x3  }
0xb: {  	s12 =	sor.u32 s2, s12;
	s29 =	sshrl.u32 s6, $0x1;
	s15 =	sadd.s32 s7, s3  }
0xc: {  	s8 =	sadd.s32 s7, s8;
	s30 =	smul.u32 $0x2800, s12;
	s14 =	ssub.s32 s6, s29  }
0xd: {  	s12 =	smul.u32 $0x500, s12;
	s6 =	sshll.u32 s2, $0x6;
	s8 =	sshrl.u32 s8, $0x3  }
0xe: {  	s9 =	sadd.s32 s9, s5;
	s7 =	sor.u32 $0x1C03, s6;
	s13 =	sadd.s32 s8, s5  }
0xf: {  	s5 =	sadd.s32 $0xEC000, s9;
	s31 =	sshrl.u32 s30, $0x3;
	s8 =	sadd.s32 s10, s12  }
0x10: {  	s9 =	sadd.s32 s11, s12;
	s16 =	sadd.s32 $0x280, s31;
	s12 =	sadd.s32 $0x100000, s13  }
0x11: {  	s13 =	smax.u32 s14, $0x1;
	s14 =	sshrl.u32 s15, $0x3;
	s15 =	simm.s32 $0x3  }
0x12: {  	s10 =	sadd.s32 s10, s16;
	s11 =	sadd.s32 s11, s16;
	s16 =	simm.s32 $0x4  }
.LBB2_1:
0x13: {  	[spmem:s14], [sflag:s7] =	dma.local [hbm:s5], $0x1400  }
0x14: {  	_ =	swait.ge [sflag:s15], $0x1400  }
0x15: {  	[sflag:s15] =	ssyncset.done $0x0  }
0x16: {  	[sflag:s15] =	ssyncadd.s32 $0xFFFFEC00  }
0x17: {  	[bflag:$0x0] =	sbarrier.arrive $0xFFFF  }
0x18: {  	[tilespmem:s4], [sflag:$0x4] =	stream.linear.gather [hbm4b:s8+s4], $0x1400, $0x38;
	[tilespmem:$0x10680] =	vst v63  }
0x19: {  	_ =	swait.ge [sflag:s16], $0x1400  }
0x1a: {  	[sflag:s16] =	ssyncset.done $0x0  }
0x1b: {  	[sflag:s16] =	ssyncadd.s32 $0xFFFFEC00  }
0x1c: {  	[tilespmem:s17], [sflag:$0x4] =	stream.linear.gather [hbm4b:s9+s4], $0x1400, $0x38;
	[tilespmem:$0x10680] =	vst v63  }
0x1d: {  	_ =	swait.ge [sflag:s16], $0x1400  }
0x1e: {  	[sflag:s16] =	ssyncset.done $0x0  }
0x1f: {  	[sflag:s16] =	ssyncadd.s32 $0xFFFFEC00  }
0x20: {  	[tilespmem:s19], [sflag:$0x1] =	stream.indirect.gather [hbm4b:s1+s18], $0x40, s4, s18, $0xb8;
	[tilespmem:$0x10680] =	vst v63  }
0x21: {  	s28 =	simm.s32 $0x80  }
0x22: {  	[tilespmem:s20], [sflag:$0x2] =	stream.indirect.gather [hbm4b:s1+s18], $0x40, s28, s18, $0xb8;
	[tilespmem:$0x10680] =	vst v63  }
0x23: {  	_ =	swait.ge [sflag:s21], $0x1F40  }
0x24: {  	[sflag:s21] =	ssyncset.done $0x0  }
0x25: {  	s28 =	simm.s32 $0x1400;
	[sflag:s21] =	ssyncadd.s32 $0xFFFFE0C0  }
0x26: {  	[spmem:s3] =	stream.indirect.scatter.add.f32 [tilespmem:s19], [sflag:$0x4], $0x40, s28, s18, $0xb8;
	[tilespmem:$0x10680] =	vst v63  }
0x27: {  	_ =	swait.ge [sflag:s16], $0x1F40  }
0x28: {  	[sflag:s16] =	ssyncset.done $0x0  }
0x29: {  	s28 =	simm.s32 $0x100;
	[sflag:s16] =	ssyncadd.s32 $0xFFFFE0C0  }
0x2a: {  	[tilespmem:s19], [sflag:$0x1] =	stream.indirect.gather [hbm4b:s1+s18], $0x40, s28, s18, $0xb8;
	[tilespmem:$0x10680] =	vst v63  }
0x2b: {  	_ =	swait.ge [sflag:s22], $0x1F40  }
0x2c: {  	[sflag:s22] =	ssyncset.done $0x0  }
0x2d: {  	s28 =	simm.s32 $0x1480;
	[sflag:s22] =	ssyncadd.s32 $0xFFFFE0C0  }
0x2e: {  	[spmem:s3] =	stream.indirect.scatter.add.f32 [tilespmem:s20], [sflag:$0x4], $0x40, s28, s18, $0xb8;
	[tilespmem:$0x10680] =	vst v63  }
0x2f: {  	_ =	swait.ge [sflag:s16], $0x1F40  }
0x30: {  	s29 =	simm.s32 $0x800;
	s28 =	simm.s32 $0x100;
	[sflag:s16] =	ssyncset.done $0x0  }
.LBB2_2:
0x31: {  	s30 =	sadd.s32 $0x80, s28  }
0x32: {  	[sflag:s16] =	ssyncadd.s32 $0xFFFFE0C0;
	s31 =	smov.u32 s29;
	s0 =	sadd.s32 $0x400, s29  }
0x33: {  	[tilespmem:s20], [sflag:$0x2] =	stream.indirect.gather [hbm4b:s1+s18], $0x40, s30, s18, $0xb8;
	[tilespmem:$0x10680] =	vst v63  }
0x34: {  	p0 =	sne.s32 s29, $0x4800;
	_ =	swait.ge [sflag:s21], $0x1F40  }
0x35: {  	[sflag:s21] =	ssyncset.done $0x0  }
0x36: {  	s29 =	sadd.s32 $0x1400, s28;
	[sflag:s21] =	ssyncadd.s32 $0xFFFFE0C0  }
0x37: {  	[spmem:s3] =	stream.indirect.scatter.add.f32 [tilespmem:s19], [sflag:$0x4], $0x40, s29, s18, $0xb8;
	[tilespmem:$0x10680] =	vst v63  }
0x38: {  	_ =	swait.ge [sflag:s16], $0x1F40  }
0x39: {  	[sflag:s16] =	ssyncset.done $0x0  }
0x3a: {  	s29 =	sadd.s32 $0x100, s28;
	[sflag:s16] =	ssyncadd.s32 $0xFFFFE0C0  }
0x3b: {  	[tilespmem:s19], [sflag:$0x1] =	stream.indirect.gather [hbm4b:s1+s18], $0x40, s29, s18, $0xb8;
	[tilespmem:$0x10680] =	vst v63  }
0x3c: {  	_ =	swait.ge [sflag:s22], $0x1F40  }
.Ltmp0:
0x3d: {  	[sflag:s22] =	ssyncset.done $0x0;
	(pc) =	sbr.rel @p0 .LBB2_2-.Ltmp0, $4  }
0x3e: {  	s28 =	sadd.s32 $0x1480, s28;
	[sflag:s22] =	ssyncadd.s32 $0xFFFFE0C0  }
0x3f: {  	[spmem:s3] =	stream.indirect.scatter.add.f32 [tilespmem:s20], [sflag:$0x4], $0x40, s28, s18, $0xb8;
	[tilespmem:$0x10680] =	vst v63  }
0x40: {  	_ =	swait.ge [sflag:s16], $0x1F40  }
0x41: {  	s29 =	smov.u32 s0;
	s28 =	sshra.s32 s31, $0x2;
	[sflag:s16] =	ssyncset.done $0x0  }
0x42: {  	s0 =	sadd.s32 $0x80, s28;
	[sflag:s16] =	ssyncadd.s32 $0xFFFFE0C0  }
0x43: {  	[tilespmem:s20], [sflag:$0x2] =	stream.indirect.gather [hbm4b:s1+s18], $0x40, s0, s18, $0xb8;
	[tilespmem:$0x10680] =	vst v63  }
0x44: {  	_ =	swait.ge [sflag:s21], $0x1F40  }
0x45: {  	[sflag:s21] =	ssyncset.done $0x0  }
0x46: {  	s30 =	sadd.s32 $0x1400, s28;
	[sflag:s21] =	ssyncadd.s32 $0xFFFFE0C0  }
0x47: {  	[spmem:s3] =	stream.indirect.scatter.add.f32 [tilespmem:s19], [sflag:$0x4], $0x40, s30, s18, $0xb8;
	[tilespmem:$0x10680] =	vst v63  }
0x48: {  	_ =	swait.ge [sflag:s16], $0x1F40  }
0x49: {  	[sflag:s16] =	ssyncset.done $0x0  }
0x4a: {  	s31 =	sadd.s32 $0x100, s28;
	[sflag:s16] =	ssyncadd.s32 $0xFFFFE0C0  }
0x4b: {  	[tilespmem:s19], [sflag:$0x1] =	stream.indirect.gather [hbm4b:s1+s18], $0x40, s31, s18, $0xb8;
	[tilespmem:$0x10680] =	vst v63  }
0x4c: {  	_ =	swait.ge [sflag:s22], $0x1F40  }
0x4d: {  	[sflag:s22] =	ssyncset.done $0x0  }
0x4e: {  	s30 =	sadd.s32 $0x1480, s28;
	[sflag:s22] =	ssyncadd.s32 $0xFFFFE0C0  }
0x4f: {  	[spmem:s3] =	stream.indirect.scatter.add.f32 [tilespmem:s20], [sflag:$0x4], $0x40, s30, s18, $0xb8;
	[tilespmem:$0x10680] =	vst v63  }
0x50: {  	_ =	swait.ge [sflag:s16], $0x1F40  }
0x51: {  	[sflag:s16] =	ssyncset.done $0x0  }
0x52: {  	[sflag:s16] =	ssyncadd.s32 $0xFFFFE0C0  }
0x53: {  	[tilespmem:s20], [sflag:$0x2] =	stream.indirect.gather [hbm4b:s1+s18], $0x40, s23, s18, $0xb8;
	[tilespmem:$0x10680] =	vst v63  }
0x54: {  	_ =	swait.ge [sflag:s21], $0x1F40  }
0x55: {  	[sflag:s21] =	ssyncset.done $0x0  }
0x56: {  	[sflag:s21] =	ssyncadd.s32 $0xFFFFE0C0  }
0x57: {  	[spmem:s3] =	stream.indirect.scatter.add.f32 [tilespmem:s19], [sflag:$0x4], $0x40, s24, s18, $0xb8;
	[tilespmem:$0x10680] =	vst v63  }
0x58: {  	_ =	swait.ge [sflag:s16], $0x1F40  }
0x59: {  	[sflag:s16] =	ssyncset.done $0x0  }
0x5a: {  	[sflag:s16] =	ssyncadd.s32 $0xFFFFE0C0  }
0x5b: {  	_ =	swait.ge [sflag:s22], $0x1F40  }
0x5c: {  	[sflag:s22] =	ssyncset.done $0x0  }
0x5d: {  	[sflag:s22] =	ssyncadd.s32 $0xFFFFE0C0  }
0x5e: {  	[spmem:s3] =	stream.indirect.scatter.add.f32 [tilespmem:s20], [sflag:$0x4], $0x40, s25, s18, $0xb8;
	[tilespmem:$0x10680] =	vst v63  }
0x5f: {  	_ =	swait.ge [sflag:s16], $0x1F40  }
0x60: {  	[sflag:s16] =	ssyncset.done $0x0  }
0x61: {  	s31 =	simm.s32 $0x0;
	[sflag:s16] =	ssyncadd.s32 $0xFFFFE0C0  }
0x62: {  	[tilespmem:s31], [sflag:$0x4] =	stream.linear.gather [hbm4b:s10+s31], $0x1400, $0x38;
	[tilespmem:$0x10680] =	vst v63  }
0x63: {  	_ =	swait.ge [sflag:s16], $0x1400  }
0x64: {  	[sflag:s16] =	ssyncset.done $0x0  }
0x65: {  	[sflag:s16] =	ssyncadd.s32 $0xFFFFEC00  }
0x66: {  	[tilespmem:s17], [sflag:$0x4] =	stream.linear.gather [hbm4b:s11+s31], $0x1400, $0x38;
	[tilespmem:$0x10680] =	vst v63  }
0x67: {  	_ =	swait.ge [sflag:s16], $0x1400  }
0x68: {  	[sflag:s16] =	ssyncset.done $0x0  }
0x69: {  	[sflag:s16] =	ssyncadd.s32 $0xFFFFEC00  }
0x6a: {  	[tilespmem:s19], [sflag:$0x1] =	stream.indirect.gather [hbm4b:s1+s18], $0x40, s31, s18, $0xb8;
	[tilespmem:$0x10680] =	vst v63  }
0x6b: {  	s30 =	simm.s32 $0x80  }
0x6c: {  	[tilespmem:s20], [sflag:$0x2] =	stream.indirect.gather [hbm4b:s1+s18], $0x40, s30, s18, $0xb8;
	[tilespmem:$0x10680] =	vst v63  }
0x6d: {  	_ =	swait.ge [sflag:s21], $0x1F40  }
0x6e: {  	[sflag:s21] =	ssyncset.done $0x0  }
0x6f: {  	s31 =	simm.s32 $0x1400;
	[sflag:s21] =	ssyncadd.s32 $0xFFFFE0C0  }
0x70: {  	[spmem:s3] =	stream.indirect.scatter.add.f32 [tilespmem:s19], [sflag:$0x4], $0x40, s31, s18, $0xb8;
	[tilespmem:$0x10680] =	vst v63  }
0x71: {  	_ =	swait.ge [sflag:s16], $0x1F40  }
0x72: {  	[sflag:s16] =	ssyncset.done $0x0  }
0x73: {  	s30 =	simm.s32 $0x100;
	[sflag:s16] =	ssyncadd.s32 $0xFFFFE0C0  }
0x74: {  	[tilespmem:s19], [sflag:$0x1] =	stream.indirect.gather [hbm4b:s1+s18], $0x40, s30, s18, $0xb8;
	[tilespmem:$0x10680] =	vst v63  }
0x75: {  	_ =	swait.ge [sflag:s22], $0x1F40  }
0x76: {  	[sflag:s22] =	ssyncset.done $0x0  }
0x77: {  	s31 =	simm.s32 $0x1480;
	[sflag:s22] =	ssyncadd.s32 $0xFFFFE0C0  }
0x78: {  	[spmem:s3] =	stream.indirect.scatter.add.f32 [tilespmem:s20], [sflag:$0x4], $0x40, s31, s18, $0xb8;
	[tilespmem:$0x10680] =	vst v63  }
0x79: {  	_ =	swait.ge [sflag:s16], $0x1F40  }
0x7a: {  	s29 =	simm.s32 $0x800;
	s28 =	simm.s32 $0x100;
	[sflag:s16] =	ssyncset.done $0x0  }
.LBB2_4:
0x7b: {  	s0 =	sadd.s32 $0x80, s28  }
0x7c: {  	[sflag:s16] =	ssyncadd.s32 $0xFFFFE0C0;
	s30 =	smov.u32 s29;
	s31 =	sadd.s32 $0x400, s29  }
0x7d: {  	[tilespmem:s20], [sflag:$0x2] =	stream.indirect.gather [hbm4b:s1+s18], $0x40, s0, s18, $0xb8;
	[tilespmem:$0x10680] =	vst v63  }
0x7e: {  	p0 =	sne.s32 s29, $0x4800;
	_ =	swait.ge [sflag:s21], $0x1F40  }
0x7f: {  	[sflag:s21] =	ssyncset.done $0x0  }
0x80: {  	s0 =	sadd.s32 $0x1400, s28;
	[sflag:s21] =	ssyncadd.s32 $0xFFFFE0C0  }
0x81: {  	[spmem:s3] =	stream.indirect.scatter.add.f32 [tilespmem:s19], [sflag:$0x4], $0x40, s0, s18, $0xb8;
	[tilespmem:$0x10680] =	vst v63  }
0x82: {  	_ =	swait.ge [sflag:s16], $0x1F40  }
0x83: {  	[sflag:s16] =	ssyncset.done $0x0  }
0x84: {  	s0 =	sadd.s32 $0x100, s28;
	[sflag:s16] =	ssyncadd.s32 $0xFFFFE0C0  }
0x85: {  	[tilespmem:s19], [sflag:$0x1] =	stream.indirect.gather [hbm4b:s1+s18], $0x40, s0, s18, $0xb8;
	[tilespmem:$0x10680] =	vst v63  }
0x86: {  	_ =	swait.ge [sflag:s22], $0x1F40  }
.Ltmp1:
0x87: {  	[sflag:s22] =	ssyncset.done $0x0;
	(pc) =	sbr.rel @p0 .LBB2_4-.Ltmp1, $4  }
0x88: {  	s0 =	sadd.s32 $0x1480, s28;
	[sflag:s22] =	ssyncadd.s32 $0xFFFFE0C0  }
0x89: {  	[spmem:s3] =	stream.indirect.scatter.add.f32 [tilespmem:s20], [sflag:$0x4], $0x40, s0, s18, $0xb8;
	[tilespmem:$0x10680] =	vst v63  }
0x8a: {  	_ =	swait.ge [sflag:s16], $0x1F40  }
0x8b: {  	s29 =	smov.u32 s31;
	s28 =	sshra.s32 s30, $0x2;
	[sflag:s16] =	ssyncset.done $0x0  }
0x8c: {  	s0 =	sadd.s32 $0x80, s28;
	[sflag:s16] =	ssyncadd.s32 $0xFFFFE0C0  }
0x8d: {  	[tilespmem:s20], [sflag:$0x2] =	stream.indirect.gather [hbm4b:s1+s18], $0x40, s0, s18, $0xb8;
	[tilespmem:$0x10680] =	vst v63  }
0x8e: {  	_ =	swait.ge [sflag:s21], $0x1F40  }
0x8f: {  	[sflag:s21] =	ssyncset.done $0x0  }
0x90: {  	s31 =	sadd.s32 $0x1400, s28;
	[sflag:s21] =	ssyncadd.s32 $0xFFFFE0C0  }
0x91: {  	[spmem:s3] =	stream.indirect.scatter.add.f32 [tilespmem:s19], [sflag:$0x4], $0x40, s31, s18, $0xb8;
	[tilespmem:$0x10680] =	vst v63  }
0x92: {  	_ =	swait.ge [sflag:s16], $0x1F40  }
0x93: {  	[sflag:s16] =	ssyncset.done $0x0  }
0x94: {  	s29 =	sadd.s32 $0x100, s28;
	[sflag:s16] =	ssyncadd.s32 $0xFFFFE0C0  }
0x95: {  	[tilespmem:s19], [sflag:$0x1] =	stream.indirect.gather [hbm4b:s1+s18], $0x40, s29, s18, $0xb8;
	[tilespmem:$0x10680] =	vst v63  }
0x96: {  	_ =	swait.ge [sflag:s22], $0x1F40  }
0x97: {  	[sflag:s22] =	ssyncset.done $0x0  }
0x98: {  	s30 =	sadd.s32 $0x1480, s28;
	[sflag:s22] =	ssyncadd.s32 $0xFFFFE0C0  }
0x99: {  	[spmem:s3] =	stream.indirect.scatter.add.f32 [tilespmem:s20], [sflag:$0x4], $0x40, s30, s18, $0xb8;
	[tilespmem:$0x10680] =	vst v63  }
0x9a: {  	_ =	swait.ge [sflag:s16], $0x1F40  }
0x9b: {  	[sflag:s16] =	ssyncset.done $0x0  }
0x9c: {  	[sflag:s16] =	ssyncadd.s32 $0xFFFFE0C0  }
0x9d: {  	[tilespmem:s20], [sflag:$0x2] =	stream.indirect.gather [hbm4b:s1+s18], $0x40, s23, s18, $0xb8;
	[tilespmem:$0x10680] =	vst v63  }
0x9e: {  	_ =	swait.ge [sflag:s21], $0x1F40  }
0x9f: {  	[sflag:s21] =	ssyncset.done $0x0  }
0xa0: {  	[sflag:s21] =	ssyncadd.s32 $0xFFFFE0C0  }
0xa1: {  	[spmem:s3] =	stream.indirect.scatter.add.f32 [tilespmem:s19], [sflag:$0x4], $0x40, s24, s18, $0xb8;
	[tilespmem:$0x10680] =	vst v63  }
0xa2: {  	_ =	swait.ge [sflag:s16], $0x1F40  }
0xa3: {  	[sflag:s16] =	ssyncset.done $0x0  }
0xa4: {  	[sflag:s16] =	ssyncadd.s32 $0xFFFFE0C0  }
0xa5: {  	_ =	swait.ge [sflag:s22], $0x1F40  }
0xa6: {  	[sflag:s22] =	ssyncset.done $0x0  }
0xa7: {  	[sflag:s22] =	ssyncadd.s32 $0xFFFFE0C0  }
0xa8: {  	[spmem:s3] =	stream.indirect.scatter.add.f32 [tilespmem:s20], [sflag:$0x4], $0x40, s25, s18, $0xb8;
	[tilespmem:$0x10680] =	vst v63  }
0xa9: {  	_ =	swait.ge [sflag:s16], $0x1F40  }
0xaa: {  	s26 =	sadd.s32 $0x1, s26;
	[sflag:s16] =	ssyncset.done $0x0  }
0xab: {  	p0 =	sne.s32 s26, s13;
	[sflag:s16] =	ssyncadd.s32 $0xFFFFE0C0  }
.Ltmp2:
0xac: {  	s31 =	sor.u32 $0x1C04, s6;
	[bflag:$0x0] =	sbarrier.arrive $0xFFFF;
	(pc) =	sbr.rel @p0 .LBB2_1-.Ltmp2, $4  }
0xad: {  	[hbm:s12], [sflag:s31] =	dma.local [spmem:s14], $0x1400  }
0xae: {  	_ =	swait.ge [sflag:s16], $0x1400  }
0xaf: {  	[sflag:s16] =	ssyncset.done $0x0  }
0xb0: {  	[sflag:s16] =	ssyncadd.s32 $0xFFFFEC00  }
0xb1: {  	_ =	sfence.sel $0x180000  }
0xb2: {  	[bflag:$0x0] =	sbarrier.arrive $0xFFFF  }
0xb3: {  	_ =	strace $0x90000050  }
0xb4: {  	[bflag:$0x2] =	sbarrier.arrive $0xFFFF  }
0xb5: {  	p0 =	sne.s32 s2, $0x0;
	s0 =	rddreg [dreg:$0x3]  }
0xb6: {  	s0 =	sadd.s32 @!p0 $0x100000, s0  }
0xb7: {  	[sflag:s0] =	ssyncadd.tile.s32 @!p0 $0x1;
	_ =	shalt  }
.Lfunc_end2:
_tile_overlayer_lowered:
.L_overlay_start_2:
0xb8: {  	(tag) =	ssettag $0x2  }
0xb9: {  	s0 =	rddreg [dreg:$0x0];
	s2 =	stileid.u32  }
0xba: {  	s1 =	rddreg [dreg:$0x1];
	p0 =	sne.s32 s2, $0x0  }
0xbb: {  	s3 =	rddreg [dreg:$0x2];
	[bflag:$0x3] =	sbarrier.arrive $0xFFFF;
	s2 =	simm.s32 @!p0 $0x1C04  }
0xbc: {  	[timem:s3], [sflag:s2] =	dma.local @!p0 [hbm:s0], s1  }
0xbd: {  	s0 =	simm.s32 @!p0 $0x4  }
0xbe: {  	_ =	swait.ge @!p0 [sflag:s0], s1  }
0xbf: {  	s1 =	ssub.s32 @!p0 $0x0, s1;
	[sflag:s0] =	ssyncset.done @!p0 $0x0  }
0xc0: {  	[sflag:s0] =	ssyncadd.s32 @!p0 s1  }
0xc1: {  	[bflag:$0x3] =	sbarrier.arrive $0xFFFF  }
0xc2: {  	_ =	shalt  }

// kernel: kernel.24.cloned.1.call-start
scs
__scs_entry_jumppad:
0x0: {  	(pc) =	sbr.rel $0x88, $3  }
0x1: {  	(tag) =	ssettag $0x0;
	lr =	simm.s32 $0x1  }
0x2: {  	[smem:$0x3F99] =	sst lr;
	_ =	strace $0xD0000000  }
0x3: {  	_ = 	snop  }
0x4: {  	_ = 	snop  }
0x5: {  	_ = 	snop  }
0x6: {  	_ = 	snop  }
0x7: {  	_ = 	snop  }
__scs_overlays_trampoline_lowered:
0x8: {  	[smem:$0x3FA8] =	sst s0  }
0x9: {  	[smem:$0x3FA9] =	sst s1  }
0xa: {  	[smem:$0x3FAA] =	sst s2  }
0xb: {  	[smem:$0x3FAB] =	sst s3  }
0xc: {  	[smem:$0x3FAC] =	sst s4  }
0xd: {  	[smem:$0x3FAD] =	sst s5  }
0xe: {  	[smem:$0x3FAE] =	sst s6  }
0xf: {  	[smem:$0x3FAF] =	sst s7  }
0x10: {  	[smem:$0x3FB0] =	sst s8  }
0x11: {  	[smem:$0x3FB1] =	sst s9;
	s0 =	simm.s32 @!p0 $0x0  }
0x12: {  	s1 =	sld [smem:$0x3F97];
	s0 =	simm.s32 @p0 $0x1  }
0x13: {  	[smem:$0x3FB2] =	sst s0;
	s0 =	simm.s32 @!p1 $0x0  }
0x14: {  	s2 =	sld [smem:$0x3F96];
	s0 =	simm.s32 @p1 $0x1  }
0x15: {  	[smem:$0x3FB3] =	sst s0;
	s0 =	simm.s32 @!p2 $0x0  }
0x16: {  	s3 =	sld [smem:$0x3FDB];
	s0 =	simm.s32 @p2 $0x1  }
0x17: {  	s4 =	simm.s32 $0x1BF5;
	[smem:$0x3FB5] =	sst s0  }
0x18: {  	s0 =	sld [smem:$0x3F98];
	_ =	swait.ge [sflag:s4], $0x0  }
0x19: {  	s7 =	sld [smem:$0x3F99]  }
0x1a: {  	s8 =	sadd.s32 $0xFFFFE003, lr  }
0x1b: {  	s9 =	sadd.s32 $0xFFFFFEF7, lr;
	s5 =	simm.s32 $0xFFFFFFFF;
	p2 =	slt.u32 s8, $0xFFFFF086  }
0x1c: {  	p1 =	slt.u32 s9, $0xF7A;
	s5 =	simm.s32 @!p2 $0x0  }
0x1d: {  	s5 =	simm.s32 @p1 $0x1;
	p0 =	seq.s32 s7, s2  }
0x1e: {  	s7 =	smul.u32 @!p0 $0xF7A, s2;
	p2 =	seq.s32 @!p0 s5, $0x0  }
0x1f: {  	s9 =	smul.u32 $0xF7A, s1;
	s8 =	simm.s32 @!p0 $0x1BF5;
	p2 =	por !p2, p0  }
0x20: {  	[sflag:s8] =	ssyncset.s32 @!p0 $0xFFFFF086;
	s6 =	sadd.s32 @!p0 s3, s7;
	s7 =	simm.s32 @!p0 $0x108  }
0x21: {  	s3 =	sadd.s32 s3, s9;
	s6 =	sadd.s32 @!p0 $0x88, s6;
	s7 =	simm.s32 @p2 $0x1082  }
0x22: {  	[simem:s7], [sflag:s8] =	dma.local @!p0 [hbm:s6], $0xF7A  }
0x23: {  	s9 =	sor.u32 $0xD0000000, s2;
	s6 =	simm.s32 $0x108;
	_ =	swait.ge @!p0 [sflag:s8], $0x0  }
0x24: {  	s3 =	sadd.s32 $0x88, s3;
	s6 =	simm.s32 @!p1 $0x1082;
	[sflag:s4] =	ssyncset.s32 $0xFFFFF086  }
0x25: {  	[simem:s6], [sflag:s4] =	dma.local [hbm:s3], $0xF7A  }
0x26: {  	[smem:$0x3F99] =	sst s1;
	(tag) =	ssettag s2;
	_ =	strace s9  }
0x27: {  	s1 =	sld [smem:$0x3FA9]  }
0x28: {  	s2 =	sld [smem:$0x3FAA]  }
0x29: {  	s4 =	sld [smem:$0x3FAC]  }
0x2a: {  	p0 =	seq.s32 s5, $0x0;
	s5 =	sld [smem:$0x3FAD]  }
0x2b: {  	s6 =	sld [smem:$0x3FAE]  }
0x2c: {  	s7 =	sld [smem:$0x3FAF]  }
0x2d: {  	s3 =	simm.s32 $0x108;
	s8 =	sld [smem:$0x3FB0]  }
0x2e: {  	s3 =	simm.s32 @!p0 $0x1082;
	s9 =	sld [smem:$0x3FB1]  }
0x2f: {  	lr =	sadd.s32 s0, s3;
	s0 =	sld [smem:$0x3FA8]  }
0x30: {  	s3 =	sld [smem:$0x3FAB]  }
0x31: {  	[smem:$0x3FB4] =	sst s10  }
0x32: {  	s10 =	sld [smem:$0x3FB2];
	_ =	sdelay $0x3  }
0x33: {  	p0 =	seq.s32 s10, $0x1;
	s10 =	sld [smem:$0x3FB4];
	_ =	sdelay $0x3  }
0x34: {  	[smem:$0x3FB4] =	sst s10  }
0x35: {  	s10 =	sld [smem:$0x3FB3];
	_ =	sdelay $0x3  }
0x36: {  	p1 =	seq.s32 s10, $0x1;
	s10 =	sld [smem:$0x3FB4];
	_ =	sdelay $0x3  }
0x37: {  	[smem:$0x3FB4] =	sst s10  }
0x38: {  	s10 =	sld [smem:$0x3FB5]  }
0x39: {  	_ = 	snop;
	(pc) =	sbr.ind lr, $3  }
0x3a: {  	_ = 	snop  }
0x3b: {  	_ = 	snop  }
0x3c: {  	p2 =	seq.s32 s10, $0x1;
	s10 =	sld [smem:$0x3FB4]  }
0x3d: {  	_ =	shalt  }
0x3e: {  	_ =	shalt  }
0x3f: {  	_ =	shalt  }
0x40: {  	_ =	shalt  }
0x41: {  	_ =	shalt  }
0x42: {  	_ =	shalt  }
0x43: {  	_ =	shalt  }
0x44: {  	_ =	shalt  }
0x45: {  	_ =	shalt  }
0x46: {  	_ =	shalt  }
0x47: {  	_ =	shalt  }
0x48: {  	_ =	shalt  }
0x49: {  	_ =	shalt  }
0x4a: {  	_ =	shalt  }
0x4b: {  	_ =	shalt  }
0x4c: {  	_ =	shalt  }
0x4d: {  	_ =	shalt  }
0x4e: {  	_ =	shalt  }
0x4f: {  	_ =	shalt  }
0x50: {  	_ =	shalt  }
0x51: {  	_ =	shalt  }
0x52: {  	_ =	shalt  }
0x53: {  	_ =	shalt  }
0x54: {  	_ =	shalt  }
0x55: {  	_ =	shalt  }
0x56: {  	_ =	shalt  }
0x57: {  	_ =	shalt  }
0x58: {  	_ =	shalt  }
0x59: {  	_ =	shalt  }
0x5a: {  	_ =	shalt  }
0x5b: {  	_ =	shalt  }
0x5c: {  	_ =	shalt  }
0x5d: {  	_ =	shalt  }
0x5e: {  	_ =	shalt  }
0x5f: {  	_ =	shalt  }
0x60: {  	_ =	shalt  }
0x61: {  	_ =	shalt  }
0x62: {  	_ =	shalt  }
0x63: {  	_ =	shalt  }
0x64: {  	_ =	shalt  }
0x65: {  	_ =	shalt  }
0x66: {  	_ =	shalt  }
0x67: {  	_ =	shalt  }
0x68: {  	_ =	shalt  }
0x69: {  	_ =	shalt  }
0x6a: {  	_ =	shalt  }
0x6b: {  	_ =	shalt  }
0x6c: {  	_ =	shalt  }
0x6d: {  	_ =	shalt  }
0x6e: {  	_ =	shalt  }
0x6f: {  	_ =	shalt  }
0x70: {  	_ =	shalt  }
0x71: {  	_ =	shalt  }
0x72: {  	_ =	shalt  }
0x73: {  	_ =	shalt  }
0x74: {  	_ =	shalt  }
0x75: {  	_ =	shalt  }
0x76: {  	_ =	shalt  }
0x77: {  	_ =	shalt  }
0x78: {  	_ =	shalt  }
0x79: {  	_ =	shalt  }
0x7a: {  	_ =	shalt  }
0x7b: {  	_ =	shalt  }
0x7c: {  	_ =	shalt  }
0x7d: {  	_ =	shalt  }
0x7e: {  	_ =	shalt  }
0x7f: {  	_ =	shalt  }
0x80: {  	_ =	shalt  }
0x81: {  	_ =	shalt  }
0x82: {  	_ =	shalt  }
0x83: {  	_ =	shalt  }
0x84: {  	_ =	shalt  }
0x85: {  	_ =	shalt  }
0x86: {  	_ =	shalt  }
0x87: {  	_ =	shalt  }
.Lfunc_end0:
.L_simem_size_0:
called_computation.4_lowered:
.L_overlay_start_0:
0x88: {  	s2 =	sld [smem:$0x3FD9]  }
0x89: {  	s3 =	sld [smem:$0x3FFE];
	_ =	sdelay $0x1  }
0x8a: {  	s1 =	srdreg.scid  }
0x8b: {  	s0 =	sand.u32 $0x1, s1  }
0x8c: {  	s16 =	sshll.u32 s0, $0xA;
	s2 =	sadd.s32 s3, s2  }
0x8d: {  	s2 =	sadd.s32 s2, s16  }
0x8e: {  	[smem:$0x3FC0] =	sst s2  }
0x8f: {  	_ = 	snop  }
0x90: {  	(tm) =	ssettm $0x1  }
0x91: {  	s17 =	sld [smem:$0x3FFB];
	_ =	sdelay $0x3  }
0x92: {  	_ =	strace s17  }
0x93: {  	s2 =	sld [smem:$0x3FFC];
	_ =	sdelay $0x3  }
0x94: {  	_ =	strace s2  }
0x95: {  	s2 =	sld [smem:$0x3FFD];
	_ =	sdelay $0x3  }
0x96: {  	_ =	strace s2  }
0x97: {  	_ =	strace $0x8FFFFFFF  }
0x98: {  	s18 =	sld [smem:$0x3FDB];
	_ =	sdelay $0x1  }
0x99: {  	s19 =	simm.s32 $_scs_section_size  }
0x9a: {  	s4 =	simm.s32 $_size__tile_overlayer_lowered;
	s5 =	simm.s32 $_tile_overlayer_lowered  }
0x9b: {  	s22 =	simm.s32 $0x1BFF;
	s21 =	sshll.u32 s5, $0x1;
	s2 =	sadd.s32 s19, s18  }
0x9c: {  	s6 =	simm.s32 $0x0;
	s20 =	sshll.u32 s4, $0x1;
	s4 =	sadd.s32 s21, s2  }
0x9d: {  	[timem:s6], [sflag:s22] =	dma.local [hbm:s4], s20  }
0x9e: {  	_ =	swait.ge [sflag:s22], s20  }
0x9f: {  	s3 =	ssub.s32 $0x0, s20;
	[sflag:s22] =	ssyncset.done $0x0  }
0xa0: {  	[sflag:s22] =	ssyncadd.s32 s3;
	_ =	sdelay $0x1  }
0xa1: {  	s23 =	simm.s32 $0x1B8B  }
0xa2: {  	_ =	swait.ge [sflag:s23], $0x1  }
0xa3: {  	[sflag:s23] =	ssyncset.done $0x0  }
0xa4: {  	s25 =	simm.s32 $0x1B8E;
	s24 =	sld [smem:$0x3FFE];
	[sflag:s23] =	ssyncadd.s32 $0xFFFFFFFF  }
0xa5: {  	s26 =	simm.s32 $execute0_lowered;
	[smem:$0x3FD2] =	sst s25  }
0xa6: {  	s4 =	sshll.u32 s26, $0x1;
	_ =	strace $0x80000052;
	[dreg:$0x1] =	wrdreg $0xFFFFFFFF  }
0xa7: {  	s28 =	simm.s32 $_size_execute0_lowered;
	s2 =	sadd.s32 s2, s4;
	[dreg:$0x0] =	wrdreg $0x0  }
0xa8: {  	s4 =	sshll.u32 s28, $0x1;
	[dreg:$0x2] =	wrdreg s2  }
0xa9: {  	[dreg:$0x3] =	wrdreg s4  }
0xaa: {  	[dreg:$0x4] =	wrdreg $0xC0  }
0xab: {  	_ =	task [dreg:s6], $0x5FFFF  }
0xac: {  	[dreg:$0x1] =	wrdreg $0xFFFFFFFF  }
0xad: {  	[dreg:$0x0] =	wrdreg $0x60  }
0xae: {  	[dreg:$0x2] =	wrdreg s24  }
0xaf: {  	[dreg:$0x3] =	wrdreg $0x66800  }
0xb0: {  	[dreg:$0x4] =	wrdreg $0x9  }
0xb1: {  	_ =	task.clear_ibuf [dreg:s6], $0x5FFFF;
	_ =	strace $0x90000052  }
0xb2: {  	s29 =	simm.s32 $0x9;
	_ =	strace $0x80000054  }
0xb3: {  	_ =	swait.ge [sflag:s29], $0x1  }
0xb4: {  	[sflag:s29] =	ssyncadd.s32 $0xFFFFFFFF  }
0xb5: {  	_ =	strace $0x90000054  }
0xb6: {  	_ =	sfence  }
0xb7: {  	s30 =	sld [smem:$0x0];
	_ =	sdelay $0x2  }
0xb8: {  	s31 =	sshll.u32 s1, $0xD;
	s1 =	sshrl.u32 s1, $0x2  }
0xb9: {  	s3 =	sand.u32 $0x4000, s31;
	s1 =	sadd.s32 s1, s30  }
0xba: {  	s0 =	sor.u32 s3, s0;
	s1 =	sshll.u32 s1, $0x11  }
0xbb: {  	s0 =	sor.u32 s1, s0  }
0xbc: {  	s0 =	sadd.s32 $0x8F2B, s0  }
0xbd: {  	[sflag:s0] =	ssyncadd.remote.s32 $0x1  }
0xbe: {  	_ =	sfence.sel $0xFFFF  }
0xbf: {  	[dreg:$0x0] =	wrdreg $0xFFFFFFFF;
	(pc) =	sbr.abs _section_cstart, $3  }
0xc0: {  	[dreg:$0x1] =	wrdreg $0xFFFFFFFF  }
0xc1: {  	_ =	task.clear_ibuf [dreg:s6], $0x2FFFF;
	_ =	strace $0x9FFFFFFF  }
0xc2: {  	(tm) =	ssettm $0x7FFFFFFF  }
0xc3: {  	_ =	shalt  }
tec
execute0_lowered:
.L_overlay_start_1:
0x0: {  	(tag) =	ssettag $0x1  }
0x1: {  	s5 =	rddreg [dreg:$0x0]  }
0x2: {  	s2 =	rddreg [dreg:$0x1]  }
0x3: {  	s3 =	simm.s32 $0x0;
	s1 =	stileid.u32;
	s4 =	srdreg.scid  }
0x4: {  	s17 =	simm.s32 $0x1400;
	s18 =	simm.s32 $0x7D;
	s19 =	simm.s32 $0x2800  }
0x5: {  	s20 =	simm.s32 $0x4740;
	s21 =	simm.s32 $0x1;
	s22 =	simm.s32 $0x2  }
0x6: {  	s23 =	simm.s32 $0x1380;
	s24 =	simm.s32 $0x2700;
	s25 =	simm.s32 $0x2780  }
0x7: {  	s26 =	simm.s32 $0x0;
	[smem:$0x7FF] =	sst s3;
	s6 =	smul.u32 $0xA000, s1  }
0x8: {  	s7 =	sand.u32 $0x1, s4;
	s4 =	sadd.s32 $0x100000, s5;
	s10 =	sadd.s32 $0x3600, s5  }
0x9: {  	s11 =	sadd.s32 $0xD600, s5;
	_ =	strace $0x80000053;
	s8 =	smul.u32 $0xA0000, s7  }
0xa: {  	s12 =	sshll.u32 s7, $0x4;
	s7 =	ssub.s32 $0x2, s7;
	s9 =	sshrl.u32 s6, $0x3  }
0xb: {  	s12 =	sor.u32 s1, s12;
	s29 =	sshrl.u32 s7, $0x1;
	s15 =	sadd.s32 s6, s2  }
0xc: {  	s9 =	sadd.s32 s9, s5;
	s8 =	sadd.s32 s6, s8;
	s30 =	smul.u32 $0x2800, s12  }
0xd: {  	s12 =	smul.u32 $0x500, s12;
	s6 =	sshll.u32 s1, $0x6;
	s8 =	sshrl.u32 s8, $0x3  }
0xe: {  	s14 =	ssub.s32 s7, s29;
	s7 =	sor.u32 $0x1C03, s6;
	s13 =	sadd.s32 s8, s5  }
0xf: {  	s5 =	sadd.s32 $0xEC000, s9;
	s31 =	sshrl.u32 s30, $0x3;
	s8 =	sadd.s32 s10, s12  }
0x10: {  	s9 =	sadd.s32 s11, s12;
	s16 =	sadd.s32 $0x280, s31;
	s12 =	sadd.s32 $0x114000, s13  }
0x11: {  	s13 =	smax.u32 s14, $0x1;
	s14 =	sshrl.u32 s15, $0x3;
	s15 =	simm.s32 $0x3  }
0x12: {  	s10 =	sadd.s32 s10, s16;
	s11 =	sadd.s32 s11, s16;
	s16 =	simm.s32 $0x4  }
.LBB2_1:
0x13: {  	[spmem:s14], [sflag:s7] =	dma.local [hbm:s5], $0x1400  }
0x14: {  	_ =	swait.ge [sflag:s15], $0x1400  }
0x15: {  	[sflag:s15] =	ssyncset.done $0x0  }
0x16: {  	[sflag:s15] =	ssyncadd.s32 $0xFFFFEC00  }
0x17: {  	[bflag:$0x0] =	sbarrier.arrive $0xFFFF  }
0x18: {  	[tilespmem:s3], [sflag:$0x4] =	stream.linear.gather [hbm4b:s8+s3], $0x1400, $0x38;
	[tilespmem:$0x10680] =	vst v63  }
0x19: {  	_ =	swait.ge [sflag:s16], $0x1400  }
0x1a: {  	[sflag:s16] =	ssyncset.done $0x0  }
0x1b: {  	[sflag:s16] =	ssyncadd.s32 $0xFFFFEC00  }
0x1c: {  	[tilespmem:s17], [sflag:$0x4] =	stream.linear.gather [hbm4b:s9+s3], $0x1400, $0x38;
	[tilespmem:$0x10680] =	vst v63  }
0x1d: {  	_ =	swait.ge [sflag:s16], $0x1400  }
0x1e: {  	[sflag:s16] =	ssyncset.done $0x0  }
0x1f: {  	[sflag:s16] =	ssyncadd.s32 $0xFFFFEC00  }
0x20: {  	[tilespmem:s19], [sflag:$0x1] =	stream.indirect.gather [hbm4b:s4+s18], $0x40, s3, s18, $0xb8;
	[tilespmem:$0x10680] =	vst v63  }
0x21: {  	s28 =	simm.s32 $0x80  }
0x22: {  	[tilespmem:s20], [sflag:$0x2] =	stream.indirect.gather [hbm4b:s4+s18], $0x40, s28, s18, $0xb8;
	[tilespmem:$0x10680] =	vst v63  }
0x23: {  	_ =	swait.ge [sflag:s21], $0x1F40  }
0x24: {  	[sflag:s21] =	ssyncset.done $0x0  }
0x25: {  	s28 =	simm.s32 $0x1400;
	[sflag:s21] =	ssyncadd.s32 $0xFFFFE0C0  }
0x26: {  	[spmem:s2] =	stream.indirect.scatter.add.f32 [tilespmem:s19], [sflag:$0x4], $0x40, s28, s18, $0xb8;
	[tilespmem:$0x10680] =	vst v63  }
0x27: {  	_ =	swait.ge [sflag:s16], $0x1F40  }
0x28: {  	[sflag:s16] =	ssyncset.done $0x0  }
0x29: {  	s28 =	simm.s32 $0x100;
	[sflag:s16] =	ssyncadd.s32 $0xFFFFE0C0  }
0x2a: {  	[tilespmem:s19], [sflag:$0x1] =	stream.indirect.gather [hbm4b:s4+s18], $0x40, s28, s18, $0xb8;
	[tilespmem:$0x10680] =	vst v63  }
0x2b: {  	_ =	swait.ge [sflag:s22], $0x1F40  }
0x2c: {  	[sflag:s22] =	ssyncset.done $0x0  }
0x2d: {  	s28 =	simm.s32 $0x1480;
	[sflag:s22] =	ssyncadd.s32 $0xFFFFE0C0  }
0x2e: {  	[spmem:s2] =	stream.indirect.scatter.add.f32 [tilespmem:s20], [sflag:$0x4], $0x40, s28, s18, $0xb8;
	[tilespmem:$0x10680] =	vst v63  }
0x2f: {  	_ =	swait.ge [sflag:s16], $0x1F40  }
0x30: {  	s29 =	simm.s32 $0x800;
	s28 =	simm.s32 $0x100;
	[sflag:s16] =	ssyncset.done $0x0  }
.LBB2_2:
0x31: {  	s30 =	sadd.s32 $0x80, s28  }
0x32: {  	[sflag:s16] =	ssyncadd.s32 $0xFFFFE0C0;
	s31 =	smov.u32 s29;
	s0 =	sadd.s32 $0x400, s29  }
0x33: {  	[tilespmem:s20], [sflag:$0x2] =	stream.indirect.gather [hbm4b:s4+s18], $0x40, s30, s18, $0xb8;
	[tilespmem:$0x10680] =	vst v63  }
0x34: {  	p0 =	sne.s32 s29, $0x4800;
	_ =	swait.ge [sflag:s21], $0x1F40  }
0x35: {  	[sflag:s21] =	ssyncset.done $0x0  }
0x36: {  	s29 =	sadd.s32 $0x1400, s28;
	[sflag:s21] =	ssyncadd.s32 $0xFFFFE0C0  }
0x37: {  	[spmem:s2] =	stream.indirect.scatter.add.f32 [tilespmem:s19], [sflag:$0x4], $0x40, s29, s18, $0xb8;
	[tilespmem:$0x10680] =	vst v63  }
0x38: {  	_ =	swait.ge [sflag:s16], $0x1F40  }
0x39: {  	[sflag:s16] =	ssyncset.done $0x0  }
0x3a: {  	s29 =	sadd.s32 $0x100, s28;
	[sflag:s16] =	ssyncadd.s32 $0xFFFFE0C0  }
0x3b: {  	[tilespmem:s19], [sflag:$0x1] =	stream.indirect.gather [hbm4b:s4+s18], $0x40, s29, s18, $0xb8;
	[tilespmem:$0x10680] =	vst v63  }
0x3c: {  	_ =	swait.ge [sflag:s22], $0x1F40  }
.Ltmp0:
0x3d: {  	[sflag:s22] =	ssyncset.done $0x0;
	(pc) =	sbr.rel @p0 .LBB2_2-.Ltmp0, $4  }
0x3e: {  	s28 =	sadd.s32 $0x1480, s28;
	[sflag:s22] =	ssyncadd.s32 $0xFFFFE0C0  }
0x3f: {  	[spmem:s2] =	stream.indirect.scatter.add.f32 [tilespmem:s20], [sflag:$0x4], $0x40, s28, s18, $0xb8;
	[tilespmem:$0x10680] =	vst v63  }
0x40: {  	_ =	swait.ge [sflag:s16], $0x1F40  }
0x41: {  	s29 =	smov.u32 s0;
	s28 =	sshra.s32 s31, $0x2;
	[sflag:s16] =	ssyncset.done $0x0  }
0x42: {  	s0 =	sadd.s32 $0x80, s28;
	[sflag:s16] =	ssyncadd.s32 $0xFFFFE0C0  }
0x43: {  	[tilespmem:s20], [sflag:$0x2] =	stream.indirect.gather [hbm4b:s4+s18], $0x40, s0, s18, $0xb8;
	[tilespmem:$0x10680] =	vst v63  }
0x44: {  	_ =	swait.ge [sflag:s21], $0x1F40  }
0x45: {  	[sflag:s21] =	ssyncset.done $0x0  }
0x46: {  	s30 =	sadd.s32 $0x1400, s28;
	[sflag:s21] =	ssyncadd.s32 $0xFFFFE0C0  }
0x47: {  	[spmem:s2] =	stream.indirect.scatter.add.f32 [tilespmem:s19], [sflag:$0x4], $0x40, s30, s18, $0xb8;
	[tilespmem:$0x10680] =	vst v63  }
0x48: {  	_ =	swait.ge [sflag:s16], $0x1F40  }
0x49: {  	[sflag:s16] =	ssyncset.done $0x0  }
0x4a: {  	s31 =	sadd.s32 $0x100, s28;
	[sflag:s16] =	ssyncadd.s32 $0xFFFFE0C0  }
0x4b: {  	[tilespmem:s19], [sflag:$0x1] =	stream.indirect.gather [hbm4b:s4+s18], $0x40, s31, s18, $0xb8;
	[tilespmem:$0x10680] =	vst v63  }
0x4c: {  	_ =	swait.ge [sflag:s22], $0x1F40  }
0x4d: {  	[sflag:s22] =	ssyncset.done $0x0  }
0x4e: {  	s30 =	sadd.s32 $0x1480, s28;
	[sflag:s22] =	ssyncadd.s32 $0xFFFFE0C0  }
0x4f: {  	[spmem:s2] =	stream.indirect.scatter.add.f32 [tilespmem:s20], [sflag:$0x4], $0x40, s30, s18, $0xb8;
	[tilespmem:$0x10680] =	vst v63  }
0x50: {  	_ =	swait.ge [sflag:s16], $0x1F40  }
0x51: {  	[sflag:s16] =	ssyncset.done $0x0  }
0x52: {  	[sflag:s16] =	ssyncadd.s32 $0xFFFFE0C0  }
0x53: {  	[tilespmem:s20], [sflag:$0x2] =	stream.indirect.gather [hbm4b:s4+s18], $0x40, s23, s18, $0xb8;
	[tilespmem:$0x10680] =	vst v63  }
0x54: {  	_ =	swait.ge [sflag:s21], $0x1F40  }
0x55: {  	[sflag:s21] =	ssyncset.done $0x0  }
0x56: {  	[sflag:s21] =	ssyncadd.s32 $0xFFFFE0C0  }
0x57: {  	[spmem:s2] =	stream.indirect.scatter.add.f32 [tilespmem:s19], [sflag:$0x4], $0x40, s24, s18, $0xb8;
	[tilespmem:$0x10680] =	vst v63  }
0x58: {  	_ =	swait.ge [sflag:s16], $0x1F40  }
0x59: {  	[sflag:s16] =	ssyncset.done $0x0  }
0x5a: {  	[sflag:s16] =	ssyncadd.s32 $0xFFFFE0C0  }
0x5b: {  	_ =	swait.ge [sflag:s22], $0x1F40  }
0x5c: {  	[sflag:s22] =	ssyncset.done $0x0  }
0x5d: {  	[sflag:s22] =	ssyncadd.s32 $0xFFFFE0C0  }
0x5e: {  	[spmem:s2] =	stream.indirect.scatter.add.f32 [tilespmem:s20], [sflag:$0x4], $0x40, s25, s18, $0xb8;
	[tilespmem:$0x10680] =	vst v63  }
0x5f: {  	_ =	swait.ge [sflag:s16], $0x1F40  }
0x60: {  	[sflag:s16] =	ssyncset.done $0x0  }
0x61: {  	s31 =	simm.s32 $0x0;
	[sflag:s16] =	ssyncadd.s32 $0xFFFFE0C0  }
0x62: {  	[tilespmem:s31], [sflag:$0x4] =	stream.linear.gather [hbm4b:s10+s31], $0x1400, $0x38;
	[tilespmem:$0x10680] =	vst v63  }
0x63: {  	_ =	swait.ge [sflag:s16], $0x1400  }
0x64: {  	[sflag:s16] =	ssyncset.done $0x0  }
0x65: {  	[sflag:s16] =	ssyncadd.s32 $0xFFFFEC00  }
0x66: {  	[tilespmem:s17], [sflag:$0x4] =	stream.linear.gather [hbm4b:s11+s31], $0x1400, $0x38;
	[tilespmem:$0x10680] =	vst v63  }
0x67: {  	_ =	swait.ge [sflag:s16], $0x1400  }
0x68: {  	[sflag:s16] =	ssyncset.done $0x0  }
0x69: {  	[sflag:s16] =	ssyncadd.s32 $0xFFFFEC00  }
0x6a: {  	[tilespmem:s19], [sflag:$0x1] =	stream.indirect.gather [hbm4b:s4+s18], $0x40, s31, s18, $0xb8;
	[tilespmem:$0x10680] =	vst v63  }
0x6b: {  	s30 =	simm.s32 $0x80  }
0x6c: {  	[tilespmem:s20], [sflag:$0x2] =	stream.indirect.gather [hbm4b:s4+s18], $0x40, s30, s18, $0xb8;
	[tilespmem:$0x10680] =	vst v63  }
0x6d: {  	_ =	swait.ge [sflag:s21], $0x1F40  }
0x6e: {  	[sflag:s21] =	ssyncset.done $0x0  }
0x6f: {  	s31 =	simm.s32 $0x1400;
	[sflag:s21] =	ssyncadd.s32 $0xFFFFE0C0  }
0x70: {  	[spmem:s2] =	stream.indirect.scatter.add.f32 [tilespmem:s19], [sflag:$0x4], $0x40, s31, s18, $0xb8;
	[tilespmem:$0x10680] =	vst v63  }
0x71: {  	_ =	swait.ge [sflag:s16], $0x1F40  }
0x72: {  	[sflag:s16] =	ssyncset.done $0x0  }
0x73: {  	s30 =	simm.s32 $0x100;
	[sflag:s16] =	ssyncadd.s32 $0xFFFFE0C0  }
0x74: {  	[tilespmem:s19], [sflag:$0x1] =	stream.indirect.gather [hbm4b:s4+s18], $0x40, s30, s18, $0xb8;
	[tilespmem:$0x10680] =	vst v63  }
0x75: {  	_ =	swait.ge [sflag:s22], $0x1F40  }
0x76: {  	[sflag:s22] =	ssyncset.done $0x0  }
0x77: {  	s31 =	simm.s32 $0x1480;
	[sflag:s22] =	ssyncadd.s32 $0xFFFFE0C0  }
0x78: {  	[spmem:s2] =	stream.indirect.scatter.add.f32 [tilespmem:s20], [sflag:$0x4], $0x40, s31, s18, $0xb8;
	[tilespmem:$0x10680] =	vst v63  }
0x79: {  	_ =	swait.ge [sflag:s16], $0x1F40  }
0x7a: {  	s29 =	simm.s32 $0x800;
	s28 =	simm.s32 $0x100;
	[sflag:s16] =	ssyncset.done $0x0  }
.LBB2_4:
0x7b: {  	s0 =	sadd.s32 $0x80, s28  }
0x7c: {  	[sflag:s16] =	ssyncadd.s32 $0xFFFFE0C0;
	s30 =	smov.u32 s29;
	s31 =	sadd.s32 $0x400, s29  }
0x7d: {  	[tilespmem:s20], [sflag:$0x2] =	stream.indirect.gather [hbm4b:s4+s18], $0x40, s0, s18, $0xb8;
	[tilespmem:$0x10680] =	vst v63  }
0x7e: {  	p0 =	sne.s32 s29, $0x4800;
	_ =	swait.ge [sflag:s21], $0x1F40  }
0x7f: {  	[sflag:s21] =	ssyncset.done $0x0  }
0x80: {  	s0 =	sadd.s32 $0x1400, s28;
	[sflag:s21] =	ssyncadd.s32 $0xFFFFE0C0  }
0x81: {  	[spmem:s2] =	stream.indirect.scatter.add.f32 [tilespmem:s19], [sflag:$0x4], $0x40, s0, s18, $0xb8;
	[tilespmem:$0x10680] =	vst v63  }
0x82: {  	_ =	swait.ge [sflag:s16], $0x1F40  }
0x83: {  	[sflag:s16] =	ssyncset.done $0x0  }
0x84: {  	s0 =	sadd.s32 $0x100, s28;
	[sflag:s16] =	ssyncadd.s32 $0xFFFFE0C0  }
0x85: {  	[tilespmem:s19], [sflag:$0x1] =	stream.indirect.gather [hbm4b:s4+s18], $0x40, s0, s18, $0xb8;
	[tilespmem:$0x10680] =	vst v63  }
0x86: {  	_ =	swait.ge [sflag:s22], $0x1F40  }
.Ltmp1:
0x87: {  	[sflag:s22] =	ssyncset.done $0x0;
	(pc) =	sbr.rel @p0 .LBB2_4-.Ltmp1, $4  }
0x88: {  	s0 =	sadd.s32 $0x1480, s28;
	[sflag:s22] =	ssyncadd.s32 $0xFFFFE0C0  }
0x89: {  	[spmem:s2] =	stream.indirect.scatter.add.f32 [tilespmem:s20], [sflag:$0x4], $0x40, s0, s18, $0xb8;
	[tilespmem:$0x10680] =	vst v63  }
0x8a: {  	_ =	swait.ge [sflag:s16], $0x1F40  }
0x8b: {  	s29 =	smov.u32 s31;
	s28 =	sshra.s32 s30, $0x2;
	[sflag:s16] =	ssyncset.done $0x0  }
0x8c: {  	s0 =	sadd.s32 $0x80, s28;
	[sflag:s16] =	ssyncadd.s32 $0xFFFFE0C0  }
0x8d: {  	[tilespmem:s20], [sflag:$0x2] =	stream.indirect.gather [hbm4b:s4+s18], $0x40, s0, s18, $0xb8;
	[tilespmem:$0x10680] =	vst v63  }
0x8e: {  	_ =	swait.ge [sflag:s21], $0x1F40  }
0x8f: {  	[sflag:s21] =	ssyncset.done $0x0  }
0x90: {  	s31 =	sadd.s32 $0x1400, s28;
	[sflag:s21] =	ssyncadd.s32 $0xFFFFE0C0  }
0x91: {  	[spmem:s2] =	stream.indirect.scatter.add.f32 [tilespmem:s19], [sflag:$0x4], $0x40, s31, s18, $0xb8;
	[tilespmem:$0x10680] =	vst v63  }
0x92: {  	_ =	swait.ge [sflag:s16], $0x1F40  }
0x93: {  	[sflag:s16] =	ssyncset.done $0x0  }
0x94: {  	s29 =	sadd.s32 $0x100, s28;
	[sflag:s16] =	ssyncadd.s32 $0xFFFFE0C0  }
0x95: {  	[tilespmem:s19], [sflag:$0x1] =	stream.indirect.gather [hbm4b:s4+s18], $0x40, s29, s18, $0xb8;
	[tilespmem:$0x10680] =	vst v63  }
0x96: {  	_ =	swait.ge [sflag:s22], $0x1F40  }
0x97: {  	[sflag:s22] =	ssyncset.done $0x0  }
0x98: {  	s30 =	sadd.s32 $0x1480, s28;
	[sflag:s22] =	ssyncadd.s32 $0xFFFFE0C0  }
0x99: {  	[spmem:s2] =	stream.indirect.scatter.add.f32 [tilespmem:s20], [sflag:$0x4], $0x40, s30, s18, $0xb8;
	[tilespmem:$0x10680] =	vst v63  }
0x9a: {  	_ =	swait.ge [sflag:s16], $0x1F40  }
0x9b: {  	[sflag:s16] =	ssyncset.done $0x0  }
0x9c: {  	[sflag:s16] =	ssyncadd.s32 $0xFFFFE0C0  }
0x9d: {  	[tilespmem:s20], [sflag:$0x2] =	stream.indirect.gather [hbm4b:s4+s18], $0x40, s23, s18, $0xb8;
	[tilespmem:$0x10680] =	vst v63  }
0x9e: {  	_ =	swait.ge [sflag:s21], $0x1F40  }
0x9f: {  	[sflag:s21] =	ssyncset.done $0x0  }
0xa0: {  	[sflag:s21] =	ssyncadd.s32 $0xFFFFE0C0  }
0xa1: {  	[spmem:s2] =	stream.indirect.scatter.add.f32 [tilespmem:s19], [sflag:$0x4], $0x40, s24, s18, $0xb8;
	[tilespmem:$0x10680] =	vst v63  }
0xa2: {  	_ =	swait.ge [sflag:s16], $0x1F40  }
0xa3: {  	[sflag:s16] =	ssyncset.done $0x0  }
0xa4: {  	[sflag:s16] =	ssyncadd.s32 $0xFFFFE0C0  }
0xa5: {  	_ =	swait.ge [sflag:s22], $0x1F40  }
0xa6: {  	[sflag:s22] =	ssyncset.done $0x0  }
0xa7: {  	[sflag:s22] =	ssyncadd.s32 $0xFFFFE0C0  }
0xa8: {  	[spmem:s2] =	stream.indirect.scatter.add.f32 [tilespmem:s20], [sflag:$0x4], $0x40, s25, s18, $0xb8;
	[tilespmem:$0x10680] =	vst v63  }
0xa9: {  	_ =	swait.ge [sflag:s16], $0x1F40  }
0xaa: {  	s26 =	sadd.s32 $0x1, s26;
	[sflag:s16] =	ssyncset.done $0x0  }
0xab: {  	p0 =	sne.s32 s26, s13;
	[sflag:s16] =	ssyncadd.s32 $0xFFFFE0C0  }
.Ltmp2:
0xac: {  	s31 =	sor.u32 $0x1C04, s6;
	[bflag:$0x0] =	sbarrier.arrive $0xFFFF;
	(pc) =	sbr.rel @p0 .LBB2_1-.Ltmp2, $4  }
0xad: {  	[hbm:s12], [sflag:s31] =	dma.local [spmem:s14], $0x1400  }
0xae: {  	_ =	swait.ge [sflag:s16], $0x1400  }
0xaf: {  	[sflag:s16] =	ssyncset.done $0x0  }
0xb0: {  	[sflag:s16] =	ssyncadd.s32 $0xFFFFEC00  }
0xb1: {  	_ =	sfence.sel $0x180000  }
0xb2: {  	[bflag:$0x0] =	sbarrier.arrive $0xFFFF  }
0xb3: {  	_ =	strace $0x90000053  }
0xb4: {  	[bflag:$0x2] =	sbarrier.arrive $0xFFFF  }
0xb5: {  	p0 =	sne.s32 s1, $0x0;
	s0 =	rddreg [dreg:$0x2]  }
0xb6: {  	s0 =	sadd.s32 @!p0 $0x100000, s0  }
0xb7: {  	[sflag:s0] =	ssyncadd.tile.s32 @!p0 $0x1;
	_ =	shalt  }
.Lfunc_end2:
_tile_overlayer_lowered:
.L_overlay_start_2:
0xb8: {  	(tag) =	ssettag $0x2  }
0xb9: {  	s0 =	rddreg [dreg:$0x0];
	s2 =	stileid.u32  }
0xba: {  	s1 =	rddreg [dreg:$0x1];
	p0 =	sne.s32 s2, $0x0  }
0xbb: {  	s3 =	rddreg [dreg:$0x2];
	[bflag:$0x3] =	sbarrier.arrive $0xFFFF;
	s2 =	simm.s32 @!p0 $0x1C04  }
0xbc: {  	[timem:s3], [sflag:s2] =	dma.local @!p0 [hbm:s0], s1  }
0xbd: {  	s0 =	simm.s32 @!p0 $0x4  }
0xbe: {  	_ =	swait.ge @!p0 [sflag:s0], s1  }
0xbf: {  	s1 =	ssub.s32 @!p0 $0x0, s1;
	[sflag:s0] =	ssyncset.done @!p0 $0x0  }
0xc0: {  	[sflag:s0] =	ssyncadd.s32 @!p0 s1  }
0xc1: {  	[bflag:$0x3] =	sbarrier.arrive $0xFFFF  }
0xc2: {  	_ =	shalt  }

</sc_bundles>
